<compile_context>
chip_gen: v7x
topology: tpu7x:2x2x1
jax: 0.10.2.dev20260603
libtpu: 0.0.44.dev20260713+nightly
codegen_flags: <defaults>
</compile_context>

<pallas_src>
import functools

import jax
import jax.numpy as jnp
from jax import lax
from jax.experimental import pallas as pl
from jax.experimental.pallas import tpu as pltpu
from jax.experimental.pallas import tpu_sc as plsc

_TAKE_DN = lax.GatherDimensionNumbers(
    offset_dims=(), collapsed_slice_dims=(0,), start_index_map=(0,)
)


def _take16(v, idx):
    return lax.gather(
        v, idx[:, None], _TAKE_DN, slice_sizes=(1,),
        mode=lax.GatherScatterMode.PROMISE_IN_BOUNDS,
    )


_S = 200
_PPR = _S // 2
_R = 4
_NBUF = 2


@functools.partial(jax.jit, static_argnames=("n_rows",))
def _gather_pairs(x2d, t2, n_rows):
    info = plsc.get_sparse_core_info()
    nw = info.num_cores * info.num_subcores
    rows_w = n_rows // nw
    steps = rows_w // _R
    n_pairs = n_rows * _PPR
    mesh = plsc.VectorSubcoreMesh(core_axis_name="c", subcore_axis_name="s")

    @functools.partial(
        pl.kernel,
        mesh=mesh,
        out_type=jax.ShapeDtypeStruct((n_pairs, 2 * 64), jnp.float32),
        scratch_types=[
            pltpu.VMEM((_R, _S), jnp.int32),
            pltpu.VMEM((_R, 128), jnp.int32),
            pltpu.VMEM((_NBUF, _R * _PPR, 2 * 64), jnp.float32),
            pltpu.VMEM_SHARED((100, 2 * 64), jnp.float32),
            pltpu.SemaphoreType.DMA,
            pltpu.SemaphoreType.DMA,
            pltpu.SemaphoreType.DMA,
        ],
    )
    def k(x_hbm, t2_hbm, out_hbm, raw_v, pair_v, rows_v,
          t2_sh, sem_g, sem_w0, sem_w1):
        sid = lax.axis_index("s")
        wid = sid * info.num_cores + lax.axis_index("c")
        sem_w = (sem_w0, sem_w1)

        @pl.when(sid == 0)
        def _():
            pltpu.sync_copy(t2_hbm, t2_sh)

        plsc.subcore_barrier()

        lane = lax.iota(jnp.int32, 16)
        low = lane < 8
        perm_e = (2 * lane) & 15
        perm_o = (2 * lane + 1) & 15
        perm_te = (8 + 2 * lane) & 15
        perm_to = (9 + 2 * lane) & 15

        def outer(io, carry):
            for b in range(_NBUF):
                i = _NBUF * io + b
                r0 = wid * rows_w + i * _R
                pltpu.sync_copy(x_hbm.at[pl.ds(r0, _R)], raw_v)
                for j in range(_R):
                    for t in range(6):
                        va = raw_v[j, pl.ds(32 * t, 16)]
                        vb = raw_v[j, pl.ds(32 * t + 16, 16)]
                        ev = jnp.where(low, _take16(va, perm_e),
                                       _take16(vb, perm_e))
                        od = jnp.where(low, _take16(va, perm_o),
                                       _take16(vb, perm_o))
                        pair_v[j, pl.ds(16 * t, 16)] = ev * 10 + od
                    vt = raw_v[j, pl.ds(_S - 16, 16)]
                    pair_v[j, pl.ds(96, 16)] = (
                        _take16(vt, perm_te) * 10 + _take16(vt, perm_to)
                    )

                @pl.when(io >= 1)
                def _():
                    pltpu.make_async_copy(
                        rows_v.at[b], out_hbm.at[pl.ds(0, _R * _PPR)], sem_w[b]
                    ).wait()

                copies = [
                    pltpu.async_copy(
                        t2_sh.at[pair_v.at[j, pl.ds(0, _PPR)]],
                        rows_v.at[b, pl.ds(j * _PPR, _PPR)],
                        sem_g,
                    )
                    for j in range(_R)
                ]
                for c in copies:
                    c.wait()
                pltpu.async_copy(
                    rows_v.at[b],
                    out_hbm.at[pl.ds(r0 * _PPR, _R * _PPR)],
                    sem_w[b],
                )
            return carry

        lax.fori_loop(0, steps // _NBUF, outer, 0)
        for b in range(_NBUF):
            pltpu.make_async_copy(
                rows_v.at[b], out_hbm.at[pl.ds(0, _R * _PPR)], sem_w[b]
            ).wait()

    return k(x2d, t2)


def kernel(x, table):
    b, s = x.shape
    v, d = table.shape
    t2 = jnp.concatenate(
        [
            jnp.broadcast_to(table[:, None, :], (v, v, d)),
            jnp.broadcast_to(table[None, :, :], (v, v, d)),
        ],
        axis=-1,
    ).reshape(v * v, 2 * d)
    out = _gather_pairs(x, t2, b)
    return out.reshape(b, s, d)

# --- scband reference (transcript-rebuilt; emitter-appended) ---
"""Pipeline reference for scband-simple-embedding-test-network-67886253080839 (READ-ONLY COPY).

The authoritative reference and input builder live on the scoring server;
editing this copy changes nothing except your own understanding.
"""

import jax, jax.numpy as jnp
import numpy as np


def setup_inputs(seed: int = 0) -> dict:
    key = jax.random.key(seed)
    k1, k2 = jax.random.split(key)
    x = jax.random.randint(k1, (16384, 200), 0, 10, dtype=jnp.int32)
    table = jax.random.normal(k2, (10, 64), dtype=jnp.float32)
    return {"x": x, "table": table}


def reference(x, table):
    # nn.Embedding forward: gather rows of the embedding table by index
    return jnp.take(table, x, axis=0)

if __name__ == "__main__":
    import jax
    _d = setup_inputs()
    print(jax.jit(kernel)(*tuple(_d.values())))

</pallas_src>

<mosaic_0001>
#map = affine_map<(d0, d1) -> (0, 0)>
module attributes {stable_mosaic.version = 14 : i64} {
  func.func @k(%arg0: i32, %arg1: i32, %arg2: memref<16384x200xi32, #tpu.memory_space<hbm>>, %arg3: memref<100x128xf32, #tpu.memory_space<hbm>>, %arg4: memref<1638400x128xf32, #tpu.memory_space<hbm>>, %arg5: memref<4x200xi32, #tpu.memory_space<vmem>>, %arg6: memref<4x128xi32, #tpu.memory_space<vmem>>, %arg7: memref<2x400x128xf32, #tpu.memory_space<vmem>>, %arg8: memref<100x128xf32, #tpu.memory_space<vmem_shared>>, %arg9: memref<!tpu.dma_semaphore, #tpu.memory_space<semaphore_mem>>, %arg10: memref<!tpu.dma_semaphore, #tpu.memory_space<semaphore_mem>>, %arg11: memref<!tpu.dma_semaphore, #tpu.memory_space<semaphore_mem>>) attributes {dimension_semantics = [#tpu.dimension_semantics<core_parallel>, #tpu.dimension_semantics<subcore_parallel>], iteration_bounds = array<i64: 2, 16>, scalar_prefetch = 0 : i64, scratch_operands = 7 : i64, tpu.core_type = #tpu.core_type<sc_vector_subcore>, window_params = [{transform_indices = #map}, {transform_indices = #map}, {transform_indices = #map}]} {
    %mul3A = arith.constant 2 : i32
    %mul3A_0 = arith.muli %arg1, %mul3A : i32
    %add3A = arith.addi %mul3A_0, %arg0 : i32
    %eq3A = arith.constant 0 : i32
    %eq3A_1 = arith.cmpi eq, %arg1, %eq3A : i32
    %convert_element_type3A = arith.extui %eq3A_1 : i1 to i32
    %cond3A = arith.constant 0 : i32
    %cond3A_2 = arith.cmpi ne, %convert_element_type3A, %cond3A : i32
    scf.if %cond3A_2 {
      "tpu.region"() ({
        %run_scoped3A = tpu.sem_alloc : memref<!tpu.dma_semaphore, #tpu.memory_space<semaphore_mem>>
        tpu.enqueue_dma source(%arg3 : memref<100x128xf32, #tpu.memory_space<hbm>>) target(%arg8 : memref<100x128xf32, #tpu.memory_space<vmem_shared>>) target_semaphore(%run_scoped3A : memref<!tpu.dma_semaphore, #tpu.memory_space<semaphore_mem>>)
        tpu.wait_dma2 semaphore(%run_scoped3A : memref<!tpu.dma_semaphore, #tpu.memory_space<semaphore_mem>>) src(%arg3 : memref<100x128xf32, #tpu.memory_space<hbm>>) dst(%arg8 : memref<100x128xf32, #tpu.memory_space<vmem_shared>>)
        tpu.yield
      }) : () -> ()
    } else {
    }
    %barrier3A = arith.constant 0 : index
    tpu.barrier barrier_id(%barrier3A)
    %iota3A = tpu.iota {dimensions = array<i32: 0>} : vector<16xi32>
    %lt3A = arith.constant 8 : i32
    %lt3A_3 = vector.broadcast %lt3A : i32 to vector<16xi32>
    %lt3A_4 = arith.cmpi slt, %iota3A, %lt3A_3 : vector<16xi32>
    %mul3A_5 = arith.constant 2 : i32
    %mul3A_6 = vector.broadcast %mul3A_5 : i32 to vector<16xi32>
    %mul3A_7 = arith.muli %mul3A_6, %iota3A : vector<16xi32>
    %and3A = arith.constant 15 : i32
    %and3A_8 = vector.broadcast %and3A : i32 to vector<16xi32>
    %and3A_9 = arith.andi %mul3A_7, %and3A_8 : vector<16xi32>
    %mul3A_10 = arith.constant 2 : i32
    %mul3A_11 = vector.broadcast %mul3A_10 : i32 to vector<16xi32>
    %mul3A_12 = arith.muli %mul3A_11, %iota3A : vector<16xi32>
    %add3A_13 = arith.constant 1 : i32
    %add3A_14 = vector.broadcast %add3A_13 : i32 to vector<16xi32>
    %add3A_15 = arith.addi %mul3A_12, %add3A_14 : vector<16xi32>
    %and3A_16 = arith.constant 15 : i32
    %and3A_17 = vector.broadcast %and3A_16 : i32 to vector<16xi32>
    %and3A_18 = arith.andi %add3A_15, %and3A_17 : vector<16xi32>
    %mul3A_19 = arith.constant 2 : i32
    %mul3A_20 = vector.broadcast %mul3A_19 : i32 to vector<16xi32>
    %mul3A_21 = arith.muli %mul3A_20, %iota3A : vector<16xi32>
    %add3A_22 = arith.constant 8 : i32
    %add3A_23 = vector.broadcast %add3A_22 : i32 to vector<16xi32>
    %add3A_24 = arith.addi %add3A_23, %mul3A_21 : vector<16xi32>
    %and3A_25 = arith.constant 15 : i32
    %and3A_26 = vector.broadcast %and3A_25 : i32 to vector<16xi32>
    %and3A_27 = arith.andi %add3A_24, %and3A_26 : vector<16xi32>
    %mul3A_28 = arith.constant 2 : i32
    %mul3A_29 = vector.broadcast %mul3A_28 : i32 to vector<16xi32>
    %mul3A_30 = arith.muli %mul3A_29, %iota3A : vector<16xi32>
    %add3A_31 = arith.constant 9 : i32
    %add3A_32 = vector.broadcast %add3A_31 : i32 to vector<16xi32>
    %add3A_33 = arith.addi %add3A_32, %mul3A_30 : vector<16xi32>
    %and3A_34 = arith.constant 15 : i32
    %and3A_35 = vector.broadcast %and3A_34 : i32 to vector<16xi32>
    %and3A_36 = arith.andi %add3A_33, %and3A_35 : vector<16xi32>
    %scan3A = arith.constant 0 : i32
    %scan3A_37 = arith.constant 0 : i32
    %scan3A_38 = arith.constant 64 : i32
    %scan3A_39 = arith.addi %scan3A_37, %scan3A_38 : i32
    %scan3A_40 = arith.constant 1 : i32
    scf.for %scan3A_71 = %scan3A_37 to %scan3A_39 step %scan3A_40  : i32 {
      %mul3A_72 = arith.constant 2 : i32
      %mul3A_73 = arith.muli %mul3A_72, %scan3A_71 : i32
      %add3A_74 = arith.constant 0 : i32
      %add3A_75 = arith.addi %mul3A_73, %add3A_74 : i32
      %mul3A_76 = arith.constant 512 : i32
      %mul3A_77 = arith.muli %add3A, %mul3A_76 : i32
      %mul3A_78 = arith.constant 4 : i32
      %mul3A_79 = arith.muli %add3A_75, %mul3A_78 : i32
      %add3A_80 = arith.addi %mul3A_77, %mul3A_79 : i32
      "tpu.region"() ({
        %run_scoped3A = tpu.sem_alloc : memref<!tpu.dma_semaphore, #tpu.memory_space<semaphore_mem>>
        %dma_start3A_2115 = arith.constant 0 : i32
        %dma_start3A_2116 = tpu.memref_slice %arg2[%add3A_80, %dma_start3A_2115] : memref<16384x200xi32, #tpu.memory_space<hbm>> -> memref<4x200xi32, #tpu.memory_space<hbm>>
        %dma_start3A_2117 = arith.constant 0 : i32
        %dma_start3A_2118 = tpu.memref_slice %arg2[%add3A_80, %dma_start3A_2117] : memref<16384x200xi32, #tpu.memory_space<hbm>> -> memref<4x200xi32, #tpu.memory_space<hbm>>
        tpu.enqueue_dma source(%dma_start3A_2118 : memref<4x200xi32, #tpu.memory_space<hbm>>) target(%arg5 : memref<4x200xi32, #tpu.memory_space<vmem>>) target_semaphore(%run_scoped3A : memref<!tpu.dma_semaphore, #tpu.memory_space<semaphore_mem>>)
        %dma_wait3A_2119 = arith.constant 0 : i32
        %dma_wait3A_2120 = tpu.memref_slice %arg2[%add3A_80, %dma_wait3A_2119] : memref<16384x200xi32, #tpu.memory_space<hbm>> -> memref<4x200xi32, #tpu.memory_space<hbm>>
        %dma_wait3A_2121 = arith.constant 0 : i32
        %dma_wait3A_2122 = tpu.memref_slice %arg2[%add3A_80, %dma_wait3A_2121] : memref<16384x200xi32, #tpu.memory_space<hbm>> -> memref<4x200xi32, #tpu.memory_space<hbm>>
        tpu.wait_dma2 semaphore(%run_scoped3A : memref<!tpu.dma_semaphore, #tpu.memory_space<semaphore_mem>>) src(%dma_wait3A_2122 : memref<4x200xi32, #tpu.memory_space<hbm>>) dst(%arg5 : memref<4x200xi32, #tpu.memory_space<vmem>>)
        tpu.yield
      }) : () -> ()
      %get3A = arith.constant 0 : i32
      %get3A_81 = arith.index_cast %get3A : i32 to index
      %get3A_82 = arith.constant 0 : index
      %get3A_83 = tpu.vector_load %arg5[%get3A_81, %get3A_82] {strides = array<i32>} : memref<4x200xi32, #tpu.memory_space<vmem>>, vector<1x16xi32>,
      %get3A_84 = vector.shape_cast %get3A_83 : vector<1x16xi32> to vector<16xi32>
      %get3A_85 = arith.constant 0 : i32
      %get3A_86 = arith.index_cast %get3A_85 : i32 to index
      %get3A_87 = arith.constant 16 : index
      %get3A_88 = tpu.vector_load %arg5[%get3A_86, %get3A_87] {strides = array<i32>} : memref<4x200xi32, #tpu.memory_space<vmem>>, vector<1x16xi32>,
      %get3A_89 = vector.shape_cast %get3A_88 : vector<1x16xi32> to vector<16xi32>
      %broadcast_in_dim3A = vector.shape_cast %and3A_9 : vector<16xi32> to vector<16x1xi32>
      %gather3A = vector.shape_cast %broadcast_in_dim3A : vector<16x1xi32> to vector<16xi32>
      %gather3A_90 = tpu.dynamic_gather %get3A_84[%gather3A] in [0] : vector<16xi32>, vector<16xi32> -> vector<16xi32>
      %broadcast_in_dim3A_91 = vector.shape_cast %and3A_9 : vector<16xi32> to vector<16x1xi32>
      %gather3A_92 = vector.shape_cast %broadcast_in_dim3A_91 : vector<16x1xi32> to vector<16xi32>
      %gather3A_93 = tpu.dynamic_gather %get3A_89[%gather3A_92] in [0] : vector<16xi32>, vector<16xi32> -> vector<16xi32>
      %select_n3A = arith.select %lt3A_4, %gather3A_90, %gather3A_93 : vector<16xi1>, vector<16xi32>
      %broadcast_in_dim3A_94 = vector.shape_cast %and3A_18 : vector<16xi32> to vector<16x1xi32>
      %gather3A_95 = vector.shape_cast %broadcast_in_dim3A_94 : vector<16x1xi32> to vector<16xi32>
      %gather3A_96 = tpu.dynamic_gather %get3A_84[%gather3A_95] in [0] : vector<16xi32>, vector<16xi32> -> vector<16xi32>
      %broadcast_in_dim3A_97 = vector.shape_cast %and3A_18 : vector<16xi32> to vector<16x1xi32>
      %gather3A_98 = vector.shape_cast %broadcast_in_dim3A_97 : vector<16x1xi32> to vector<16xi32>
      %gather3A_99 = tpu.dynamic_gather %get3A_89[%gather3A_98] in [0] : vector<16xi32>, vector<16xi32> -> vector<16xi32>
      %select_n3A_100 = arith.select %lt3A_4, %gather3A_96, %gather3A_99 : vector<16xi1>, vector<16xi32>
      %mul3A_101 = arith.constant 10 : i32
      %mul3A_102 = vector.broadcast %mul3A_101 : i32 to vector<16xi32>
      %mul3A_103 = arith.muli %select_n3A, %mul3A_102 : vector<16xi32>
      %add3A_104 = arith.addi %mul3A_103, %select_n3A_100 : vector<16xi32>
      %swap3A = arith.constant 0 : i32
      %swap3A_105 = arith.index_cast %swap3A : i32 to index
      %swap3A_106 = arith.constant 0 : index
      %swap3A_107 = tpu.vector_load %arg6[%swap3A_105, %swap3A_106] {strides = array<i32>} : memref<4x128xi32, #tpu.memory_space<vmem>>, vector<1x16xi32>,
      %swap3A_108 = vector.shape_cast %swap3A_107 : vector<1x16xi32> to vector<16xi32>
      %swap3A_109 = vector.shape_cast %add3A_104 : vector<16xi32> to vector<1x16xi32>
      tpu.vector_store %arg6[%swap3A_105, %swap3A_106], %swap3A_109 {strides = array<i32>} : memref<4x128xi32, #tpu.memory_space<vmem>>, vector<1x16xi32>,
      %get3A_110 = arith.constant 0 : i32
      %get3A_111 = arith.index_cast %get3A_110 : i32 to index
      %get3A_112 = arith.constant 32 : index
      %get3A_113 = tpu.vector_load %arg5[%get3A_111, %get3A_112] {strides = array<i32>} : memref<4x200xi32, #tpu.memory_space<vmem>>, vector<1x16xi32>,
      %get3A_114 = vector.shape_cast %get3A_113 : vector<1x16xi32> to vector<16xi32>
      %get3A_115 = arith.constant 0 : i32
      %get3A_116 = arith.index_cast %get3A_115 : i32 to index
      %get3A_117 = arith.constant 48 : index
      %get3A_118 = tpu.vector_load %arg5[%get3A_116, %get3A_117] {strides = array<i32>} : memref<4x200xi32, #tpu.memory_space<vmem>>, vector<1x16xi32>,
      %get3A_119 = vector.shape_cast %get3A_118 : vector<1x16xi32> to vector<16xi32>
      %broadcast_in_dim3A_120 = vector.shape_cast %and3A_9 : vector<16xi32> to vector<16x1xi32>
      %gather3A_121 = vector.shape_cast %broadcast_in_dim3A_120 : vector<16x1xi32> to vector<16xi32>
      %gather3A_122 = tpu.dynamic_gather %get3A_114[%gather3A_121] in [0] : vector<16xi32>, vector<16xi32> -> vector<16xi32>
      %broadcast_in_dim3A_123 = vector.shape_cast %and3A_9 : vector<16xi32> to vector<16x1xi32>
      %gather3A_124 = vector.shape_cast %broadcast_in_dim3A_123 : vector<16x1xi32> to vector<16xi32>
      %gather3A_125 = tpu.dynamic_gather %get3A_119[%gather3A_124] in [0] : vector<16xi32>, vector<16xi32> -> vector<16xi32>
      %select_n3A_126 = arith.select %lt3A_4, %gather3A_122, %gather3A_125 : vector<16xi1>, vector<16xi32>
      %broadcast_in_dim3A_127 = vector.shape_cast %and3A_18 : vector<16xi32> to vector<16x1xi32>
      %gather3A_128 = vector.shape_cast %broadcast_in_dim3A_127 : vector<16x1xi32> to vector<16xi32>
      %gather3A_129 = tpu.dynamic_gather %get3A_114[%gather3A_128] in [0] : vector<16xi32>, vector<16xi32> -> vector<16xi32>
      %broadcast_in_dim3A_130 = vector.shape_cast %and3A_18 : vector<16xi32> to vector<16x1xi32>
      %gather3A_131 = vector.shape_cast %broadcast_in_dim3A_130 : vector<16x1xi32> to vector<16xi32>
      %gather3A_132 = tpu.dynamic_gather %get3A_119[%gather3A_131] in [0] : vector<16xi32>, vector<16xi32> -> vector<16xi32>
      %select_n3A_133 = arith.select %lt3A_4, %gather3A_129, %gather3A_132 : vector<16xi1>, vector<16xi32>
      %mul3A_134 = arith.constant 10 : i32
      %mul3A_135 = vector.broadcast %mul3A_134 : i32 to vector<16xi32>
      %mul3A_136 = arith.muli %select_n3A_126, %mul3A_135 : vector<16xi32>
      %add3A_137 = arith.addi %mul3A_136, %select_n3A_133 : vector<16xi32>
      %swap3A_138 = arith.constant 0 : i32
      %swap3A_139 = arith.index_cast %swap3A_138 : i32 to index
      %swap3A_140 = arith.constant 16 : index
      %swap3A_141 = tpu.vector_load %arg6[%swap3A_139, %swap3A_140] {strides = array<i32>} : memref<4x128xi32, #tpu.memory_space<vmem>>, vector<1x16xi32>,
      %swap3A_142 = vector.shape_cast %swap3A_141 : vector<1x16xi32> to vector<16xi32>
      %swap3A_143 = vector.shape_cast %add3A_137 : vector<16xi32> to vector<1x16xi32>
      tpu.vector_store %arg6[%swap3A_139, %swap3A_140], %swap3A_143 {strides = array<i32>} : memref<4x128xi32, #tpu.memory_space<vmem>>, vector<1x16xi32>,
      %get3A_144 = arith.constant 0 : i32
      %get3A_145 = arith.index_cast %get3A_144 : i32 to index
      %get3A_146 = arith.constant 64 : index
      %get3A_147 = tpu.vector_load %arg5[%get3A_145, %get3A_146] {strides = array<i32>} : memref<4x200xi32, #tpu.memory_space<vmem>>, vector<1x16xi32>,
      %get3A_148 = vector.shape_cast %get3A_147 : vector<1x16xi32> to vector<16xi32>
      %get3A_149 = arith.constant 0 : i32
      %get3A_150 = arith.index_cast %get3A_149 : i32 to index
      %get3A_151 = arith.constant 80 : index
      %get3A_152 = tpu.vector_load %arg5[%get3A_150, %get3A_151] {strides = array<i32>} : memref<4x200xi32, #tpu.memory_space<vmem>>, vector<1x16xi32>,
      %get3A_153 = vector.shape_cast %get3A_152 : vector<1x16xi32> to vector<16xi32>
      %broadcast_in_dim3A_154 = vector.shape_cast %and3A_9 : vector<16xi32> to vector<16x1xi32>
      %gather3A_155 = vector.shape_cast %broadcast_in_dim3A_154 : vector<16x1xi32> to vector<16xi32>
      %gather3A_156 = tpu.dynamic_gather %get3A_148[%gather3A_155] in [0] : vector<16xi32>, vector<16xi32> -> vector<16xi32>
      %broadcast_in_dim3A_157 = vector.shape_cast %and3A_9 : vector<16xi32> to vector<16x1xi32>
      %gather3A_158 = vector.shape_cast %broadcast_in_dim3A_157 : vector<16x1xi32> to vector<16xi32>
      %gather3A_159 = tpu.dynamic_gather %get3A_153[%gather3A_158] in [0] : vector<16xi32>, vector<16xi32> -> vector<16xi32>
      %select_n3A_160 = arith.select %lt3A_4, %gather3A_156, %gather3A_159 : vector<16xi1>, vector<16xi32>
      %broadcast_in_dim3A_161 = vector.shape_cast %and3A_18 : vector<16xi32> to vector<16x1xi32>
      %gather3A_162 = vector.shape_cast %broadcast_in_dim3A_161 : vector<16x1xi32> to vector<16xi32>
      %gather3A_163 = tpu.dynamic_gather %get3A_148[%gather3A_162] in [0] : vector<16xi32>, vector<16xi32> -> vector<16xi32>
      %broadcast_in_dim3A_164 = vector.shape_cast %and3A_18 : vector<16xi32> to vector<16x1xi32>
      %gather3A_165 = vector.shape_cast %broadcast_in_dim3A_164 : vector<16x1xi32> to vector<16xi32>
      %gather3A_166 = tpu.dynamic_gather %get3A_153[%gather3A_165] in [0] : vector<16xi32>, vector<16xi32> -> vector<16xi32>
      %select_n3A_167 = arith.select %lt3A_4, %gather3A_163, %gather3A_166 : vector<16xi1>, vector<16xi32>
      %mul3A_168 = arith.constant 10 : i32
      %mul3A_169 = vector.broadcast %mul3A_168 : i32 to vector<16xi32>
      %mul3A_170 = arith.muli %select_n3A_160, %mul3A_169 : vector<16xi32>
      %add3A_171 = arith.addi %mul3A_170, %select_n3A_167 : vector<16xi32>
      %swap3A_172 = arith.constant 0 : i32
      %swap3A_173 = arith.index_cast %swap3A_172 : i32 to index
      %swap3A_174 = arith.constant 32 : index
      %swap3A_175 = tpu.vector_load %arg6[%swap3A_173, %swap3A_174] {strides = array<i32>} : memref<4x128xi32, #tpu.memory_space<vmem>>, vector<1x16xi32>,
      %swap3A_176 = vector.shape_cast %swap3A_175 : vector<1x16xi32> to vector<16xi32>
      %swap3A_177 = vector.shape_cast %add3A_171 : vector<16xi32> to vector<1x16xi32>
      tpu.vector_store %arg6[%swap3A_173, %swap3A_174], %swap3A_177 {strides = array<i32>} : memref<4x128xi32, #tpu.memory_space<vmem>>, vector<1x16xi32>,
      %get3A_178 = arith.constant 0 : i32
      %get3A_179 = arith.index_cast %get3A_178 : i32 to index
      %get3A_180 = arith.constant 96 : index
      %get3A_181 = tpu.vector_load %arg5[%get3A_179, %get3A_180] {strides = array<i32>} : memref<4x200xi32, #tpu.memory_space<vmem>>, vector<1x16xi32>,
      %get3A_182 = vector.shape_cast %get3A_181 : vector<1x16xi32> to vector<16xi32>
      %get3A_183 = arith.constant 0 : i32
      %get3A_184 = arith.index_cast %get3A_183 : i32 to index
      %get3A_185 = arith.constant 112 : index
      %get3A_186 = tpu.vector_load %arg5[%get3A_184, %get3A_185] {strides = array<i32>} : memref<4x200xi32, #tpu.memory_space<vmem>>, vector<1x16xi32>,
      %get3A_187 = vector.shape_cast %get3A_186 : vector<1x16xi32> to vector<16xi32>
      %broadcast_in_dim3A_188 = vector.shape_cast %and3A_9 : vector<16xi32> to vector<16x1xi32>
      %gather3A_189 = vector.shape_cast %broadcast_in_dim3A_188 : vector<16x1xi32> to vector<16xi32>
      %gather3A_190 = tpu.dynamic_gather %get3A_182[%gather3A_189] in [0] : vector<16xi32>, vector<16xi32> -> vector<16xi32>
      %broadcast_in_dim3A_191 = vector.shape_cast %and3A_9 : vector<16xi32> to vector<16x1xi32>
      %gather3A_192 = vector.shape_cast %broadcast_in_dim3A_191 : vector<16x1xi32> to vector<16xi32>
      %gather3A_193 = tpu.dynamic_gather %get3A_187[%gather3A_192] in [0] : vector<16xi32>, vector<16xi32> -> vector<16xi32>
      %select_n3A_194 = arith.select %lt3A_4, %gather3A_190, %gather3A_193 : vector<16xi1>, vector<16xi32>
      %broadcast_in_dim3A_195 = vector.shape_cast %and3A_18 : vector<16xi32> to vector<16x1xi32>
      %gather3A_196 = vector.shape_cast %broadcast_in_dim3A_195 : vector<16x1xi32> to vector<16xi32>
      %gather3A_197 = tpu.dynamic_gather %get3A_182[%gather3A_196] in [0] : vector<16xi32>, vector<16xi32> -> vector<16xi32>
      %broadcast_in_dim3A_198 = vector.shape_cast %and3A_18 : vector<16xi32> to vector<16x1xi32>
      %gather3A_199 = vector.shape_cast %broadcast_in_dim3A_198 : vector<16x1xi32> to vector<16xi32>
      %gather3A_200 = tpu.dynamic_gather %get3A_187[%gather3A_199] in [0] : vector<16xi32>, vector<16xi32> -> vector<16xi32>
      %select_n3A_201 = arith.select %lt3A_4, %gather3A_197, %gather3A_200 : vector<16xi1>, vector<16xi32>
      %mul3A_202 = arith.constant 10 : i32
      %mul3A_203 = vector.broadcast %mul3A_202 : i32 to vector<16xi32>
      %mul3A_204 = arith.muli %select_n3A_194, %mul3A_203 : vector<16xi32>
      %add3A_205 = arith.addi %mul3A_204, %select_n3A_201 : vector<16xi32>
      %swap3A_206 = arith.constant 0 : i32
      %swap3A_207 = arith.index_cast %swap3A_206 : i32 to index
      %swap3A_208 = arith.constant 48 : index
      %swap3A_209 = tpu.vector_load %arg6[%swap3A_207, %swap3A_208] {strides = array<i32>} : memref<4x128xi32, #tpu.memory_space<vmem>>, vector<1x16xi32>,
      %swap3A_210 = vector.shape_cast %swap3A_209 : vector<1x16xi32> to vector<16xi32>
      %swap3A_211 = vector.shape_cast %add3A_205 : vector<16xi32> to vector<1x16xi32>
      tpu.vector_store %arg6[%swap3A_207, %swap3A_208], %swap3A_211 {strides = array<i32>} : memref<4x128xi32, #tpu.memory_space<vmem>>, vector<1x16xi32>,
      %get3A_212 = arith.constant 0 : i32
      %get3A_213 = arith.index_cast %get3A_212 : i32 to index
      %get3A_214 = arith.constant 128 : index
      %get3A_215 = tpu.vector_load %arg5[%get3A_213, %get3A_214] {strides = array<i32>} : memref<4x200xi32, #tpu.memory_space<vmem>>, vector<1x16xi32>,
      %get3A_216 = vector.shape_cast %get3A_215 : vector<1x16xi32> to vector<16xi32>
      %get3A_217 = arith.constant 0 : i32
      %get3A_218 = arith.index_cast %get3A_217 : i32 to index
      %get3A_219 = arith.constant 144 : index
      %get3A_220 = tpu.vector_load %arg5[%get3A_218, %get3A_219] {strides = array<i32>} : memref<4x200xi32, #tpu.memory_space<vmem>>, vector<1x16xi32>,
      %get3A_221 = vector.shape_cast %get3A_220 : vector<1x16xi32> to vector<16xi32>
      %broadcast_in_dim3A_222 = vector.shape_cast %and3A_9 : vector<16xi32> to vector<16x1xi32>
      %gather3A_223 = vector.shape_cast %broadcast_in_dim3A_222 : vector<16x1xi32> to vector<16xi32>
      %gather3A_224 = tpu.dynamic_gather %get3A_216[%gather3A_223] in [0] : vector<16xi32>, vector<16xi32> -> vector<16xi32>
      %broadcast_in_dim3A_225 = vector.shape_cast %and3A_9 : vector<16xi32> to vector<16x1xi32>
      %gather3A_226 = vector.shape_cast %broadcast_in_dim3A_225 : vector<16x1xi32> to vector<16xi32>
      %gather3A_227 = tpu.dynamic_gather %get3A_221[%gather3A_226] in [0] : vector<16xi32>, vector<16xi32> -> vector<16xi32>
      %select_n3A_228 = arith.select %lt3A_4, %gather3A_224, %gather3A_227 : vector<16xi1>, vector<16xi32>
      %broadcast_in_dim3A_229 = vector.shape_cast %and3A_18 : vector<16xi32> to vector<16x1xi32>
      %gather3A_230 = vector.shape_cast %broadcast_in_dim3A_229 : vector<16x1xi32> to vector<16xi32>
      %gather3A_231 = tpu.dynamic_gather %get3A_216[%gather3A_230] in [0] : vector<16xi32>, vector<16xi32> -> vector<16xi32>
      %broadcast_in_dim3A_232 = vector.shape_cast %and3A_18 : vector<16xi32> to vector<16x1xi32>
      %gather3A_233 = vector.shape_cast %broadcast_in_dim3A_232 : vector<16x1xi32> to vector<16xi32>
      %gather3A_234 = tpu.dynamic_gather %get3A_221[%gather3A_233] in [0] : vector<16xi32>, vector<16xi32> -> vector<16xi32>
      %select_n3A_235 = arith.select %lt3A_4, %gather3A_231, %gather3A_234 : vector<16xi1>, vector<16xi32>
      %mul3A_236 = arith.constant 10 : i32
      %mul3A_237 = vector.broadcast %mul3A_236 : i32 to vector<16xi32>
      %mul3A_238 = arith.muli %select_n3A_228, %mul3A_237 : vector<16xi32>
      %add3A_239 = arith.addi %mul3A_238, %select_n3A_235 : vector<16xi32>
      %swap3A_240 = arith.constant 0 : i32
      %swap3A_241 = arith.index_cast %swap3A_240 : i32 to index
      %swap3A_242 = arith.constant 64 : index
      %swap3A_243 = tpu.vector_load %arg6[%swap3A_241, %swap3A_242] {strides = array<i32>} : memref<4x128xi32, #tpu.memory_space<vmem>>, vector<1x16xi32>,
      %swap3A_244 = vector.shape_cast %swap3A_243 : vector<1x16xi32> to vector<16xi32>
      %swap3A_245 = vector.shape_cast %add3A_239 : vector<16xi32> to vector<1x16xi32>
      tpu.vector_store %arg6[%swap3A_241, %swap3A_242], %swap3A_245 {strides = array<i32>} : memref<4x128xi32, #tpu.memory_space<vmem>>, vector<1x16xi32>,
      %get3A_246 = arith.constant 0 : i32
      %get3A_247 = arith.index_cast %get3A_246 : i32 to index
      %get3A_248 = arith.constant 160 : index
      %get3A_249 = tpu.vector_load %arg5[%get3A_247, %get3A_248] {strides = array<i32>} : memref<4x200xi32, #tpu.memory_space<vmem>>, vector<1x16xi32>,
      %get3A_250 = vector.shape_cast %get3A_249 : vector<1x16xi32> to vector<16xi32>
      %get3A_251 = arith.constant 0 : i32
      %get3A_252 = arith.index_cast %get3A_251 : i32 to index
      %get3A_253 = arith.constant 176 : index
      %get3A_254 = tpu.vector_load %arg5[%get3A_252, %get3A_253] {strides = array<i32>} : memref<4x200xi32, #tpu.memory_space<vmem>>, vector<1x16xi32>,
      %get3A_255 = vector.shape_cast %get3A_254 : vector<1x16xi32> to vector<16xi32>
      %broadcast_in_dim3A_256 = vector.shape_cast %and3A_9 : vector<16xi32> to vector<16x1xi32>
      %gather3A_257 = vector.shape_cast %broadcast_in_dim3A_256 : vector<16x1xi32> to vector<16xi32>
      %gather3A_258 = tpu.dynamic_gather %get3A_250[%gather3A_257] in [0] : vector<16xi32>, vector<16xi32> -> vector<16xi32>
      %broadcast_in_dim3A_259 = vector.shape_cast %and3A_9 : vector<16xi32> to vector<16x1xi32>
      %gather3A_260 = vector.shape_cast %broadcast_in_dim3A_259 : vector<16x1xi32> to vector<16xi32>
      %gather3A_261 = tpu.dynamic_gather %get3A_255[%gather3A_260] in [0] : vector<16xi32>, vector<16xi32> -> vector<16xi32>
      %select_n3A_262 = arith.select %lt3A_4, %gather3A_258, %gather3A_261 : vector<16xi1>, vector<16xi32>
      %broadcast_in_dim3A_263 = vector.shape_cast %and3A_18 : vector<16xi32> to vector<16x1xi32>
      %gather3A_264 = vector.shape_cast %broadcast_in_dim3A_263 : vector<16x1xi32> to vector<16xi32>
      %gather3A_265 = tpu.dynamic_gather %get3A_250[%gather3A_264] in [0] : vector<16xi32>, vector<16xi32> -> vector<16xi32>
      %broadcast_in_dim3A_266 = vector.shape_cast %and3A_18 : vector<16xi32> to vector<16x1xi32>
      %gather3A_267 = vector.shape_cast %broadcast_in_dim3A_266 : vector<16x1xi32> to vector<16xi32>
      %gather3A_268 = tpu.dynamic_gather %get3A_255[%gather3A_267] in [0] : vector<16xi32>, vector<16xi32> -> vector<16xi32>
      %select_n3A_269 = arith.select %lt3A_4, %gather3A_265, %gather3A_268 : vector<16xi1>, vector<16xi32>
      %mul3A_270 = arith.constant 10 : i32
      %mul3A_271 = vector.broadcast %mul3A_270 : i32 to vector<16xi32>
      %mul3A_272 = arith.muli %select_n3A_262, %mul3A_271 : vector<16xi32>
      %add3A_273 = arith.addi %mul3A_272, %select_n3A_269 : vector<16xi32>
      %swap3A_274 = arith.constant 0 : i32
      %swap3A_275 = arith.index_cast %swap3A_274 : i32 to index
      %swap3A_276 = arith.constant 80 : index
      %swap3A_277 = tpu.vector_load %arg6[%swap3A_275, %swap3A_276] {strides = array<i32>} : memref<4x128xi32, #tpu.memory_space<vmem>>, vector<1x16xi32>,
      %swap3A_278 = vector.shape_cast %swap3A_277 : vector<1x16xi32> to vector<16xi32>
      %swap3A_279 = vector.shape_cast %add3A_273 : vector<16xi32> to vector<1x16xi32>
      tpu.vector_store %arg6[%swap3A_275, %swap3A_276], %swap3A_279 {strides = array<i32>} : memref<4x128xi32, #tpu.memory_space<vmem>>, vector<1x16xi32>,
      %get3A_280 = arith.constant 0 : i32
      %get3A_281 = arith.index_cast %get3A_280 : i32 to index
      %get3A_282 = arith.constant 184 : index
      %get3A_283 = tpu.vector_load %arg5[%get3A_281, %get3A_282] {strides = array<i32>} : memref<4x200xi32, #tpu.memory_space<vmem>>, vector<1x16xi32>,
      %get3A_284 = vector.shape_cast %get3A_283 : vector<1x16xi32> to vector<16xi32>
      %broadcast_in_dim3A_285 = vector.shape_cast %and3A_27 : vector<16xi32> to vector<16x1xi32>
      %gather3A_286 = vector.shape_cast %broadcast_in_dim3A_285 : vector<16x1xi32> to vector<16xi32>
      %gather3A_287 = tpu.dynamic_gather %get3A_284[%gather3A_286] in [0] : vector<16xi32>, vector<16xi32> -> vector<16xi32>
      %mul3A_288 = arith.constant 10 : i32
      %mul3A_289 = vector.broadcast %mul3A_288 : i32 to vector<16xi32>
      %mul3A_290 = arith.muli %gather3A_287, %mul3A_289 : vector<16xi32>
      %broadcast_in_dim3A_291 = vector.shape_cast %and3A_36 : vector<16xi32> to vector<16x1xi32>
      %gather3A_292 = vector.shape_cast %broadcast_in_dim3A_291 : vector<16x1xi32> to vector<16xi32>
      %gather3A_293 = tpu.dynamic_gather %get3A_284[%gather3A_292] in [0] : vector<16xi32>, vector<16xi32> -> vector<16xi32>
      %add3A_294 = arith.addi %mul3A_290, %gather3A_293 : vector<16xi32>
      %swap3A_295 = arith.constant 0 : i32
      %swap3A_296 = arith.index_cast %swap3A_295 : i32 to index
      %swap3A_297 = arith.constant 96 : index
      %swap3A_298 = tpu.vector_load %arg6[%swap3A_296, %swap3A_297] {strides = array<i32>} : memref<4x128xi32, #tpu.memory_space<vmem>>, vector<1x16xi32>,
      %swap3A_299 = vector.shape_cast %swap3A_298 : vector<1x16xi32> to vector<16xi32>
      %swap3A_300 = vector.shape_cast %add3A_294 : vector<16xi32> to vector<1x16xi32>
      tpu.vector_store %arg6[%swap3A_296, %swap3A_297], %swap3A_300 {strides = array<i32>} : memref<4x128xi32, #tpu.memory_space<vmem>>, vector<1x16xi32>,
      %get3A_301 = arith.constant 1 : i32
      %get3A_302 = arith.index_cast %get3A_301 : i32 to index
      %get3A_303 = arith.constant 0 : index
      %get3A_304 = tpu.vector_load %arg5[%get3A_302, %get3A_303] {strides = array<i32>} : memref<4x200xi32, #tpu.memory_space<vmem>>, vector<1x16xi32>,
      %get3A_305 = vector.shape_cast %get3A_304 : vector<1x16xi32> to vector<16xi32>
      %get3A_306 = arith.constant 1 : i32
      %get3A_307 = arith.index_cast %get3A_306 : i32 to index
      %get3A_308 = arith.constant 16 : index
      %get3A_309 = tpu.vector_load %arg5[%get3A_307, %get3A_308] {strides = array<i32>} : memref<4x200xi32, #tpu.memory_space<vmem>>, vector<1x16xi32>,
      %get3A_310 = vector.shape_cast %get3A_309 : vector<1x16xi32> to vector<16xi32>
      %broadcast_in_dim3A_311 = vector.shape_cast %and3A_9 : vector<16xi32> to vector<16x1xi32>
      %gather3A_312 = vector.shape_cast %broadcast_in_dim3A_311 : vector<16x1xi32> to vector<16xi32>
      %gather3A_313 = tpu.dynamic_gather %get3A_305[%gather3A_312] in [0] : vector<16xi32>, vector<16xi32> -> vector<16xi32>
      %broadcast_in_dim3A_314 = vector.shape_cast %and3A_9 : vector<16xi32> to vector<16x1xi32>
      %gather3A_315 = vector.shape_cast %broadcast_in_dim3A_314 : vector<16x1xi32> to vector<16xi32>
      %gather3A_316 = tpu.dynamic_gather %get3A_310[%gather3A_315] in [0] : vector<16xi32>, vector<16xi32> -> vector<16xi32>
      %select_n3A_317 = arith.select %lt3A_4, %gather3A_313, %gather3A_316 : vector<16xi1>, vector<16xi32>
      %broadcast_in_dim3A_318 = vector.shape_cast %and3A_18 : vector<16xi32> to vector<16x1xi32>
      %gather3A_319 = vector.shape_cast %broadcast_in_dim3A_318 : vector<16x1xi32> to vector<16xi32>
      %gather3A_320 = tpu.dynamic_gather %get3A_305[%gather3A_319] in [0] : vector<16xi32>, vector<16xi32> -> vector<16xi32>
      %broadcast_in_dim3A_321 = vector.shape_cast %and3A_18 : vector<16xi32> to vector<16x1xi32>
      %gather3A_322 = vector.shape_cast %broadcast_in_dim3A_321 : vector<16x1xi32> to vector<16xi32>
      %gather3A_323 = tpu.dynamic_gather %get3A_310[%gather3A_322] in [0] : vector<16xi32>, vector<16xi32> -> vector<16xi32>
      %select_n3A_324 = arith.select %lt3A_4, %gather3A_320, %gather3A_323 : vector<16xi1>, vector<16xi32>
      %mul3A_325 = arith.constant 10 : i32
      %mul3A_326 = vector.broadcast %mul3A_325 : i32 to vector<16xi32>
      %mul3A_327 = arith.muli %select_n3A_317, %mul3A_326 : vector<16xi32>
      %add3A_328 = arith.addi %mul3A_327, %select_n3A_324 : vector<16xi32>
      %swap3A_329 = arith.constant 1 : i32
      %swap3A_330 = arith.index_cast %swap3A_329 : i32 to index
      %swap3A_331 = arith.constant 0 : index
      %swap3A_332 = tpu.vector_load %arg6[%swap3A_330, %swap3A_331] {strides = array<i32>} : memref<4x128xi32, #tpu.memory_space<vmem>>, vector<1x16xi32>,
      %swap3A_333 = vector.shape_cast %swap3A_332 : vector<1x16xi32> to vector<16xi32>
      %swap3A_334 = vector.shape_cast %add3A_328 : vector<16xi32> to vector<1x16xi32>
      tpu.vector_store %arg6[%swap3A_330, %swap3A_331], %swap3A_334 {strides = array<i32>} : memref<4x128xi32, #tpu.memory_space<vmem>>, vector<1x16xi32>,
      %get3A_335 = arith.constant 1 : i32
      %get3A_336 = arith.index_cast %get3A_335 : i32 to index
      %get3A_337 = arith.constant 32 : index
      %get3A_338 = tpu.vector_load %arg5[%get3A_336, %get3A_337] {strides = array<i32>} : memref<4x200xi32, #tpu.memory_space<vmem>>, vector<1x16xi32>,
      %get3A_339 = vector.shape_cast %get3A_338 : vector<1x16xi32> to vector<16xi32>
      %get3A_340 = arith.constant 1 : i32
      %get3A_341 = arith.index_cast %get3A_340 : i32 to index
      %get3A_342 = arith.constant 48 : index
      %get3A_343 = tpu.vector_load %arg5[%get3A_341, %get3A_342] {strides = array<i32>} : memref<4x200xi32, #tpu.memory_space<vmem>>, vector<1x16xi32>,
      %get3A_344 = vector.shape_cast %get3A_343 : vector<1x16xi32> to vector<16xi32>
      %broadcast_in_dim3A_345 = vector.shape_cast %and3A_9 : vector<16xi32> to vector<16x1xi32>
      %gather3A_346 = vector.shape_cast %broadcast_in_dim3A_345 : vector<16x1xi32> to vector<16xi32>
      %gather3A_347 = tpu.dynamic_gather %get3A_339[%gather3A_346] in [0] : vector<16xi32>, vector<16xi32> -> vector<16xi32>
      %broadcast_in_dim3A_348 = vector.shape_cast %and3A_9 : vector<16xi32> to vector<16x1xi32>
      %gather3A_349 = vector.shape_cast %broadcast_in_dim3A_348 : vector<16x1xi32> to vector<16xi32>
      %gather3A_350 = tpu.dynamic_gather %get3A_344[%gather3A_349] in [0] : vector<16xi32>, vector<16xi32> -> vector<16xi32>
      %select_n3A_351 = arith.select %lt3A_4, %gather3A_347, %gather3A_350 : vector<16xi1>, vector<16xi32>
      %broadcast_in_dim3A_352 = vector.shape_cast %and3A_18 : vector<16xi32> to vector<16x1xi32>
      %gather3A_353 = vector.shape_cast %broadcast_in_dim3A_352 : vector<16x1xi32> to vector<16xi32>
      %gather3A_354 = tpu.dynamic_gather %get3A_339[%gather3A_353] in [0] : vector<16xi32>, vector<16xi32> -> vector<16xi32>
      %broadcast_in_dim3A_355 = vector.shape_cast %and3A_18 : vector<16xi32> to vector<16x1xi32>
      %gather3A_356 = vector.shape_cast %broadcast_in_dim3A_355 : vector<16x1xi32> to vector<16xi32>
      %gather3A_357 = tpu.dynamic_gather %get3A_344[%gather3A_356] in [0] : vector<16xi32>, vector<16xi32> -> vector<16xi32>
      %select_n3A_358 = arith.select %lt3A_4, %gather3A_354, %gather3A_357 : vector<16xi1>, vector<16xi32>
      %mul3A_359 = arith.constant 10 : i32
      %mul3A_360 = vector.broadcast %mul3A_359 : i32 to vector<16xi32>
      %mul3A_361 = arith.muli %select_n3A_351, %mul3A_360 : vector<16xi32>
      %add3A_362 = arith.addi %mul3A_361, %select_n3A_358 : vector<16xi32>
      %swap3A_363 = arith.constant 1 : i32
      %swap3A_364 = arith.index_cast %swap3A_363 : i32 to index
      %swap3A_365 = arith.constant 16 : index
      %swap3A_366 = tpu.vector_load %arg6[%swap3A_364, %swap3A_365] {strides = array<i32>} : memref<4x128xi32, #tpu.memory_space<vmem>>, vector<1x16xi32>,
      %swap3A_367 = vector.shape_cast %swap3A_366 : vector<1x16xi32> to vector<16xi32>
      %swap3A_368 = vector.shape_cast %add3A_362 : vector<16xi32> to vector<1x16xi32>
      tpu.vector_store %arg6[%swap3A_364, %swap3A_365], %swap3A_368 {strides = array<i32>} : memref<4x128xi32, #tpu.memory_space<vmem>>, vector<1x16xi32>,
      %get3A_369 = arith.constant 1 : i32
      %get3A_370 = arith.index_cast %get3A_369 : i32 to index
      %get3A_371 = arith.constant 64 : index
      %get3A_372 = tpu.vector_load %arg5[%get3A_370, %get3A_371] {strides = array<i32>} : memref<4x200xi32, #tpu.memory_space<vmem>>, vector<1x16xi32>,
      %get3A_373 = vector.shape_cast %get3A_372 : vector<1x16xi32> to vector<16xi32>
      %get3A_374 = arith.constant 1 : i32
      %get3A_375 = arith.index_cast %get3A_374 : i32 to index
      %get3A_376 = arith.constant 80 : index
      %get3A_377 = tpu.vector_load %arg5[%get3A_375, %get3A_376] {strides = array<i32>} : memref<4x200xi32, #tpu.memory_space<vmem>>, vector<1x16xi32>,
      %get3A_378 = vector.shape_cast %get3A_377 : vector<1x16xi32> to vector<16xi32>
      %broadcast_in_dim3A_379 = vector.shape_cast %and3A_9 : vector<16xi32> to vector<16x1xi32>
      %gather3A_380 = vector.shape_cast %broadcast_in_dim3A_379 : vector<16x1xi32> to vector<16xi32>
      %gather3A_381 = tpu.dynamic_gather %get3A_373[%gather3A_380] in [0] : vector<16xi32>, vector<16xi32> -> vector<16xi32>
      %broadcast_in_dim3A_382 = vector.shape_cast %and3A_9 : vector<16xi32> to vector<16x1xi32>
      %gather3A_383 = vector.shape_cast %broadcast_in_dim3A_382 : vector<16x1xi32> to vector<16xi32>
      %gather3A_384 = tpu.dynamic_gather %get3A_378[%gather3A_383] in [0] : vector<16xi32>, vector<16xi32> -> vector<16xi32>
      %select_n3A_385 = arith.select %lt3A_4, %gather3A_381, %gather3A_384 : vector<16xi1>, vector<16xi32>
      %broadcast_in_dim3A_386 = vector.shape_cast %and3A_18 : vector<16xi32> to vector<16x1xi32>
      %gather3A_387 = vector.shape_cast %broadcast_in_dim3A_386 : vector<16x1xi32> to vector<16xi32>
      %gather3A_388 = tpu.dynamic_gather %get3A_373[%gather3A_387] in [0] : vector<16xi32>, vector<16xi32> -> vector<16xi32>
      %broadcast_in_dim3A_389 = vector.shape_cast %and3A_18 : vector<16xi32> to vector<16x1xi32>
      %gather3A_390 = vector.shape_cast %broadcast_in_dim3A_389 : vector<16x1xi32> to vector<16xi32>
      %gather3A_391 = tpu.dynamic_gather %get3A_378[%gather3A_390] in [0] : vector<16xi32>, vector<16xi32> -> vector<16xi32>
      %select_n3A_392 = arith.select %lt3A_4, %gather3A_388, %gather3A_391 : vector<16xi1>, vector<16xi32>
      %mul3A_393 = arith.constant 10 : i32
      %mul3A_394 = vector.broadcast %mul3A_393 : i32 to vector<16xi32>
      %mul3A_395 = arith.muli %select_n3A_385, %mul3A_394 : vector<16xi32>
      %add3A_396 = arith.addi %mul3A_395, %select_n3A_392 : vector<16xi32>
      %swap3A_397 = arith.constant 1 : i32
      %swap3A_398 = arith.index_cast %swap3A_397 : i32 to index
      %swap3A_399 = arith.constant 32 : index
      %swap3A_400 = tpu.vector_load %arg6[%swap3A_398, %swap3A_399] {strides = array<i32>} : memref<4x128xi32, #tpu.memory_space<vmem>>, vector<1x16xi32>,
      %swap3A_401 = vector.shape_cast %swap3A_400 : vector<1x16xi32> to vector<16xi32>
      %swap3A_402 = vector.shape_cast %add3A_396 : vector<16xi32> to vector<1x16xi32>
      tpu.vector_store %arg6[%swap3A_398, %swap3A_399], %swap3A_402 {strides = array<i32>} : memref<4x128xi32, #tpu.memory_space<vmem>>, vector<1x16xi32>,
      %get3A_403 = arith.constant 1 : i32
      %get3A_404 = arith.index_cast %get3A_403 : i32 to index
      %get3A_405 = arith.constant 96 : index
      %get3A_406 = tpu.vector_load %arg5[%get3A_404, %get3A_405] {strides = array<i32>} : memref<4x200xi32, #tpu.memory_space<vmem>>, vector<1x16xi32>,
      %get3A_407 = vector.shape_cast %get3A_406 : vector<1x16xi32> to vector<16xi32>
      %get3A_408 = arith.constant 1 : i32
      %get3A_409 = arith.index_cast %get3A_408 : i32 to index
      %get3A_410 = arith.constant 112 : index
      %get3A_411 = tpu.vector_load %arg5[%get3A_409, %get3A_410] {strides = array<i32>} : memref<4x200xi32, #tpu.memory_space<vmem>>, vector<1x16xi32>,
      %get3A_412 = vector.shape_cast %get3A_411 : vector<1x16xi32> to vector<16xi32>
      %broadcast_in_dim3A_413 = vector.shape_cast %and3A_9 : vector<16xi32> to vector<16x1xi32>
      %gather3A_414 = vector.shape_cast %broadcast_in_dim3A_413 : vector<16x1xi32> to vector<16xi32>
      %gather3A_415 = tpu.dynamic_gather %get3A_407[%gather3A_414] in [0] : vector<16xi32>, vector<16xi32> -> vector<16xi32>
      %broadcast_in_dim3A_416 = vector.shape_cast %and3A_9 : vector<16xi32> to vector<16x1xi32>
      %gather3A_417 = vector.shape_cast %broadcast_in_dim3A_416 : vector<16x1xi32> to vector<16xi32>
      %gather3A_418 = tpu.dynamic_gather %get3A_412[%gather3A_417] in [0] : vector<16xi32>, vector<16xi32> -> vector<16xi32>
      %select_n3A_419 = arith.select %lt3A_4, %gather3A_415, %gather3A_418 : vector<16xi1>, vector<16xi32>
      %broadcast_in_dim3A_420 = vector.shape_cast %and3A_18 : vector<16xi32> to vector<16x1xi32>
      %gather3A_421 = vector.shape_cast %broadcast_in_dim3A_420 : vector<16x1xi32> to vector<16xi32>
      %gather3A_422 = tpu.dynamic_gather %get3A_407[%gather3A_421] in [0] : vector<16xi32>, vector<16xi32> -> vector<16xi32>
      %broadcast_in_dim3A_423 = vector.shape_cast %and3A_18 : vector<16xi32> to vector<16x1xi32>
      %gather3A_424 = vector.shape_cast %broadcast_in_dim3A_423 : vector<16x1xi32> to vector<16xi32>
      %gather3A_425 = tpu.dynamic_gather %get3A_412[%gather3A_424] in [0] : vector<16xi32>, vector<16xi32> -> vector<16xi32>
      %select_n3A_426 = arith.select %lt3A_4, %gather3A_422, %gather3A_425 : vector<16xi1>, vector<16xi32>
      %mul3A_427 = arith.constant 10 : i32
      %mul3A_428 = vector.broadcast %mul3A_427 : i32 to vector<16xi32>
      %mul3A_429 = arith.muli %select_n3A_419, %mul3A_428 : vector<16xi32>
      %add3A_430 = arith.addi %mul3A_429, %select_n3A_426 : vector<16xi32>
      %swap3A_431 = arith.constant 1 : i32
      %swap3A_432 = arith.index_cast %swap3A_431 : i32 to index
      %swap3A_433 = arith.constant 48 : index
      %swap3A_434 = tpu.vector_load %arg6[%swap3A_432, %swap3A_433] {strides = array<i32>} : memref<4x128xi32, #tpu.memory_space<vmem>>, vector<1x16xi32>,
      %swap3A_435 = vector.shape_cast %swap3A_434 : vector<1x16xi32> to vector<16xi32>
      %swap3A_436 = vector.shape_cast %add3A_430 : vector<16xi32> to vector<1x16xi32>
      tpu.vector_store %arg6[%swap3A_432, %swap3A_433], %swap3A_436 {strides = array<i32>} : memref<4x128xi32, #tpu.memory_space<vmem>>, vector<1x16xi32>,
      %get3A_437 = arith.constant 1 : i32
      %get3A_438 = arith.index_cast %get3A_437 : i32 to index
      %get3A_439 = arith.constant 128 : index
      %get3A_440 = tpu.vector_load %arg5[%get3A_438, %get3A_439] {strides = array<i32>} : memref<4x200xi32, #tpu.memory_space<vmem>>, vector<1x16xi32>,
      %get3A_441 = vector.shape_cast %get3A_440 : vector<1x16xi32> to vector<16xi32>
      %get3A_442 = arith.constant 1 : i32
      %get3A_443 = arith.index_cast %get3A_442 : i32 to index
      %get3A_444 = arith.constant 144 : index
      %get3A_445 = tpu.vector_load %arg5[%get3A_443, %get3A_444] {strides = array<i32>} : memref<4x200xi32, #tpu.memory_space<vmem>>, vector<1x16xi32>,
      %get3A_446 = vector.shape_cast %get3A_445 : vector<1x16xi32> to vector<16xi32>
      %broadcast_in_dim3A_447 = vector.shape_cast %and3A_9 : vector<16xi32> to vector<16x1xi32>
      %gather3A_448 = vector.shape_cast %broadcast_in_dim3A_447 : vector<16x1xi32> to vector<16xi32>
      %gather3A_449 = tpu.dynamic_gather %get3A_441[%gather3A_448] in [0] : vector<16xi32>, vector<16xi32> -> vector<16xi32>
      %broadcast_in_dim3A_450 = vector.shape_cast %and3A_9 : vector<16xi32> to vector<16x1xi32>
      %gather3A_451 = vector.shape_cast %broadcast_in_dim3A_450 : vector<16x1xi32> to vector<16xi32>
      %gather3A_452 = tpu.dynamic_gather %get3A_446[%gather3A_451] in [0] : vector<16xi32>, vector<16xi32> -> vector<16xi32>
      %select_n3A_453 = arith.select %lt3A_4, %gather3A_449, %gather3A_452 : vector<16xi1>, vector<16xi32>
      %broadcast_in_dim3A_454 = vector.shape_cast %and3A_18 : vector<16xi32> to vector<16x1xi32>
      %gather3A_455 = vector.shape_cast %broadcast_in_dim3A_454 : vector<16x1xi32> to vector<16xi32>
      %gather3A_456 = tpu.dynamic_gather %get3A_441[%gather3A_455] in [0] : vector<16xi32>, vector<16xi32> -> vector<16xi32>
      %broadcast_in_dim3A_457 = vector.shape_cast %and3A_18 : vector<16xi32> to vector<16x1xi32>
      %gather3A_458 = vector.shape_cast %broadcast_in_dim3A_457 : vector<16x1xi32> to vector<16xi32>
      %gather3A_459 = tpu.dynamic_gather %get3A_446[%gather3A_458] in [0] : vector<16xi32>, vector<16xi32> -> vector<16xi32>
      %select_n3A_460 = arith.select %lt3A_4, %gather3A_456, %gather3A_459 : vector<16xi1>, vector<16xi32>
      %mul3A_461 = arith.constant 10 : i32
      %mul3A_462 = vector.broadcast %mul3A_461 : i32 to vector<16xi32>
      %mul3A_463 = arith.muli %select_n3A_453, %mul3A_462 : vector<16xi32>
      %add3A_464 = arith.addi %mul3A_463, %select_n3A_460 : vector<16xi32>
      %swap3A_465 = arith.constant 1 : i32
      %swap3A_466 = arith.index_cast %swap3A_465 : i32 to index
      %swap3A_467 = arith.constant 64 : index
      %swap3A_468 = tpu.vector_load %arg6[%swap3A_466, %swap3A_467] {strides = array<i32>} : memref<4x128xi32, #tpu.memory_space<vmem>>, vector<1x16xi32>,
      %swap3A_469 = vector.shape_cast %swap3A_468 : vector<1x16xi32> to vector<16xi32>
      %swap3A_470 = vector.shape_cast %add3A_464 : vector<16xi32> to vector<1x16xi32>
      tpu.vector_store %arg6[%swap3A_466, %swap3A_467], %swap3A_470 {strides = array<i32>} : memref<4x128xi32, #tpu.memory_space<vmem>>, vector<1x16xi32>,
      %get3A_471 = arith.constant 1 : i32
      %get3A_472 = arith.index_cast %get3A_471 : i32 to index
      %get3A_473 = arith.constant 160 : index
      %get3A_474 = tpu.vector_load %arg5[%get3A_472, %get3A_473] {strides = array<i32>} : memref<4x200xi32, #tpu.memory_space<vmem>>, vector<1x16xi32>,
      %get3A_475 = vector.shape_cast %get3A_474 : vector<1x16xi32> to vector<16xi32>
      %get3A_476 = arith.constant 1 : i32
      %get3A_477 = arith.index_cast %get3A_476 : i32 to index
      %get3A_478 = arith.constant 176 : index
      %get3A_479 = tpu.vector_load %arg5[%get3A_477, %get3A_478] {strides = array<i32>} : memref<4x200xi32, #tpu.memory_space<vmem>>, vector<1x16xi32>,
      %get3A_480 = vector.shape_cast %get3A_479 : vector<1x16xi32> to vector<16xi32>
      %broadcast_in_dim3A_481 = vector.shape_cast %and3A_9 : vector<16xi32> to vector<16x1xi32>
      %gather3A_482 = vector.shape_cast %broadcast_in_dim3A_481 : vector<16x1xi32> to vector<16xi32>
      %gather3A_483 = tpu.dynamic_gather %get3A_475[%gather3A_482] in [0] : vector<16xi32>, vector<16xi32> -> vector<16xi32>
      %broadcast_in_dim3A_484 = vector.shape_cast %and3A_9 : vector<16xi32> to vector<16x1xi32>
      %gather3A_485 = vector.shape_cast %broadcast_in_dim3A_484 : vector<16x1xi32> to vector<16xi32>
      %gather3A_486 = tpu.dynamic_gather %get3A_480[%gather3A_485] in [0] : vector<16xi32>, vector<16xi32> -> vector<16xi32>
      %select_n3A_487 = arith.select %lt3A_4, %gather3A_483, %gather3A_486 : vector<16xi1>, vector<16xi32>
      %broadcast_in_dim3A_488 = vector.shape_cast %and3A_18 : vector<16xi32> to vector<16x1xi32>
      %gather3A_489 = vector.shape_cast %broadcast_in_dim3A_488 : vector<16x1xi32> to vector<16xi32>
      %gather3A_490 = tpu.dynamic_gather %get3A_475[%gather3A_489] in [0] : vector<16xi32>, vector<16xi32> -> vector<16xi32>
      %broadcast_in_dim3A_491 = vector.shape_cast %and3A_18 : vector<16xi32> to vector<16x1xi32>
      %gather3A_492 = vector.shape_cast %broadcast_in_dim3A_491 : vector<16x1xi32> to vector<16xi32>
      %gather3A_493 = tpu.dynamic_gather %get3A_480[%gather3A_492] in [0] : vector<16xi32>, vector<16xi32> -> vector<16xi32>
      %select_n3A_494 = arith.select %lt3A_4, %gather3A_490, %gather3A_493 : vector<16xi1>, vector<16xi32>
      %mul3A_495 = arith.constant 10 : i32
      %mul3A_496 = vector.broadcast %mul3A_495 : i32 to vector<16xi32>
      %mul3A_497 = arith.muli %select_n3A_487, %mul3A_496 : vector<16xi32>
      %add3A_498 = arith.addi %mul3A_497, %select_n3A_494 : vector<16xi32>
      %swap3A_499 = arith.constant 1 : i32
      %swap3A_500 = arith.index_cast %swap3A_499 : i32 to index
      %swap3A_501 = arith.constant 80 : index
      %swap3A_502 = tpu.vector_load %arg6[%swap3A_500, %swap3A_501] {strides = array<i32>} : memref<4x128xi32, #tpu.memory_space<vmem>>, vector<1x16xi32>,
      %swap3A_503 = vector.shape_cast %swap3A_502 : vector<1x16xi32> to vector<16xi32>
      %swap3A_504 = vector.shape_cast %add3A_498 : vector<16xi32> to vector<1x16xi32>
      tpu.vector_store %arg6[%swap3A_500, %swap3A_501], %swap3A_504 {strides = array<i32>} : memref<4x128xi32, #tpu.memory_space<vmem>>, vector<1x16xi32>,
      %get3A_505 = arith.constant 1 : i32
      %get3A_506 = arith.index_cast %get3A_505 : i32 to index
      %get3A_507 = arith.constant 184 : index
      %get3A_508 = tpu.vector_load %arg5[%get3A_506, %get3A_507] {strides = array<i32>} : memref<4x200xi32, #tpu.memory_space<vmem>>, vector<1x16xi32>,
      %get3A_509 = vector.shape_cast %get3A_508 : vector<1x16xi32> to vector<16xi32>
      %broadcast_in_dim3A_510 = vector.shape_cast %and3A_27 : vector<16xi32> to vector<16x1xi32>
      %gather3A_511 = vector.shape_cast %broadcast_in_dim3A_510 : vector<16x1xi32> to vector<16xi32>
      %gather3A_512 = tpu.dynamic_gather %get3A_509[%gather3A_511] in [0] : vector<16xi32>, vector<16xi32> -> vector<16xi32>
      %mul3A_513 = arith.constant 10 : i32
      %mul3A_514 = vector.broadcast %mul3A_513 : i32 to vector<16xi32>
      %mul3A_515 = arith.muli %gather3A_512, %mul3A_514 : vector<16xi32>
      %broadcast_in_dim3A_516 = vector.shape_cast %and3A_36 : vector<16xi32> to vector<16x1xi32>
      %gather3A_517 = vector.shape_cast %broadcast_in_dim3A_516 : vector<16x1xi32> to vector<16xi32>
      %gather3A_518 = tpu.dynamic_gather %get3A_509[%gather3A_517] in [0] : vector<16xi32>, vector<16xi32> -> vector<16xi32>
      %add3A_519 = arith.addi %mul3A_515, %gather3A_518 : vector<16xi32>
      %swap3A_520 = arith.constant 1 : i32
      %swap3A_521 = arith.index_cast %swap3A_520 : i32 to index
      %swap3A_522 = arith.constant 96 : index
      %swap3A_523 = tpu.vector_load %arg6[%swap3A_521, %swap3A_522] {strides = array<i32>} : memref<4x128xi32, #tpu.memory_space<vmem>>, vector<1x16xi32>,
      %swap3A_524 = vector.shape_cast %swap3A_523 : vector<1x16xi32> to vector<16xi32>
      %swap3A_525 = vector.shape_cast %add3A_519 : vector<16xi32> to vector<1x16xi32>
      tpu.vector_store %arg6[%swap3A_521, %swap3A_522], %swap3A_525 {strides = array<i32>} : memref<4x128xi32, #tpu.memory_space<vmem>>, vector<1x16xi32>,
      %get3A_526 = arith.constant 2 : i32
      %get3A_527 = arith.index_cast %get3A_526 : i32 to index
      %get3A_528 = arith.constant 0 : index
      %get3A_529 = tpu.vector_load %arg5[%get3A_527, %get3A_528] {strides = array<i32>} : memref<4x200xi32, #tpu.memory_space<vmem>>, vector<1x16xi32>,
      %get3A_530 = vector.shape_cast %get3A_529 : vector<1x16xi32> to vector<16xi32>
      %get3A_531 = arith.constant 2 : i32
      %get3A_532 = arith.index_cast %get3A_531 : i32 to index
      %get3A_533 = arith.constant 16 : index
      %get3A_534 = tpu.vector_load %arg5[%get3A_532, %get3A_533] {strides = array<i32>} : memref<4x200xi32, #tpu.memory_space<vmem>>, vector<1x16xi32>,
      %get3A_535 = vector.shape_cast %get3A_534 : vector<1x16xi32> to vector<16xi32>
      %broadcast_in_dim3A_536 = vector.shape_cast %and3A_9 : vector<16xi32> to vector<16x1xi32>
      %gather3A_537 = vector.shape_cast %broadcast_in_dim3A_536 : vector<16x1xi32> to vector<16xi32>
      %gather3A_538 = tpu.dynamic_gather %get3A_530[%gather3A_537] in [0] : vector<16xi32>, vector<16xi32> -> vector<16xi32>
      %broadcast_in_dim3A_539 = vector.shape_cast %and3A_9 : vector<16xi32> to vector<16x1xi32>
      %gather3A_540 = vector.shape_cast %broadcast_in_dim3A_539 : vector<16x1xi32> to vector<16xi32>
      %gather3A_541 = tpu.dynamic_gather %get3A_535[%gather3A_540] in [0] : vector<16xi32>, vector<16xi32> -> vector<16xi32>
      %select_n3A_542 = arith.select %lt3A_4, %gather3A_538, %gather3A_541 : vector<16xi1>, vector<16xi32>
      %broadcast_in_dim3A_543 = vector.shape_cast %and3A_18 : vector<16xi32> to vector<16x1xi32>
      %gather3A_544 = vector.shape_cast %broadcast_in_dim3A_543 : vector<16x1xi32> to vector<16xi32>
      %gather3A_545 = tpu.dynamic_gather %get3A_530[%gather3A_544] in [0] : vector<16xi32>, vector<16xi32> -> vector<16xi32>
      %broadcast_in_dim3A_546 = vector.shape_cast %and3A_18 : vector<16xi32> to vector<16x1xi32>
      %gather3A_547 = vector.shape_cast %broadcast_in_dim3A_546 : vector<16x1xi32> to vector<16xi32>
      %gather3A_548 = tpu.dynamic_gather %get3A_535[%gather3A_547] in [0] : vector<16xi32>, vector<16xi32> -> vector<16xi32>
      %select_n3A_549 = arith.select %lt3A_4, %gather3A_545, %gather3A_548 : vector<16xi1>, vector<16xi32>
      %mul3A_550 = arith.constant 10 : i32
      %mul3A_551 = vector.broadcast %mul3A_550 : i32 to vector<16xi32>
      %mul3A_552 = arith.muli %select_n3A_542, %mul3A_551 : vector<16xi32>
      %add3A_553 = arith.addi %mul3A_552, %select_n3A_549 : vector<16xi32>
      %swap3A_554 = arith.constant 2 : i32
      %swap3A_555 = arith.index_cast %swap3A_554 : i32 to index
      %swap3A_556 = arith.constant 0 : index
      %swap3A_557 = tpu.vector_load %arg6[%swap3A_555, %swap3A_556] {strides = array<i32>} : memref<4x128xi32, #tpu.memory_space<vmem>>, vector<1x16xi32>,
      %swap3A_558 = vector.shape_cast %swap3A_557 : vector<1x16xi32> to vector<16xi32>
      %swap3A_559 = vector.shape_cast %add3A_553 : vector<16xi32> to vector<1x16xi32>
      tpu.vector_store %arg6[%swap3A_555, %swap3A_556], %swap3A_559 {strides = array<i32>} : memref<4x128xi32, #tpu.memory_space<vmem>>, vector<1x16xi32>,
      %get3A_560 = arith.constant 2 : i32
      %get3A_561 = arith.index_cast %get3A_560 : i32 to index
      %get3A_562 = arith.constant 32 : index
      %get3A_563 = tpu.vector_load %arg5[%get3A_561, %get3A_562] {strides = array<i32>} : memref<4x200xi32, #tpu.memory_space<vmem>>, vector<1x16xi32>,
      %get3A_564 = vector.shape_cast %get3A_563 : vector<1x16xi32> to vector<16xi32>
      %get3A_565 = arith.constant 2 : i32
      %get3A_566 = arith.index_cast %get3A_565 : i32 to index
      %get3A_567 = arith.constant 48 : index
      %get3A_568 = tpu.vector_load %arg5[%get3A_566, %get3A_567] {strides = array<i32>} : memref<4x200xi32, #tpu.memory_space<vmem>>, vector<1x16xi32>,
      %get3A_569 = vector.shape_cast %get3A_568 : vector<1x16xi32> to vector<16xi32>
      %broadcast_in_dim3A_570 = vector.shape_cast %and3A_9 : vector<16xi32> to vector<16x1xi32>
      %gather3A_571 = vector.shape_cast %broadcast_in_dim3A_570 : vector<16x1xi32> to vector<16xi32>
      %gather3A_572 = tpu.dynamic_gather %get3A_564[%gather3A_571] in [0] : vector<16xi32>, vector<16xi32> -> vector<16xi32>
      %broadcast_in_dim3A_573 = vector.shape_cast %and3A_9 : vector<16xi32> to vector<16x1xi32>
      %gather3A_574 = vector.shape_cast %broadcast_in_dim3A_573 : vector<16x1xi32> to vector<16xi32>
      %gather3A_575 = tpu.dynamic_gather %get3A_569[%gather3A_574] in [0] : vector<16xi32>, vector<16xi32> -> vector<16xi32>
      %select_n3A_576 = arith.select %lt3A_4, %gather3A_572, %gather3A_575 : vector<16xi1>, vector<16xi32>
      %broadcast_in_dim3A_577 = vector.shape_cast %and3A_18 : vector<16xi32> to vector<16x1xi32>
      %gather3A_578 = vector.shape_cast %broadcast_in_dim3A_577 : vector<16x1xi32> to vector<16xi32>
      %gather3A_579 = tpu.dynamic_gather %get3A_564[%gather3A_578] in [0] : vector<16xi32>, vector<16xi32> -> vector<16xi32>
      %broadcast_in_dim3A_580 = vector.shape_cast %and3A_18 : vector<16xi32> to vector<16x1xi32>
      %gather3A_581 = vector.shape_cast %broadcast_in_dim3A_580 : vector<16x1xi32> to vector<16xi32>
      %gather3A_582 = tpu.dynamic_gather %get3A_569[%gather3A_581] in [0] : vector<16xi32>, vector<16xi32> -> vector<16xi32>
      %select_n3A_583 = arith.select %lt3A_4, %gather3A_579, %gather3A_582 : vector<16xi1>, vector<16xi32>
      %mul3A_584 = arith.constant 10 : i32
      %mul3A_585 = vector.broadcast %mul3A_584 : i32 to vector<16xi32>
      %mul3A_586 = arith.muli %select_n3A_576, %mul3A_585 : vector<16xi32>
      %add3A_587 = arith.addi %mul3A_586, %select_n3A_583 : vector<16xi32>
      %swap3A_588 = arith.constant 2 : i32
      %swap3A_589 = arith.index_cast %swap3A_588 : i32 to index
      %swap3A_590 = arith.constant 16 : index
      %swap3A_591 = tpu.vector_load %arg6[%swap3A_589, %swap3A_590] {strides = array<i32>} : memref<4x128xi32, #tpu.memory_space<vmem>>, vector<1x16xi32>,
      %swap3A_592 = vector.shape_cast %swap3A_591 : vector<1x16xi32> to vector<16xi32>
      %swap3A_593 = vector.shape_cast %add3A_587 : vector<16xi32> to vector<1x16xi32>
      tpu.vector_store %arg6[%swap3A_589, %swap3A_590], %swap3A_593 {strides = array<i32>} : memref<4x128xi32, #tpu.memory_space<vmem>>, vector<1x16xi32>,
      %get3A_594 = arith.constant 2 : i32
      %get3A_595 = arith.index_cast %get3A_594 : i32 to index
      %get3A_596 = arith.constant 64 : index
      %get3A_597 = tpu.vector_load %arg5[%get3A_595, %get3A_596] {strides = array<i32>} : memref<4x200xi32, #tpu.memory_space<vmem>>, vector<1x16xi32>,
      %get3A_598 = vector.shape_cast %get3A_597 : vector<1x16xi32> to vector<16xi32>
      %get3A_599 = arith.constant 2 : i32
      %get3A_600 = arith.index_cast %get3A_599 : i32 to index
      %get3A_601 = arith.constant 80 : index
      %get3A_602 = tpu.vector_load %arg5[%get3A_600, %get3A_601] {strides = array<i32>} : memref<4x200xi32, #tpu.memory_space<vmem>>, vector<1x16xi32>,
      %get3A_603 = vector.shape_cast %get3A_602 : vector<1x16xi32> to vector<16xi32>
      %broadcast_in_dim3A_604 = vector.shape_cast %and3A_9 : vector<16xi32> to vector<16x1xi32>
      %gather3A_605 = vector.shape_cast %broadcast_in_dim3A_604 : vector<16x1xi32> to vector<16xi32>
      %gather3A_606 = tpu.dynamic_gather %get3A_598[%gather3A_605] in [0] : vector<16xi32>, vector<16xi32> -> vector<16xi32>
      %broadcast_in_dim3A_607 = vector.shape_cast %and3A_9 : vector<16xi32> to vector<16x1xi32>
      %gather3A_608 = vector.shape_cast %broadcast_in_dim3A_607 : vector<16x1xi32> to vector<16xi32>
      %gather3A_609 = tpu.dynamic_gather %get3A_603[%gather3A_608] in [0] : vector<16xi32>, vector<16xi32> -> vector<16xi32>
      %select_n3A_610 = arith.select %lt3A_4, %gather3A_606, %gather3A_609 : vector<16xi1>, vector<16xi32>
      %broadcast_in_dim3A_611 = vector.shape_cast %and3A_18 : vector<16xi32> to vector<16x1xi32>
      %gather3A_612 = vector.shape_cast %broadcast_in_dim3A_611 : vector<16x1xi32> to vector<16xi32>
      %gather3A_613 = tpu.dynamic_gather %get3A_598[%gather3A_612] in [0] : vector<16xi32>, vector<16xi32> -> vector<16xi32>
      %broadcast_in_dim3A_614 = vector.shape_cast %and3A_18 : vector<16xi32> to vector<16x1xi32>
      %gather3A_615 = vector.shape_cast %broadcast_in_dim3A_614 : vector<16x1xi32> to vector<16xi32>
      %gather3A_616 = tpu.dynamic_gather %get3A_603[%gather3A_615] in [0] : vector<16xi32>, vector<16xi32> -> vector<16xi32>
      %select_n3A_617 = arith.select %lt3A_4, %gather3A_613, %gather3A_616 : vector<16xi1>, vector<16xi32>
      %mul3A_618 = arith.constant 10 : i32
      %mul3A_619 = vector.broadcast %mul3A_618 : i32 to vector<16xi32>
      %mul3A_620 = arith.muli %select_n3A_610, %mul3A_619 : vector<16xi32>
      %add3A_621 = arith.addi %mul3A_620, %select_n3A_617 : vector<16xi32>
      %swap3A_622 = arith.constant 2 : i32
      %swap3A_623 = arith.index_cast %swap3A_622 : i32 to index
      %swap3A_624 = arith.constant 32 : index
      %swap3A_625 = tpu.vector_load %arg6[%swap3A_623, %swap3A_624] {strides = array<i32>} : memref<4x128xi32, #tpu.memory_space<vmem>>, vector<1x16xi32>,
      %swap3A_626 = vector.shape_cast %swap3A_625 : vector<1x16xi32> to vector<16xi32>
      %swap3A_627 = vector.shape_cast %add3A_621 : vector<16xi32> to vector<1x16xi32>
      tpu.vector_store %arg6[%swap3A_623, %swap3A_624], %swap3A_627 {strides = array<i32>} : memref<4x128xi32, #tpu.memory_space<vmem>>, vector<1x16xi32>,
      %get3A_628 = arith.constant 2 : i32
      %get3A_629 = arith.index_cast %get3A_628 : i32 to index
      %get3A_630 = arith.constant 96 : index
      %get3A_631 = tpu.vector_load %arg5[%get3A_629, %get3A_630] {strides = array<i32>} : memref<4x200xi32, #tpu.memory_space<vmem>>, vector<1x16xi32>,
      %get3A_632 = vector.shape_cast %get3A_631 : vector<1x16xi32> to vector<16xi32>
      %get3A_633 = arith.constant 2 : i32
      %get3A_634 = arith.index_cast %get3A_633 : i32 to index
      %get3A_635 = arith.constant 112 : index
      %get3A_636 = tpu.vector_load %arg5[%get3A_634, %get3A_635] {strides = array<i32>} : memref<4x200xi32, #tpu.memory_space<vmem>>, vector<1x16xi32>,
      %get3A_637 = vector.shape_cast %get3A_636 : vector<1x16xi32> to vector<16xi32>
      %broadcast_in_dim3A_638 = vector.shape_cast %and3A_9 : vector<16xi32> to vector<16x1xi32>
      %gather3A_639 = vector.shape_cast %broadcast_in_dim3A_638 : vector<16x1xi32> to vector<16xi32>
      %gather3A_640 = tpu.dynamic_gather %get3A_632[%gather3A_639] in [0] : vector<16xi32>, vector<16xi32> -> vector<16xi32>
      %broadcast_in_dim3A_641 = vector.shape_cast %and3A_9 : vector<16xi32> to vector<16x1xi32>
      %gather3A_642 = vector.shape_cast %broadcast_in_dim3A_641 : vector<16x1xi32> to vector<16xi32>
      %gather3A_643 = tpu.dynamic_gather %get3A_637[%gather3A_642] in [0] : vector<16xi32>, vector<16xi32> -> vector<16xi32>
      %select_n3A_644 = arith.select %lt3A_4, %gather3A_640, %gather3A_643 : vector<16xi1>, vector<16xi32>
      %broadcast_in_dim3A_645 = vector.shape_cast %and3A_18 : vector<16xi32> to vector<16x1xi32>
      %gather3A_646 = vector.shape_cast %broadcast_in_dim3A_645 : vector<16x1xi32> to vector<16xi32>
      %gather3A_647 = tpu.dynamic_gather %get3A_632[%gather3A_646] in [0] : vector<16xi32>, vector<16xi32> -> vector<16xi32>
      %broadcast_in_dim3A_648 = vector.shape_cast %and3A_18 : vector<16xi32> to vector<16x1xi32>
      %gather3A_649 = vector.shape_cast %broadcast_in_dim3A_648 : vector<16x1xi32> to vector<16xi32>
      %gather3A_650 = tpu.dynamic_gather %get3A_637[%gather3A_649] in [0] : vector<16xi32>, vector<16xi32> -> vector<16xi32>
      %select_n3A_651 = arith.select %lt3A_4, %gather3A_647, %gather3A_650 : vector<16xi1>, vector<16xi32>
      %mul3A_652 = arith.constant 10 : i32
      %mul3A_653 = vector.broadcast %mul3A_652 : i32 to vector<16xi32>
      %mul3A_654 = arith.muli %select_n3A_644, %mul3A_653 : vector<16xi32>
      %add3A_655 = arith.addi %mul3A_654, %select_n3A_651 : vector<16xi32>
      %swap3A_656 = arith.constant 2 : i32
      %swap3A_657 = arith.index_cast %swap3A_656 : i32 to index
      %swap3A_658 = arith.constant 48 : index
      %swap3A_659 = tpu.vector_load %arg6[%swap3A_657, %swap3A_658] {strides = array<i32>} : memref<4x128xi32, #tpu.memory_space<vmem>>, vector<1x16xi32>,
      %swap3A_660 = vector.shape_cast %swap3A_659 : vector<1x16xi32> to vector<16xi32>
      %swap3A_661 = vector.shape_cast %add3A_655 : vector<16xi32> to vector<1x16xi32>
      tpu.vector_store %arg6[%swap3A_657, %swap3A_658], %swap3A_661 {strides = array<i32>} : memref<4x128xi32, #tpu.memory_space<vmem>>, vector<1x16xi32>,
      %get3A_662 = arith.constant 2 : i32
      %get3A_663 = arith.index_cast %get3A_662 : i32 to index
      %get3A_664 = arith.constant 128 : index
      %get3A_665 = tpu.vector_load %arg5[%get3A_663, %get3A_664] {strides = array<i32>} : memref<4x200xi32, #tpu.memory_space<vmem>>, vector<1x16xi32>,
      %get3A_666 = vector.shape_cast %get3A_665 : vector<1x16xi32> to vector<16xi32>
      %get3A_667 = arith.constant 2 : i32
      %get3A_668 = arith.index_cast %get3A_667 : i32 to index
      %get3A_669 = arith.constant 144 : index
      %get3A_670 = tpu.vector_load %arg5[%get3A_668, %get3A_669] {strides = array<i32>} : memref<4x200xi32, #tpu.memory_space<vmem>>, vector<1x16xi32>,
      %get3A_671 = vector.shape_cast %get3A_670 : vector<1x16xi32> to vector<16xi32>
      %broadcast_in_dim3A_672 = vector.shape_cast %and3A_9 : vector<16xi32> to vector<16x1xi32>
      %gather3A_673 = vector.shape_cast %broadcast_in_dim3A_672 : vector<16x1xi32> to vector<16xi32>
      %gather3A_674 = tpu.dynamic_gather %get3A_666[%gather3A_673] in [0] : vector<16xi32>, vector<16xi32> -> vector<16xi32>
      %broadcast_in_dim3A_675 = vector.shape_cast %and3A_9 : vector<16xi32> to vector<16x1xi32>
      %gather3A_676 = vector.shape_cast %broadcast_in_dim3A_675 : vector<16x1xi32> to vector<16xi32>
      %gather3A_677 = tpu.dynamic_gather %get3A_671[%gather3A_676] in [0] : vector<16xi32>, vector<16xi32> -> vector<16xi32>
      %select_n3A_678 = arith.select %lt3A_4, %gather3A_674, %gather3A_677 : vector<16xi1>, vector<16xi32>
      %broadcast_in_dim3A_679 = vector.shape_cast %and3A_18 : vector<16xi32> to vector<16x1xi32>
      %gather3A_680 = vector.shape_cast %broadcast_in_dim3A_679 : vector<16x1xi32> to vector<16xi32>
      %gather3A_681 = tpu.dynamic_gather %get3A_666[%gather3A_680] in [0] : vector<16xi32>, vector<16xi32> -> vector<16xi32>
      %broadcast_in_dim3A_682 = vector.shape_cast %and3A_18 : vector<16xi32> to vector<16x1xi32>
      %gather3A_683 = vector.shape_cast %broadcast_in_dim3A_682 : vector<16x1xi32> to vector<16xi32>
      %gather3A_684 = tpu.dynamic_gather %get3A_671[%gather3A_683] in [0] : vector<16xi32>, vector<16xi32> -> vector<16xi32>
      %select_n3A_685 = arith.select %lt3A_4, %gather3A_681, %gather3A_684 : vector<16xi1>, vector<16xi32>
      %mul3A_686 = arith.constant 10 : i32
      %mul3A_687 = vector.broadcast %mul3A_686 : i32 to vector<16xi32>
      %mul3A_688 = arith.muli %select_n3A_678, %mul3A_687 : vector<16xi32>
      %add3A_689 = arith.addi %mul3A_688, %select_n3A_685 : vector<16xi32>
      %swap3A_690 = arith.constant 2 : i32
      %swap3A_691 = arith.index_cast %swap3A_690 : i32 to index
      %swap3A_692 = arith.constant 64 : index
      %swap3A_693 = tpu.vector_load %arg6[%swap3A_691, %swap3A_692] {strides = array<i32>} : memref<4x128xi32, #tpu.memory_space<vmem>>, vector<1x16xi32>,
      %swap3A_694 = vector.shape_cast %swap3A_693 : vector<1x16xi32> to vector<16xi32>
      %swap3A_695 = vector.shape_cast %add3A_689 : vector<16xi32> to vector<1x16xi32>
      tpu.vector_store %arg6[%swap3A_691, %swap3A_692], %swap3A_695 {strides = array<i32>} : memref<4x128xi32, #tpu.memory_space<vmem>>, vector<1x16xi32>,
      %get3A_696 = arith.constant 2 : i32
      %get3A_697 = arith.index_cast %get3A_696 : i32 to index
      %get3A_698 = arith.constant 160 : index
      %get3A_699 = tpu.vector_load %arg5[%get3A_697, %get3A_698] {strides = array<i32>} : memref<4x200xi32, #tpu.memory_space<vmem>>, vector<1x16xi32>,
      %get3A_700 = vector.shape_cast %get3A_699 : vector<1x16xi32> to vector<16xi32>
      %get3A_701 = arith.constant 2 : i32
      %get3A_702 = arith.index_cast %get3A_701 : i32 to index
      %get3A_703 = arith.constant 176 : index
      %get3A_704 = tpu.vector_load %arg5[%get3A_702, %get3A_703] {strides = array<i32>} : memref<4x200xi32, #tpu.memory_space<vmem>>, vector<1x16xi32>,
      %get3A_705 = vector.shape_cast %get3A_704 : vector<1x16xi32> to vector<16xi32>
      %broadcast_in_dim3A_706 = vector.shape_cast %and3A_9 : vector<16xi32> to vector<16x1xi32>
      %gather3A_707 = vector.shape_cast %broadcast_in_dim3A_706 : vector<16x1xi32> to vector<16xi32>
      %gather3A_708 = tpu.dynamic_gather %get3A_700[%gather3A_707] in [0] : vector<16xi32>, vector<16xi32> -> vector<16xi32>
      %broadcast_in_dim3A_709 = vector.shape_cast %and3A_9 : vector<16xi32> to vector<16x1xi32>
      %gather3A_710 = vector.shape_cast %broadcast_in_dim3A_709 : vector<16x1xi32> to vector<16xi32>
      %gather3A_711 = tpu.dynamic_gather %get3A_705[%gather3A_710] in [0] : vector<16xi32>, vector<16xi32> -> vector<16xi32>
      %select_n3A_712 = arith.select %lt3A_4, %gather3A_708, %gather3A_711 : vector<16xi1>, vector<16xi32>
      %broadcast_in_dim3A_713 = vector.shape_cast %and3A_18 : vector<16xi32> to vector<16x1xi32>
      %gather3A_714 = vector.shape_cast %broadcast_in_dim3A_713 : vector<16x1xi32> to vector<16xi32>
      %gather3A_715 = tpu.dynamic_gather %get3A_700[%gather3A_714] in [0] : vector<16xi32>, vector<16xi32> -> vector<16xi32>
      %broadcast_in_dim3A_716 = vector.shape_cast %and3A_18 : vector<16xi32> to vector<16x1xi32>
      %gather3A_717 = vector.shape_cast %broadcast_in_dim3A_716 : vector<16x1xi32> to vector<16xi32>
      %gather3A_718 = tpu.dynamic_gather %get3A_705[%gather3A_717] in [0] : vector<16xi32>, vector<16xi32> -> vector<16xi32>
      %select_n3A_719 = arith.select %lt3A_4, %gather3A_715, %gather3A_718 : vector<16xi1>, vector<16xi32>
      %mul3A_720 = arith.constant 10 : i32
      %mul3A_721 = vector.broadcast %mul3A_720 : i32 to vector<16xi32>
      %mul3A_722 = arith.muli %select_n3A_712, %mul3A_721 : vector<16xi32>
      %add3A_723 = arith.addi %mul3A_722, %select_n3A_719 : vector<16xi32>
      %swap3A_724 = arith.constant 2 : i32
      %swap3A_725 = arith.index_cast %swap3A_724 : i32 to index
      %swap3A_726 = arith.constant 80 : index
      %swap3A_727 = tpu.vector_load %arg6[%swap3A_725, %swap3A_726] {strides = array<i32>} : memref<4x128xi32, #tpu.memory_space<vmem>>, vector<1x16xi32>,
      %swap3A_728 = vector.shape_cast %swap3A_727 : vector<1x16xi32> to vector<16xi32>
      %swap3A_729 = vector.shape_cast %add3A_723 : vector<16xi32> to vector<1x16xi32>
      tpu.vector_store %arg6[%swap3A_725, %swap3A_726], %swap3A_729 {strides = array<i32>} : memref<4x128xi32, #tpu.memory_space<vmem>>, vector<1x16xi32>,
      %get3A_730 = arith.constant 2 : i32
      %get3A_731 = arith.index_cast %get3A_730 : i32 to index
      %get3A_732 = arith.constant 184 : index
      %get3A_733 = tpu.vector_load %arg5[%get3A_731, %get3A_732] {strides = array<i32>} : memref<4x200xi32, #tpu.memory_space<vmem>>, vector<1x16xi32>,
      %get3A_734 = vector.shape_cast %get3A_733 : vector<1x16xi32> to vector<16xi32>
      %broadcast_in_dim3A_735 = vector.shape_cast %and3A_27 : vector<16xi32> to vector<16x1xi32>
      %gather3A_736 = vector.shape_cast %broadcast_in_dim3A_735 : vector<16x1xi32> to vector<16xi32>
      %gather3A_737 = tpu.dynamic_gather %get3A_734[%gather3A_736] in [0] : vector<16xi32>, vector<16xi32> -> vector<16xi32>
      %mul3A_738 = arith.constant 10 : i32
      %mul3A_739 = vector.broadcast %mul3A_738 : i32 to vector<16xi32>
      %mul3A_740 = arith.muli %gather3A_737, %mul3A_739 : vector<16xi32>
      %broadcast_in_dim3A_741 = vector.shape_cast %and3A_36 : vector<16xi32> to vector<16x1xi32>
      %gather3A_742 = vector.shape_cast %broadcast_in_dim3A_741 : vector<16x1xi32> to vector<16xi32>
      %gather3A_743 = tpu.dynamic_gather %get3A_734[%gather3A_742] in [0] : vector<16xi32>, vector<16xi32> -> vector<16xi32>
      %add3A_744 = arith.addi %mul3A_740, %gather3A_743 : vector<16xi32>
      %swap3A_745 = arith.constant 2 : i32
      %swap3A_746 = arith.index_cast %swap3A_745 : i32 to index
      %swap3A_747 = arith.constant 96 : index
      %swap3A_748 = tpu.vector_load %arg6[%swap3A_746, %swap3A_747] {strides = array<i32>} : memref<4x128xi32, #tpu.memory_space<vmem>>, vector<1x16xi32>,
      %swap3A_749 = vector.shape_cast %swap3A_748 : vector<1x16xi32> to vector<16xi32>
      %swap3A_750 = vector.shape_cast %add3A_744 : vector<16xi32> to vector<1x16xi32>
      tpu.vector_store %arg6[%swap3A_746, %swap3A_747], %swap3A_750 {strides = array<i32>} : memref<4x128xi32, #tpu.memory_space<vmem>>, vector<1x16xi32>,
      %get3A_751 = arith.constant 3 : i32
      %get3A_752 = arith.index_cast %get3A_751 : i32 to index
      %get3A_753 = arith.constant 0 : index
      %get3A_754 = tpu.vector_load %arg5[%get3A_752, %get3A_753] {strides = array<i32>} : memref<4x200xi32, #tpu.memory_space<vmem>>, vector<1x16xi32>,
      %get3A_755 = vector.shape_cast %get3A_754 : vector<1x16xi32> to vector<16xi32>
      %get3A_756 = arith.constant 3 : i32
      %get3A_757 = arith.index_cast %get3A_756 : i32 to index
      %get3A_758 = arith.constant 16 : index
      %get3A_759 = tpu.vector_load %arg5[%get3A_757, %get3A_758] {strides = array<i32>} : memref<4x200xi32, #tpu.memory_space<vmem>>, vector<1x16xi32>,
      %get3A_760 = vector.shape_cast %get3A_759 : vector<1x16xi32> to vector<16xi32>
      %broadcast_in_dim3A_761 = vector.shape_cast %and3A_9 : vector<16xi32> to vector<16x1xi32>
      %gather3A_762 = vector.shape_cast %broadcast_in_dim3A_761 : vector<16x1xi32> to vector<16xi32>
      %gather3A_763 = tpu.dynamic_gather %get3A_755[%gather3A_762] in [0] : vector<16xi32>, vector<16xi32> -> vector<16xi32>
      %broadcast_in_dim3A_764 = vector.shape_cast %and3A_9 : vector<16xi32> to vector<16x1xi32>
      %gather3A_765 = vector.shape_cast %broadcast_in_dim3A_764 : vector<16x1xi32> to vector<16xi32>
      %gather3A_766 = tpu.dynamic_gather %get3A_760[%gather3A_765] in [0] : vector<16xi32>, vector<16xi32> -> vector<16xi32>
      %select_n3A_767 = arith.select %lt3A_4, %gather3A_763, %gather3A_766 : vector<16xi1>, vector<16xi32>
      %broadcast_in_dim3A_768 = vector.shape_cast %and3A_18 : vector<16xi32> to vector<16x1xi32>
      %gather3A_769 = vector.shape_cast %broadcast_in_dim3A_768 : vector<16x1xi32> to vector<16xi32>
      %gather3A_770 = tpu.dynamic_gather %get3A_755[%gather3A_769] in [0] : vector<16xi32>, vector<16xi32> -> vector<16xi32>
      %broadcast_in_dim3A_771 = vector.shape_cast %and3A_18 : vector<16xi32> to vector<16x1xi32>
      %gather3A_772 = vector.shape_cast %broadcast_in_dim3A_771 : vector<16x1xi32> to vector<16xi32>
      %gather3A_773 = tpu.dynamic_gather %get3A_760[%gather3A_772] in [0] : vector<16xi32>, vector<16xi32> -> vector<16xi32>
      %select_n3A_774 = arith.select %lt3A_4, %gather3A_770, %gather3A_773 : vector<16xi1>, vector<16xi32>
      %mul3A_775 = arith.constant 10 : i32
      %mul3A_776 = vector.broadcast %mul3A_775 : i32 to vector<16xi32>
      %mul3A_777 = arith.muli %select_n3A_767, %mul3A_776 : vector<16xi32>
      %add3A_778 = arith.addi %mul3A_777, %select_n3A_774 : vector<16xi32>
      %swap3A_779 = arith.constant 3 : i32
      %swap3A_780 = arith.index_cast %swap3A_779 : i32 to index
      %swap3A_781 = arith.constant 0 : index
      %swap3A_782 = tpu.vector_load %arg6[%swap3A_780, %swap3A_781] {strides = array<i32>} : memref<4x128xi32, #tpu.memory_space<vmem>>, vector<1x16xi32>,
      %swap3A_783 = vector.shape_cast %swap3A_782 : vector<1x16xi32> to vector<16xi32>
      %swap3A_784 = vector.shape_cast %add3A_778 : vector<16xi32> to vector<1x16xi32>
      tpu.vector_store %arg6[%swap3A_780, %swap3A_781], %swap3A_784 {strides = array<i32>} : memref<4x128xi32, #tpu.memory_space<vmem>>, vector<1x16xi32>,
      %get3A_785 = arith.constant 3 : i32
      %get3A_786 = arith.index_cast %get3A_785 : i32 to index
      %get3A_787 = arith.constant 32 : index
      %get3A_788 = tpu.vector_load %arg5[%get3A_786, %get3A_787] {strides = array<i32>} : memref<4x200xi32, #tpu.memory_space<vmem>>, vector<1x16xi32>,
      %get3A_789 = vector.shape_cast %get3A_788 : vector<1x16xi32> to vector<16xi32>
      %get3A_790 = arith.constant 3 : i32
      %get3A_791 = arith.index_cast %get3A_790 : i32 to index
      %get3A_792 = arith.constant 48 : index
      %get3A_793 = tpu.vector_load %arg5[%get3A_791, %get3A_792] {strides = array<i32>} : memref<4x200xi32, #tpu.memory_space<vmem>>, vector<1x16xi32>,
      %get3A_794 = vector.shape_cast %get3A_793 : vector<1x16xi32> to vector<16xi32>
      %broadcast_in_dim3A_795 = vector.shape_cast %and3A_9 : vector<16xi32> to vector<16x1xi32>
      %gather3A_796 = vector.shape_cast %broadcast_in_dim3A_795 : vector<16x1xi32> to vector<16xi32>
      %gather3A_797 = tpu.dynamic_gather %get3A_789[%gather3A_796] in [0] : vector<16xi32>, vector<16xi32> -> vector<16xi32>
      %broadcast_in_dim3A_798 = vector.shape_cast %and3A_9 : vector<16xi32> to vector<16x1xi32>
      %gather3A_799 = vector.shape_cast %broadcast_in_dim3A_798 : vector<16x1xi32> to vector<16xi32>
      %gather3A_800 = tpu.dynamic_gather %get3A_794[%gather3A_799] in [0] : vector<16xi32>, vector<16xi32> -> vector<16xi32>
      %select_n3A_801 = arith.select %lt3A_4, %gather3A_797, %gather3A_800 : vector<16xi1>, vector<16xi32>
      %broadcast_in_dim3A_802 = vector.shape_cast %and3A_18 : vector<16xi32> to vector<16x1xi32>
      %gather3A_803 = vector.shape_cast %broadcast_in_dim3A_802 : vector<16x1xi32> to vector<16xi32>
      %gather3A_804 = tpu.dynamic_gather %get3A_789[%gather3A_803] in [0] : vector<16xi32>, vector<16xi32> -> vector<16xi32>
      %broadcast_in_dim3A_805 = vector.shape_cast %and3A_18 : vector<16xi32> to vector<16x1xi32>
      %gather3A_806 = vector.shape_cast %broadcast_in_dim3A_805 : vector<16x1xi32> to vector<16xi32>
      %gather3A_807 = tpu.dynamic_gather %get3A_794[%gather3A_806] in [0] : vector<16xi32>, vector<16xi32> -> vector<16xi32>
      %select_n3A_808 = arith.select %lt3A_4, %gather3A_804, %gather3A_807 : vector<16xi1>, vector<16xi32>
      %mul3A_809 = arith.constant 10 : i32
      %mul3A_810 = vector.broadcast %mul3A_809 : i32 to vector<16xi32>
      %mul3A_811 = arith.muli %select_n3A_801, %mul3A_810 : vector<16xi32>
      %add3A_812 = arith.addi %mul3A_811, %select_n3A_808 : vector<16xi32>
      %swap3A_813 = arith.constant 3 : i32
      %swap3A_814 = arith.index_cast %swap3A_813 : i32 to index
      %swap3A_815 = arith.constant 16 : index
      %swap3A_816 = tpu.vector_load %arg6[%swap3A_814, %swap3A_815] {strides = array<i32>} : memref<4x128xi32, #tpu.memory_space<vmem>>, vector<1x16xi32>,
      %swap3A_817 = vector.shape_cast %swap3A_816 : vector<1x16xi32> to vector<16xi32>
      %swap3A_818 = vector.shape_cast %add3A_812 : vector<16xi32> to vector<1x16xi32>
      tpu.vector_store %arg6[%swap3A_814, %swap3A_815], %swap3A_818 {strides = array<i32>} : memref<4x128xi32, #tpu.memory_space<vmem>>, vector<1x16xi32>,
      %get3A_819 = arith.constant 3 : i32
      %get3A_820 = arith.index_cast %get3A_819 : i32 to index
      %get3A_821 = arith.constant 64 : index
      %get3A_822 = tpu.vector_load %arg5[%get3A_820, %get3A_821] {strides = array<i32>} : memref<4x200xi32, #tpu.memory_space<vmem>>, vector<1x16xi32>,
      %get3A_823 = vector.shape_cast %get3A_822 : vector<1x16xi32> to vector<16xi32>
      %get3A_824 = arith.constant 3 : i32
      %get3A_825 = arith.index_cast %get3A_824 : i32 to index
      %get3A_826 = arith.constant 80 : index
      %get3A_827 = tpu.vector_load %arg5[%get3A_825, %get3A_826] {strides = array<i32>} : memref<4x200xi32, #tpu.memory_space<vmem>>, vector<1x16xi32>,
      %get3A_828 = vector.shape_cast %get3A_827 : vector<1x16xi32> to vector<16xi32>
      %broadcast_in_dim3A_829 = vector.shape_cast %and3A_9 : vector<16xi32> to vector<16x1xi32>
      %gather3A_830 = vector.shape_cast %broadcast_in_dim3A_829 : vector<16x1xi32> to vector<16xi32>
      %gather3A_831 = tpu.dynamic_gather %get3A_823[%gather3A_830] in [0] : vector<16xi32>, vector<16xi32> -> vector<16xi32>
      %broadcast_in_dim3A_832 = vector.shape_cast %and3A_9 : vector<16xi32> to vector<16x1xi32>
      %gather3A_833 = vector.shape_cast %broadcast_in_dim3A_832 : vector<16x1xi32> to vector<16xi32>
      %gather3A_834 = tpu.dynamic_gather %get3A_828[%gather3A_833] in [0] : vector<16xi32>, vector<16xi32> -> vector<16xi32>
      %select_n3A_835 = arith.select %lt3A_4, %gather3A_831, %gather3A_834 : vector<16xi1>, vector<16xi32>
      %broadcast_in_dim3A_836 = vector.shape_cast %and3A_18 : vector<16xi32> to vector<16x1xi32>
      %gather3A_837 = vector.shape_cast %broadcast_in_dim3A_836 : vector<16x1xi32> to vector<16xi32>
      %gather3A_838 = tpu.dynamic_gather %get3A_823[%gather3A_837] in [0] : vector<16xi32>, vector<16xi32> -> vector<16xi32>
      %broadcast_in_dim3A_839 = vector.shape_cast %and3A_18 : vector<16xi32> to vector<16x1xi32>
      %gather3A_840 = vector.shape_cast %broadcast_in_dim3A_839 : vector<16x1xi32> to vector<16xi32>
      %gather3A_841 = tpu.dynamic_gather %get3A_828[%gather3A_840] in [0] : vector<16xi32>, vector<16xi32> -> vector<16xi32>
      %select_n3A_842 = arith.select %lt3A_4, %gather3A_838, %gather3A_841 : vector<16xi1>, vector<16xi32>
      %mul3A_843 = arith.constant 10 : i32
      %mul3A_844 = vector.broadcast %mul3A_843 : i32 to vector<16xi32>
      %mul3A_845 = arith.muli %select_n3A_835, %mul3A_844 : vector<16xi32>
      %add3A_846 = arith.addi %mul3A_845, %select_n3A_842 : vector<16xi32>
      %swap3A_847 = arith.constant 3 : i32
      %swap3A_848 = arith.index_cast %swap3A_847 : i32 to index
      %swap3A_849 = arith.constant 32 : index
      %swap3A_850 = tpu.vector_load %arg6[%swap3A_848, %swap3A_849] {strides = array<i32>} : memref<4x128xi32, #tpu.memory_space<vmem>>, vector<1x16xi32>,
      %swap3A_851 = vector.shape_cast %swap3A_850 : vector<1x16xi32> to vector<16xi32>
      %swap3A_852 = vector.shape_cast %add3A_846 : vector<16xi32> to vector<1x16xi32>
      tpu.vector_store %arg6[%swap3A_848, %swap3A_849], %swap3A_852 {strides = array<i32>} : memref<4x128xi32, #tpu.memory_space<vmem>>, vector<1x16xi32>,
      %get3A_853 = arith.constant 3 : i32
      %get3A_854 = arith.index_cast %get3A_853 : i32 to index
      %get3A_855 = arith.constant 96 : index
      %get3A_856 = tpu.vector_load %arg5[%get3A_854, %get3A_855] {strides = array<i32>} : memref<4x200xi32, #tpu.memory_space<vmem>>, vector<1x16xi32>,
      %get3A_857 = vector.shape_cast %get3A_856 : vector<1x16xi32> to vector<16xi32>
      %get3A_858 = arith.constant 3 : i32
      %get3A_859 = arith.index_cast %get3A_858 : i32 to index
      %get3A_860 = arith.constant 112 : index
      %get3A_861 = tpu.vector_load %arg5[%get3A_859, %get3A_860] {strides = array<i32>} : memref<4x200xi32, #tpu.memory_space<vmem>>, vector<1x16xi32>,
      %get3A_862 = vector.shape_cast %get3A_861 : vector<1x16xi32> to vector<16xi32>
      %broadcast_in_dim3A_863 = vector.shape_cast %and3A_9 : vector<16xi32> to vector<16x1xi32>
      %gather3A_864 = vector.shape_cast %broadcast_in_dim3A_863 : vector<16x1xi32> to vector<16xi32>
      %gather3A_865 = tpu.dynamic_gather %get3A_857[%gather3A_864] in [0] : vector<16xi32>, vector<16xi32> -> vector<16xi32>
      %broadcast_in_dim3A_866 = vector.shape_cast %and3A_9 : vector<16xi32> to vector<16x1xi32>
      %gather3A_867 = vector.shape_cast %broadcast_in_dim3A_866 : vector<16x1xi32> to vector<16xi32>
      %gather3A_868 = tpu.dynamic_gather %get3A_862[%gather3A_867] in [0] : vector<16xi32>, vector<16xi32> -> vector<16xi32>
      %select_n3A_869 = arith.select %lt3A_4, %gather3A_865, %gather3A_868 : vector<16xi1>, vector<16xi32>
      %broadcast_in_dim3A_870 = vector.shape_cast %and3A_18 : vector<16xi32> to vector<16x1xi32>
      %gather3A_871 = vector.shape_cast %broadcast_in_dim3A_870 : vector<16x1xi32> to vector<16xi32>
      %gather3A_872 = tpu.dynamic_gather %get3A_857[%gather3A_871] in [0] : vector<16xi32>, vector<16xi32> -> vector<16xi32>
      %broadcast_in_dim3A_873 = vector.shape_cast %and3A_18 : vector<16xi32> to vector<16x1xi32>
      %gather3A_874 = vector.shape_cast %broadcast_in_dim3A_873 : vector<16x1xi32> to vector<16xi32>
      %gather3A_875 = tpu.dynamic_gather %get3A_862[%gather3A_874] in [0] : vector<16xi32>, vector<16xi32> -> vector<16xi32>
      %select_n3A_876 = arith.select %lt3A_4, %gather3A_872, %gather3A_875 : vector<16xi1>, vector<16xi32>
      %mul3A_877 = arith.constant 10 : i32
      %mul3A_878 = vector.broadcast %mul3A_877 : i32 to vector<16xi32>
      %mul3A_879 = arith.muli %select_n3A_869, %mul3A_878 : vector<16xi32>
      %add3A_880 = arith.addi %mul3A_879, %select_n3A_876 : vector<16xi32>
      %swap3A_881 = arith.constant 3 : i32
      %swap3A_882 = arith.index_cast %swap3A_881 : i32 to index
      %swap3A_883 = arith.constant 48 : index
      %swap3A_884 = tpu.vector_load %arg6[%swap3A_882, %swap3A_883] {strides = array<i32>} : memref<4x128xi32, #tpu.memory_space<vmem>>, vector<1x16xi32>,
      %swap3A_885 = vector.shape_cast %swap3A_884 : vector<1x16xi32> to vector<16xi32>
      %swap3A_886 = vector.shape_cast %add3A_880 : vector<16xi32> to vector<1x16xi32>
      tpu.vector_store %arg6[%swap3A_882, %swap3A_883], %swap3A_886 {strides = array<i32>} : memref<4x128xi32, #tpu.memory_space<vmem>>, vector<1x16xi32>,
      %get3A_887 = arith.constant 3 : i32
      %get3A_888 = arith.index_cast %get3A_887 : i32 to index
      %get3A_889 = arith.constant 128 : index
      %get3A_890 = tpu.vector_load %arg5[%get3A_888, %get3A_889] {strides = array<i32>} : memref<4x200xi32, #tpu.memory_space<vmem>>, vector<1x16xi32>,
      %get3A_891 = vector.shape_cast %get3A_890 : vector<1x16xi32> to vector<16xi32>
      %get3A_892 = arith.constant 3 : i32
      %get3A_893 = arith.index_cast %get3A_892 : i32 to index
      %get3A_894 = arith.constant 144 : index
      %get3A_895 = tpu.vector_load %arg5[%get3A_893, %get3A_894] {strides = array<i32>} : memref<4x200xi32, #tpu.memory_space<vmem>>, vector<1x16xi32>,
      %get3A_896 = vector.shape_cast %get3A_895 : vector<1x16xi32> to vector<16xi32>
      %broadcast_in_dim3A_897 = vector.shape_cast %and3A_9 : vector<16xi32> to vector<16x1xi32>
      %gather3A_898 = vector.shape_cast %broadcast_in_dim3A_897 : vector<16x1xi32> to vector<16xi32>
      %gather3A_899 = tpu.dynamic_gather %get3A_891[%gather3A_898] in [0] : vector<16xi32>, vector<16xi32> -> vector<16xi32>
      %broadcast_in_dim3A_900 = vector.shape_cast %and3A_9 : vector<16xi32> to vector<16x1xi32>
      %gather3A_901 = vector.shape_cast %broadcast_in_dim3A_900 : vector<16x1xi32> to vector<16xi32>
      %gather3A_902 = tpu.dynamic_gather %get3A_896[%gather3A_901] in [0] : vector<16xi32>, vector<16xi32> -> vector<16xi32>
      %select_n3A_903 = arith.select %lt3A_4, %gather3A_899, %gather3A_902 : vector<16xi1>, vector<16xi32>
      %broadcast_in_dim3A_904 = vector.shape_cast %and3A_18 : vector<16xi32> to vector<16x1xi32>
      %gather3A_905 = vector.shape_cast %broadcast_in_dim3A_904 : vector<16x1xi32> to vector<16xi32>
      %gather3A_906 = tpu.dynamic_gather %get3A_891[%gather3A_905] in [0] : vector<16xi32>, vector<16xi32> -> vector<16xi32>
      %broadcast_in_dim3A_907 = vector.shape_cast %and3A_18 : vector<16xi32> to vector<16x1xi32>
      %gather3A_908 = vector.shape_cast %broadcast_in_dim3A_907 : vector<16x1xi32> to vector<16xi32>
      %gather3A_909 = tpu.dynamic_gather %get3A_896[%gather3A_908] in [0] : vector<16xi32>, vector<16xi32> -> vector<16xi32>
      %select_n3A_910 = arith.select %lt3A_4, %gather3A_906, %gather3A_909 : vector<16xi1>, vector<16xi32>
      %mul3A_911 = arith.constant 10 : i32
      %mul3A_912 = vector.broadcast %mul3A_911 : i32 to vector<16xi32>
      %mul3A_913 = arith.muli %select_n3A_903, %mul3A_912 : vector<16xi32>
      %add3A_914 = arith.addi %mul3A_913, %select_n3A_910 : vector<16xi32>
      %swap3A_915 = arith.constant 3 : i32
      %swap3A_916 = arith.index_cast %swap3A_915 : i32 to index
      %swap3A_917 = arith.constant 64 : index
      %swap3A_918 = tpu.vector_load %arg6[%swap3A_916, %swap3A_917] {strides = array<i32>} : memref<4x128xi32, #tpu.memory_space<vmem>>, vector<1x16xi32>,
      %swap3A_919 = vector.shape_cast %swap3A_918 : vector<1x16xi32> to vector<16xi32>
      %swap3A_920 = vector.shape_cast %add3A_914 : vector<16xi32> to vector<1x16xi32>
      tpu.vector_store %arg6[%swap3A_916, %swap3A_917], %swap3A_920 {strides = array<i32>} : memref<4x128xi32, #tpu.memory_space<vmem>>, vector<1x16xi32>,
      %get3A_921 = arith.constant 3 : i32
      %get3A_922 = arith.index_cast %get3A_921 : i32 to index
      %get3A_923 = arith.constant 160 : index
      %get3A_924 = tpu.vector_load %arg5[%get3A_922, %get3A_923] {strides = array<i32>} : memref<4x200xi32, #tpu.memory_space<vmem>>, vector<1x16xi32>,
      %get3A_925 = vector.shape_cast %get3A_924 : vector<1x16xi32> to vector<16xi32>
      %get3A_926 = arith.constant 3 : i32
      %get3A_927 = arith.index_cast %get3A_926 : i32 to index
      %get3A_928 = arith.constant 176 : index
      %get3A_929 = tpu.vector_load %arg5[%get3A_927, %get3A_928] {strides = array<i32>} : memref<4x200xi32, #tpu.memory_space<vmem>>, vector<1x16xi32>,
      %get3A_930 = vector.shape_cast %get3A_929 : vector<1x16xi32> to vector<16xi32>
      %broadcast_in_dim3A_931 = vector.shape_cast %and3A_9 : vector<16xi32> to vector<16x1xi32>
      %gather3A_932 = vector.shape_cast %broadcast_in_dim3A_931 : vector<16x1xi32> to vector<16xi32>
      %gather3A_933 = tpu.dynamic_gather %get3A_925[%gather3A_932] in [0] : vector<16xi32>, vector<16xi32> -> vector<16xi32>
      %broadcast_in_dim3A_934 = vector.shape_cast %and3A_9 : vector<16xi32> to vector<16x1xi32>
      %gather3A_935 = vector.shape_cast %broadcast_in_dim3A_934 : vector<16x1xi32> to vector<16xi32>
      %gather3A_936 = tpu.dynamic_gather %get3A_930[%gather3A_935] in [0] : vector<16xi32>, vector<16xi32> -> vector<16xi32>
      %select_n3A_937 = arith.select %lt3A_4, %gather3A_933, %gather3A_936 : vector<16xi1>, vector<16xi32>
      %broadcast_in_dim3A_938 = vector.shape_cast %and3A_18 : vector<16xi32> to vector<16x1xi32>
      %gather3A_939 = vector.shape_cast %broadcast_in_dim3A_938 : vector<16x1xi32> to vector<16xi32>
      %gather3A_940 = tpu.dynamic_gather %get3A_925[%gather3A_939] in [0] : vector<16xi32>, vector<16xi32> -> vector<16xi32>
      %broadcast_in_dim3A_941 = vector.shape_cast %and3A_18 : vector<16xi32> to vector<16x1xi32>
      %gather3A_942 = vector.shape_cast %broadcast_in_dim3A_941 : vector<16x1xi32> to vector<16xi32>
      %gather3A_943 = tpu.dynamic_gather %get3A_930[%gather3A_942] in [0] : vector<16xi32>, vector<16xi32> -> vector<16xi32>
      %select_n3A_944 = arith.select %lt3A_4, %gather3A_940, %gather3A_943 : vector<16xi1>, vector<16xi32>
      %mul3A_945 = arith.constant 10 : i32
      %mul3A_946 = vector.broadcast %mul3A_945 : i32 to vector<16xi32>
      %mul3A_947 = arith.muli %select_n3A_937, %mul3A_946 : vector<16xi32>
      %add3A_948 = arith.addi %mul3A_947, %select_n3A_944 : vector<16xi32>
      %swap3A_949 = arith.constant 3 : i32
      %swap3A_950 = arith.index_cast %swap3A_949 : i32 to index
      %swap3A_951 = arith.constant 80 : index
      %swap3A_952 = tpu.vector_load %arg6[%swap3A_950, %swap3A_951] {strides = array<i32>} : memref<4x128xi32, #tpu.memory_space<vmem>>, vector<1x16xi32>,
      %swap3A_953 = vector.shape_cast %swap3A_952 : vector<1x16xi32> to vector<16xi32>
      %swap3A_954 = vector.shape_cast %add3A_948 : vector<16xi32> to vector<1x16xi32>
      tpu.vector_store %arg6[%swap3A_950, %swap3A_951], %swap3A_954 {strides = array<i32>} : memref<4x128xi32, #tpu.memory_space<vmem>>, vector<1x16xi32>,
      %get3A_955 = arith.constant 3 : i32
      %get3A_956 = arith.index_cast %get3A_955 : i32 to index
      %get3A_957 = arith.constant 184 : index
      %get3A_958 = tpu.vector_load %arg5[%get3A_956, %get3A_957] {strides = array<i32>} : memref<4x200xi32, #tpu.memory_space<vmem>>, vector<1x16xi32>,
      %get3A_959 = vector.shape_cast %get3A_958 : vector<1x16xi32> to vector<16xi32>
      %broadcast_in_dim3A_960 = vector.shape_cast %and3A_27 : vector<16xi32> to vector<16x1xi32>
      %gather3A_961 = vector.shape_cast %broadcast_in_dim3A_960 : vector<16x1xi32> to vector<16xi32>
      %gather3A_962 = tpu.dynamic_gather %get3A_959[%gather3A_961] in [0] : vector<16xi32>, vector<16xi32> -> vector<16xi32>
      %mul3A_963 = arith.constant 10 : i32
      %mul3A_964 = vector.broadcast %mul3A_963 : i32 to vector<16xi32>
      %mul3A_965 = arith.muli %gather3A_962, %mul3A_964 : vector<16xi32>
      %broadcast_in_dim3A_966 = vector.shape_cast %and3A_36 : vector<16xi32> to vector<16x1xi32>
      %gather3A_967 = vector.shape_cast %broadcast_in_dim3A_966 : vector<16x1xi32> to vector<16xi32>
      %gather3A_968 = tpu.dynamic_gather %get3A_959[%gather3A_967] in [0] : vector<16xi32>, vector<16xi32> -> vector<16xi32>
      %add3A_969 = arith.addi %mul3A_965, %gather3A_968 : vector<16xi32>
      %swap3A_970 = arith.constant 3 : i32
      %swap3A_971 = arith.index_cast %swap3A_970 : i32 to index
      %swap3A_972 = arith.constant 96 : index
      %swap3A_973 = tpu.vector_load %arg6[%swap3A_971, %swap3A_972] {strides = array<i32>} : memref<4x128xi32, #tpu.memory_space<vmem>>, vector<1x16xi32>,
      %swap3A_974 = vector.shape_cast %swap3A_973 : vector<1x16xi32> to vector<16xi32>
      %swap3A_975 = vector.shape_cast %add3A_969 : vector<16xi32> to vector<1x16xi32>
      tpu.vector_store %arg6[%swap3A_971, %swap3A_972], %swap3A_975 {strides = array<i32>} : memref<4x128xi32, #tpu.memory_space<vmem>>, vector<1x16xi32>,
      %ge3A = arith.constant 1 : i32
      %ge3A_976 = arith.cmpi sge, %scan3A_71, %ge3A : i32
      %convert_element_type3A_977 = arith.extui %ge3A_976 : i1 to i32
      %cond3A_978 = arith.constant 0 : i32
      %cond3A_979 = arith.cmpi ne, %convert_element_type3A_977, %cond3A_978 : i32
      scf.if %cond3A_979 {
        %dma_wait3A_2115 = arith.constant 0 : i32
        %dma_wait3A_2116 = arith.constant 0 : i32
        %dma_wait3A_2117 = arith.constant 0 : i32
        %dma_wait3A_2118 = tpu.memref_slice %arg7[%dma_wait3A_2115, %dma_wait3A_2116, %dma_wait3A_2117] : memref<2x400x128xf32, #tpu.memory_space<vmem>> -> memref<1x400x128xf32, #tpu.memory_space<vmem>>
        %dma_wait3A_2119 = tpu.memref_squeeze %dma_wait3A_2118 : memref<1x400x128xf32, #tpu.memory_space<vmem>> -> memref<400x128xf32, #tpu.memory_space<vmem>>
        %dma_wait3A_2120 = arith.constant 0 : i32
        %dma_wait3A_2121 = arith.constant 0 : i32
        %dma_wait3A_2122 = tpu.memref_slice %arg4[%dma_wait3A_2120, %dma_wait3A_2121] : memref<1638400x128xf32, #tpu.memory_space<hbm>> -> memref<400x128xf32, #tpu.memory_space<hbm>>
        %dma_wait3A_2123 = arith.constant 0 : i32
        %dma_wait3A_2124 = arith.constant 0 : i32
        %dma_wait3A_2125 = tpu.memref_slice %arg4[%dma_wait3A_2123, %dma_wait3A_2124] : memref<1638400x128xf32, #tpu.memory_space<hbm>> -> memref<400x128xf32, #tpu.memory_space<hbm>>
        %dma_wait3A_2126 = arith.constant 0 : i32
        %dma_wait3A_2127 = arith.constant 0 : i32
        %dma_wait3A_2128 = tpu.memref_slice %arg7[%dma_wait3A_2115, %dma_wait3A_2126, %dma_wait3A_2127] : memref<2x400x128xf32, #tpu.memory_space<vmem>> -> memref<1x400x128xf32, #tpu.memory_space<vmem>>
        %dma_wait3A_2129 = tpu.memref_squeeze %dma_wait3A_2128 : memref<1x400x128xf32, #tpu.memory_space<vmem>> -> memref<400x128xf32, #tpu.memory_space<vmem>>
        tpu.wait_dma2 semaphore(%arg10 : memref<!tpu.dma_semaphore, #tpu.memory_space<semaphore_mem>>) src(%dma_wait3A_2129 : memref<400x128xf32, #tpu.memory_space<vmem>>) dst(%dma_wait3A_2125 : memref<400x128xf32, #tpu.memory_space<hbm>>)
      } else {
      }
      %dma_start3A = arith.constant 0 : i32
      %dma_start3A_980 = arith.constant 0 : i32
      %dma_start3A_981 = arith.constant 0 : i32
      %dma_start3A_982 = arith.constant 0 : i32
      %dma_start3A_983 = tpu.memref_slice %arg7[%dma_start3A_980, %dma_start3A_981, %dma_start3A_982] : memref<2x400x128xf32, #tpu.memory_space<vmem>> -> memref<1x100x128xf32, #tpu.memory_space<vmem>>
      %dma_start3A_984 = tpu.memref_squeeze %dma_start3A_983 : memref<1x100x128xf32, #tpu.memory_space<vmem>> -> memref<100x128xf32, #tpu.memory_space<vmem>>
      %dma_start3A_985 = arith.constant 0 : i32
      %dma_start3A_986 = tpu.memref_slice %arg6[%dma_start3A, %dma_start3A_985] : memref<4x128xi32, #tpu.memory_space<vmem>> -> memref<1x100xi32, #tpu.memory_space<vmem>>
      %dma_start3A_987 = tpu.memref_squeeze %dma_start3A_986 : memref<1x100xi32, #tpu.memory_space<vmem>> -> memref<100xi32, #tpu.memory_space<vmem>>
      %dma_start3A_988 = arith.constant 0 : i32
      %dma_start3A_989 = arith.constant 0 : i32
      %dma_start3A_990 = tpu.memref_slice %arg8[%dma_start3A_988, %dma_start3A_989] : memref<100x128xf32, #tpu.memory_space<vmem_shared>> -> memref<100x128xf32, #tpu.memory_space<vmem_shared>>
      tpu.enqueue_indirect_dma source(%dma_start3A_990 : memref<100x128xf32, #tpu.memory_space<vmem_shared>>) target(%dma_start3A_984 : memref<100x128xf32, #tpu.memory_space<vmem>>) offsets(%dma_start3A_987 : memref<100xi32, #tpu.memory_space<vmem>>) semaphore(%arg9 : memref<!tpu.dma_semaphore, #tpu.memory_space<semaphore_mem>>)
      %dma_start3A_991 = arith.constant 1 : i32
      %dma_start3A_992 = arith.constant 0 : i32
      %dma_start3A_993 = arith.constant 100 : i32
      %dma_start3A_994 = arith.constant 0 : i32
      %dma_start3A_995 = tpu.memref_slice %arg7[%dma_start3A_992, %dma_start3A_993, %dma_start3A_994] : memref<2x400x128xf32, #tpu.memory_space<vmem>> -> memref<1x100x128xf32, #tpu.memory_space<vmem>>
      %dma_start3A_996 = tpu.memref_squeeze %dma_start3A_995 : memref<1x100x128xf32, #tpu.memory_space<vmem>> -> memref<100x128xf32, #tpu.memory_space<vmem>>
      %dma_start3A_997 = arith.constant 0 : i32
      %dma_start3A_998 = tpu.memref_slice %arg6[%dma_start3A_991, %dma_start3A_997] : memref<4x128xi32, #tpu.memory_space<vmem>> -> memref<1x100xi32, #tpu.memory_space<vmem>>
      %dma_start3A_999 = tpu.memref_squeeze %dma_start3A_998 : memref<1x100xi32, #tpu.memory_space<vmem>> -> memref<100xi32, #tpu.memory_space<vmem>>
      %dma_start3A_1000 = arith.constant 0 : i32
      %dma_start3A_1001 = arith.constant 0 : i32
      %dma_start3A_1002 = tpu.memref_slice %arg8[%dma_start3A_1000, %dma_start3A_1001] : memref<100x128xf32, #tpu.memory_space<vmem_shared>> -> memref<100x128xf32, #tpu.memory_space<vmem_shared>>
      tpu.enqueue_indirect_dma source(%dma_start3A_1002 : memref<100x128xf32, #tpu.memory_space<vmem_shared>>) target(%dma_start3A_996 : memref<100x128xf32, #tpu.memory_space<vmem>>) offsets(%dma_start3A_999 : memref<100xi32, #tpu.memory_space<vmem>>) semaphore(%arg9 : memref<!tpu.dma_semaphore, #tpu.memory_space<semaphore_mem>>)
      %dma_start3A_1003 = arith.constant 2 : i32
      %dma_start3A_1004 = arith.constant 0 : i32
      %dma_start3A_1005 = arith.constant 200 : i32
      %dma_start3A_1006 = arith.constant 0 : i32
      %dma_start3A_1007 = tpu.memref_slice %arg7[%dma_start3A_1004, %dma_start3A_1005, %dma_start3A_1006] : memref<2x400x128xf32, #tpu.memory_space<vmem>> -> memref<1x100x128xf32, #tpu.memory_space<vmem>>
      %dma_start3A_1008 = tpu.memref_squeeze %dma_start3A_1007 : memref<1x100x128xf32, #tpu.memory_space<vmem>> -> memref<100x128xf32, #tpu.memory_space<vmem>>
      %dma_start3A_1009 = arith.constant 0 : i32
      %dma_start3A_1010 = tpu.memref_slice %arg6[%dma_start3A_1003, %dma_start3A_1009] : memref<4x128xi32, #tpu.memory_space<vmem>> -> memref<1x100xi32, #tpu.memory_space<vmem>>
      %dma_start3A_1011 = tpu.memref_squeeze %dma_start3A_1010 : memref<1x100xi32, #tpu.memory_space<vmem>> -> memref<100xi32, #tpu.memory_space<vmem>>
      %dma_start3A_1012 = arith.constant 0 : i32
      %dma_start3A_1013 = arith.constant 0 : i32
      %dma_start3A_1014 = tpu.memref_slice %arg8[%dma_start3A_1012, %dma_start3A_1013] : memref<100x128xf32, #tpu.memory_space<vmem_shared>> -> memref<100x128xf32, #tpu.memory_space<vmem_shared>>
      tpu.enqueue_indirect_dma source(%dma_start3A_1014 : memref<100x128xf32, #tpu.memory_space<vmem_shared>>) target(%dma_start3A_1008 : memref<100x128xf32, #tpu.memory_space<vmem>>) offsets(%dma_start3A_1011 : memref<100xi32, #tpu.memory_space<vmem>>) semaphore(%arg9 : memref<!tpu.dma_semaphore, #tpu.memory_space<semaphore_mem>>)
      %dma_start3A_1015 = arith.constant 3 : i32
      %dma_start3A_1016 = arith.constant 0 : i32
      %dma_start3A_1017 = arith.constant 300 : i32
      %dma_start3A_1018 = arith.constant 0 : i32
      %dma_start3A_1019 = tpu.memref_slice %arg7[%dma_start3A_1016, %dma_start3A_1017, %dma_start3A_1018] : memref<2x400x128xf32, #tpu.memory_space<vmem>> -> memref<1x100x128xf32, #tpu.memory_space<vmem>>
      %dma_start3A_1020 = tpu.memref_squeeze %dma_start3A_1019 : memref<1x100x128xf32, #tpu.memory_space<vmem>> -> memref<100x128xf32, #tpu.memory_space<vmem>>
      %dma_start3A_1021 = arith.constant 0 : i32
      %dma_start3A_1022 = tpu.memref_slice %arg6[%dma_start3A_1015, %dma_start3A_1021] : memref<4x128xi32, #tpu.memory_space<vmem>> -> memref<1x100xi32, #tpu.memory_space<vmem>>
      %dma_start3A_1023 = tpu.memref_squeeze %dma_start3A_1022 : memref<1x100xi32, #tpu.memory_space<vmem>> -> memref<100xi32, #tpu.memory_space<vmem>>
      %dma_start3A_1024 = arith.constant 0 : i32
      %dma_start3A_1025 = arith.constant 0 : i32
      %dma_start3A_1026 = tpu.memref_slice %arg8[%dma_start3A_1024, %dma_start3A_1025] : memref<100x128xf32, #tpu.memory_space<vmem_shared>> -> memref<100x128xf32, #tpu.memory_space<vmem_shared>>
      tpu.enqueue_indirect_dma source(%dma_start3A_1026 : memref<100x128xf32, #tpu.memory_space<vmem_shared>>) target(%dma_start3A_1020 : memref<100x128xf32, #tpu.memory_space<vmem>>) offsets(%dma_start3A_1023 : memref<100xi32, #tpu.memory_space<vmem>>) semaphore(%arg9 : memref<!tpu.dma_semaphore, #tpu.memory_space<semaphore_mem>>)
      %dma_wait3A_1027 = arith.constant 0 : i32
      %dma_wait3A_1028 = arith.constant 0 : i32
      %dma_wait3A_1029 = arith.constant 0 : i32
      %dma_wait3A_1030 = arith.constant 0 : i32
      %dma_wait3A_1031 = tpu.memref_slice %arg7[%dma_wait3A_1028, %dma_wait3A_1029, %dma_wait3A_1030] : memref<2x400x128xf32, #tpu.memory_space<vmem>> -> memref<1x100x128xf32, #tpu.memory_space<vmem>>
      %dma_wait3A_1032 = tpu.memref_squeeze %dma_wait3A_1031 : memref<1x100x128xf32, #tpu.memory_space<vmem>> -> memref<100x128xf32, #tpu.memory_space<vmem>>
      %dma_wait3A_1033 = arith.constant 0 : i32
      %dma_wait3A_1034 = tpu.memref_slice %arg6[%dma_wait3A_1027, %dma_wait3A_1033] : memref<4x128xi32, #tpu.memory_space<vmem>> -> memref<1x100xi32, #tpu.memory_space<vmem>>
      %dma_wait3A_1035 = tpu.memref_squeeze %dma_wait3A_1034 : memref<1x100xi32, #tpu.memory_space<vmem>> -> memref<100xi32, #tpu.memory_space<vmem>>
      %dma_wait3A_1036 = arith.constant 0 : i32
      %dma_wait3A_1037 = arith.constant 0 : i32
      %dma_wait3A_1038 = tpu.memref_slice %arg8[%dma_wait3A_1036, %dma_wait3A_1037] : memref<100x128xf32, #tpu.memory_space<vmem_shared>> -> memref<100x128xf32, #tpu.memory_space<vmem_shared>>
      tpu.wait_indirect_dma semaphore(%arg9 : memref<!tpu.dma_semaphore, #tpu.memory_space<semaphore_mem>>) src(%dma_wait3A_1038 : memref<100x128xf32, #tpu.memory_space<vmem_shared>>) dst(%dma_wait3A_1032 : memref<100x128xf32, #tpu.memory_space<vmem>>)
      %dma_wait3A_1039 = arith.constant 1 : i32
      %dma_wait3A_1040 = arith.constant 0 : i32
      %dma_wait3A_1041 = arith.constant 100 : i32
      %dma_wait3A_1042 = arith.constant 0 : i32
      %dma_wait3A_1043 = tpu.memref_slice %arg7[%dma_wait3A_1040, %dma_wait3A_1041, %dma_wait3A_1042] : memref<2x400x128xf32, #tpu.memory_space<vmem>> -> memref<1x100x128xf32, #tpu.memory_space<vmem>>
      %dma_wait3A_1044 = tpu.memref_squeeze %dma_wait3A_1043 : memref<1x100x128xf32, #tpu.memory_space<vmem>> -> memref<100x128xf32, #tpu.memory_space<vmem>>
      %dma_wait3A_1045 = arith.constant 0 : i32
      %dma_wait3A_1046 = tpu.memref_slice %arg6[%dma_wait3A_1039, %dma_wait3A_1045] : memref<4x128xi32, #tpu.memory_space<vmem>> -> memref<1x100xi32, #tpu.memory_space<vmem>>
      %dma_wait3A_1047 = tpu.memref_squeeze %dma_wait3A_1046 : memref<1x100xi32, #tpu.memory_space<vmem>> -> memref<100xi32, #tpu.memory_space<vmem>>
      %dma_wait3A_1048 = arith.constant 0 : i32
      %dma_wait3A_1049 = arith.constant 0 : i32
      %dma_wait3A_1050 = tpu.memref_slice %arg8[%dma_wait3A_1048, %dma_wait3A_1049] : memref<100x128xf32, #tpu.memory_space<vmem_shared>> -> memref<100x128xf32, #tpu.memory_space<vmem_shared>>
      tpu.wait_indirect_dma semaphore(%arg9 : memref<!tpu.dma_semaphore, #tpu.memory_space<semaphore_mem>>) src(%dma_wait3A_1050 : memref<100x128xf32, #tpu.memory_space<vmem_shared>>) dst(%dma_wait3A_1044 : memref<100x128xf32, #tpu.memory_space<vmem>>)
      %dma_wait3A_1051 = arith.constant 2 : i32
      %dma_wait3A_1052 = arith.constant 0 : i32
      %dma_wait3A_1053 = arith.constant 200 : i32
      %dma_wait3A_1054 = arith.constant 0 : i32
      %dma_wait3A_1055 = tpu.memref_slice %arg7[%dma_wait3A_1052, %dma_wait3A_1053, %dma_wait3A_1054] : memref<2x400x128xf32, #tpu.memory_space<vmem>> -> memref<1x100x128xf32, #tpu.memory_space<vmem>>
      %dma_wait3A_1056 = tpu.memref_squeeze %dma_wait3A_1055 : memref<1x100x128xf32, #tpu.memory_space<vmem>> -> memref<100x128xf32, #tpu.memory_space<vmem>>
      %dma_wait3A_1057 = arith.constant 0 : i32
      %dma_wait3A_1058 = tpu.memref_slice %arg6[%dma_wait3A_1051, %dma_wait3A_1057] : memref<4x128xi32, #tpu.memory_space<vmem>> -> memref<1x100xi32, #tpu.memory_space<vmem>>
      %dma_wait3A_1059 = tpu.memref_squeeze %dma_wait3A_1058 : memref<1x100xi32, #tpu.memory_space<vmem>> -> memref<100xi32, #tpu.memory_space<vmem>>
      %dma_wait3A_1060 = arith.constant 0 : i32
      %dma_wait3A_1061 = arith.constant 0 : i32
      %dma_wait3A_1062 = tpu.memref_slice %arg8[%dma_wait3A_1060, %dma_wait3A_1061] : memref<100x128xf32, #tpu.memory_space<vmem_shared>> -> memref<100x128xf32, #tpu.memory_space<vmem_shared>>
      tpu.wait_indirect_dma semaphore(%arg9 : memref<!tpu.dma_semaphore, #tpu.memory_space<semaphore_mem>>) src(%dma_wait3A_1062 : memref<100x128xf32, #tpu.memory_space<vmem_shared>>) dst(%dma_wait3A_1056 : memref<100x128xf32, #tpu.memory_space<vmem>>)
      %dma_wait3A_1063 = arith.constant 3 : i32
      %dma_wait3A_1064 = arith.constant 0 : i32
      %dma_wait3A_1065 = arith.constant 300 : i32
      %dma_wait3A_1066 = arith.constant 0 : i32
      %dma_wait3A_1067 = tpu.memref_slice %arg7[%dma_wait3A_1064, %dma_wait3A_1065, %dma_wait3A_1066] : memref<2x400x128xf32, #tpu.memory_space<vmem>> -> memref<1x100x128xf32, #tpu.memory_space<vmem>>
      %dma_wait3A_1068 = tpu.memref_squeeze %dma_wait3A_1067 : memref<1x100x128xf32, #tpu.memory_space<vmem>> -> memref<100x128xf32, #tpu.memory_space<vmem>>
      %dma_wait3A_1069 = arith.constant 0 : i32
      %dma_wait3A_1070 = tpu.memref_slice %arg6[%dma_wait3A_1063, %dma_wait3A_1069] : memref<4x128xi32, #tpu.memory_space<vmem>> -> memref<1x100xi32, #tpu.memory_space<vmem>>
      %dma_wait3A_1071 = tpu.memref_squeeze %dma_wait3A_1070 : memref<1x100xi32, #tpu.memory_space<vmem>> -> memref<100xi32, #tpu.memory_space<vmem>>
      %dma_wait3A_1072 = arith.constant 0 : i32
      %dma_wait3A_1073 = arith.constant 0 : i32
      %dma_wait3A_1074 = tpu.memref_slice %arg8[%dma_wait3A_1072, %dma_wait3A_1073] : memref<100x128xf32, #tpu.memory_space<vmem_shared>> -> memref<100x128xf32, #tpu.memory_space<vmem_shared>>
      tpu.wait_indirect_dma semaphore(%arg9 : memref<!tpu.dma_semaphore, #tpu.memory_space<semaphore_mem>>) src(%dma_wait3A_1074 : memref<100x128xf32, #tpu.memory_space<vmem_shared>>) dst(%dma_wait3A_1068 : memref<100x128xf32, #tpu.memory_space<vmem>>)
      %mul3A_1075 = arith.constant 100 : i32
      %mul3A_1076 = arith.muli %add3A_80, %mul3A_1075 : i32
      %dma_start3A_1077 = arith.constant 0 : i32
      %dma_start3A_1078 = arith.constant 0 : i32
      %dma_start3A_1079 = arith.constant 0 : i32
      %dma_start3A_1080 = tpu.memref_slice %arg7[%dma_start3A_1077, %dma_start3A_1078, %dma_start3A_1079] : memref<2x400x128xf32, #tpu.memory_space<vmem>> -> memref<1x400x128xf32, #tpu.memory_space<vmem>>
      %dma_start3A_1081 = tpu.memref_squeeze %dma_start3A_1080 : memref<1x400x128xf32, #tpu.memory_space<vmem>> -> memref<400x128xf32, #tpu.memory_space<vmem>>
      %dma_start3A_1082 = arith.constant 0 : i32
      %dma_start3A_1083 = tpu.memref_slice %arg4[%mul3A_1076, %dma_start3A_1082] : memref<1638400x128xf32, #tpu.memory_space<hbm>> -> memref<400x128xf32, #tpu.memory_space<hbm>>
      %dma_start3A_1084 = arith.constant 0 : i32
      %dma_start3A_1085 = tpu.memref_slice %arg4[%mul3A_1076, %dma_start3A_1084] : memref<1638400x128xf32, #tpu.memory_space<hbm>> -> memref<400x128xf32, #tpu.memory_space<hbm>>
      %dma_start3A_1086 = arith.constant 0 : i32
      %dma_start3A_1087 = arith.constant 0 : i32
      %dma_start3A_1088 = tpu.memref_slice %arg7[%dma_start3A_1077, %dma_start3A_1086, %dma_start3A_1087] : memref<2x400x128xf32, #tpu.memory_space<vmem>> -> memref<1x400x128xf32, #tpu.memory_space<vmem>>
      %dma_start3A_1089 = tpu.memref_squeeze %dma_start3A_1088 : memref<1x400x128xf32, #tpu.memory_space<vmem>> -> memref<400x128xf32, #tpu.memory_space<vmem>>
      tpu.enqueue_dma source(%dma_start3A_1089 : memref<400x128xf32, #tpu.memory_space<vmem>>) target(%dma_start3A_1085 : memref<400x128xf32, #tpu.memory_space<hbm>>) target_semaphore(%arg10 : memref<!tpu.dma_semaphore, #tpu.memory_space<semaphore_mem>>)
      %mul3A_1090 = arith.constant 2 : i32
      %mul3A_1091 = arith.muli %mul3A_1090, %scan3A_71 : i32
      %add3A_1092 = arith.constant 1 : i32
      %add3A_1093 = arith.addi %mul3A_1091, %add3A_1092 : i32
      %mul3A_1094 = arith.constant 512 : i32
      %mul3A_1095 = arith.muli %add3A, %mul3A_1094 : i32
      %mul3A_1096 = arith.constant 4 : i32
      %mul3A_1097 = arith.muli %add3A_1093, %mul3A_1096 : i32
      %add3A_1098 = arith.addi %mul3A_1095, %mul3A_1097 : i32
      "tpu.region"() ({
        %run_scoped3A = tpu.sem_alloc : memref<!tpu.dma_semaphore, #tpu.memory_space<semaphore_mem>>
        %dma_start3A_2115 = arith.constant 0 : i32
        %dma_start3A_2116 = tpu.memref_slice %arg2[%add3A_1098, %dma_start3A_2115] : memref<16384x200xi32, #tpu.memory_space<hbm>> -> memref<4x200xi32, #tpu.memory_space<hbm>>
        %dma_start3A_2117 = arith.constant 0 : i32
        %dma_start3A_2118 = tpu.memref_slice %arg2[%add3A_1098, %dma_start3A_2117] : memref<16384x200xi32, #tpu.memory_space<hbm>> -> memref<4x200xi32, #tpu.memory_space<hbm>>
        tpu.enqueue_dma source(%dma_start3A_2118 : memref<4x200xi32, #tpu.memory_space<hbm>>) target(%arg5 : memref<4x200xi32, #tpu.memory_space<vmem>>) target_semaphore(%run_scoped3A : memref<!tpu.dma_semaphore, #tpu.memory_space<semaphore_mem>>)
        %dma_wait3A_2119 = arith.constant 0 : i32
        %dma_wait3A_2120 = tpu.memref_slice %arg2[%add3A_1098, %dma_wait3A_2119] : memref<16384x200xi32, #tpu.memory_space<hbm>> -> memref<4x200xi32, #tpu.memory_space<hbm>>
        %dma_wait3A_2121 = arith.constant 0 : i32
        %dma_wait3A_2122 = tpu.memref_slice %arg2[%add3A_1098, %dma_wait3A_2121] : memref<16384x200xi32, #tpu.memory_space<hbm>> -> memref<4x200xi32, #tpu.memory_space<hbm>>
        tpu.wait_dma2 semaphore(%run_scoped3A : memref<!tpu.dma_semaphore, #tpu.memory_space<semaphore_mem>>) src(%dma_wait3A_2122 : memref<4x200xi32, #tpu.memory_space<hbm>>) dst(%arg5 : memref<4x200xi32, #tpu.memory_space<vmem>>)
        tpu.yield
      }) : () -> ()
      %get3A_1099 = arith.constant 0 : i32
      %get3A_1100 = arith.index_cast %get3A_1099 : i32 to index
      %get3A_1101 = arith.constant 0 : index
      %get3A_1102 = tpu.vector_load %arg5[%get3A_1100, %get3A_1101] {strides = array<i32>} : memref<4x200xi32, #tpu.memory_space<vmem>>, vector<1x16xi32>,
      %get3A_1103 = vector.shape_cast %get3A_1102 : vector<1x16xi32> to vector<16xi32>
      %get3A_1104 = arith.constant 0 : i32
      %get3A_1105 = arith.index_cast %get3A_1104 : i32 to index
      %get3A_1106 = arith.constant 16 : index
      %get3A_1107 = tpu.vector_load %arg5[%get3A_1105, %get3A_1106] {strides = array<i32>} : memref<4x200xi32, #tpu.memory_space<vmem>>, vector<1x16xi32>,
      %get3A_1108 = vector.shape_cast %get3A_1107 : vector<1x16xi32> to vector<16xi32>
      %broadcast_in_dim3A_1109 = vector.shape_cast %and3A_9 : vector<16xi32> to vector<16x1xi32>
      %gather3A_1110 = vector.shape_cast %broadcast_in_dim3A_1109 : vector<16x1xi32> to vector<16xi32>
      %gather3A_1111 = tpu.dynamic_gather %get3A_1103[%gather3A_1110] in [0] : vector<16xi32>, vector<16xi32> -> vector<16xi32>
      %broadcast_in_dim3A_1112 = vector.shape_cast %and3A_9 : vector<16xi32> to vector<16x1xi32>
      %gather3A_1113 = vector.shape_cast %broadcast_in_dim3A_1112 : vector<16x1xi32> to vector<16xi32>
      %gather3A_1114 = tpu.dynamic_gather %get3A_1108[%gather3A_1113] in [0] : vector<16xi32>, vector<16xi32> -> vector<16xi32>
      %select_n3A_1115 = arith.select %lt3A_4, %gather3A_1111, %gather3A_1114 : vector<16xi1>, vector<16xi32>
      %broadcast_in_dim3A_1116 = vector.shape_cast %and3A_18 : vector<16xi32> to vector<16x1xi32>
      %gather3A_1117 = vector.shape_cast %broadcast_in_dim3A_1116 : vector<16x1xi32> to vector<16xi32>
      %gather3A_1118 = tpu.dynamic_gather %get3A_1103[%gather3A_1117] in [0] : vector<16xi32>, vector<16xi32> -> vector<16xi32>
      %broadcast_in_dim3A_1119 = vector.shape_cast %and3A_18 : vector<16xi32> to vector<16x1xi32>
      %gather3A_1120 = vector.shape_cast %broadcast_in_dim3A_1119 : vector<16x1xi32> to vector<16xi32>
      %gather3A_1121 = tpu.dynamic_gather %get3A_1108[%gather3A_1120] in [0] : vector<16xi32>, vector<16xi32> -> vector<16xi32>
      %select_n3A_1122 = arith.select %lt3A_4, %gather3A_1118, %gather3A_1121 : vector<16xi1>, vector<16xi32>
      %mul3A_1123 = arith.constant 10 : i32
      %mul3A_1124 = vector.broadcast %mul3A_1123 : i32 to vector<16xi32>
      %mul3A_1125 = arith.muli %select_n3A_1115, %mul3A_1124 : vector<16xi32>
      %add3A_1126 = arith.addi %mul3A_1125, %select_n3A_1122 : vector<16xi32>
      %swap3A_1127 = arith.constant 0 : i32
      %swap3A_1128 = arith.index_cast %swap3A_1127 : i32 to index
      %swap3A_1129 = arith.constant 0 : index
      %swap3A_1130 = tpu.vector_load %arg6[%swap3A_1128, %swap3A_1129] {strides = array<i32>} : memref<4x128xi32, #tpu.memory_space<vmem>>, vector<1x16xi32>,
      %swap3A_1131 = vector.shape_cast %swap3A_1130 : vector<1x16xi32> to vector<16xi32>
      %swap3A_1132 = vector.shape_cast %add3A_1126 : vector<16xi32> to vector<1x16xi32>
      tpu.vector_store %arg6[%swap3A_1128, %swap3A_1129], %swap3A_1132 {strides = array<i32>} : memref<4x128xi32, #tpu.memory_space<vmem>>, vector<1x16xi32>,
      %get3A_1133 = arith.constant 0 : i32
      %get3A_1134 = arith.index_cast %get3A_1133 : i32 to index
      %get3A_1135 = arith.constant 32 : index
      %get3A_1136 = tpu.vector_load %arg5[%get3A_1134, %get3A_1135] {strides = array<i32>} : memref<4x200xi32, #tpu.memory_space<vmem>>, vector<1x16xi32>,
      %get3A_1137 = vector.shape_cast %get3A_1136 : vector<1x16xi32> to vector<16xi32>
      %get3A_1138 = arith.constant 0 : i32
      %get3A_1139 = arith.index_cast %get3A_1138 : i32 to index
      %get3A_1140 = arith.constant 48 : index
      %get3A_1141 = tpu.vector_load %arg5[%get3A_1139, %get3A_1140] {strides = array<i32>} : memref<4x200xi32, #tpu.memory_space<vmem>>, vector<1x16xi32>,
      %get3A_1142 = vector.shape_cast %get3A_1141 : vector<1x16xi32> to vector<16xi32>
      %broadcast_in_dim3A_1143 = vector.shape_cast %and3A_9 : vector<16xi32> to vector<16x1xi32>
      %gather3A_1144 = vector.shape_cast %broadcast_in_dim3A_1143 : vector<16x1xi32> to vector<16xi32>
      %gather3A_1145 = tpu.dynamic_gather %get3A_1137[%gather3A_1144] in [0] : vector<16xi32>, vector<16xi32> -> vector<16xi32>
      %broadcast_in_dim3A_1146 = vector.shape_cast %and3A_9 : vector<16xi32> to vector<16x1xi32>
      %gather3A_1147 = vector.shape_cast %broadcast_in_dim3A_1146 : vector<16x1xi32> to vector<16xi32>
      %gather3A_1148 = tpu.dynamic_gather %get3A_1142[%gather3A_1147] in [0] : vector<16xi32>, vector<16xi32> -> vector<16xi32>
      %select_n3A_1149 = arith.select %lt3A_4, %gather3A_1145, %gather3A_1148 : vector<16xi1>, vector<16xi32>
      %broadcast_in_dim3A_1150 = vector.shape_cast %and3A_18 : vector<16xi32> to vector<16x1xi32>
      %gather3A_1151 = vector.shape_cast %broadcast_in_dim3A_1150 : vector<16x1xi32> to vector<16xi32>
      %gather3A_1152 = tpu.dynamic_gather %get3A_1137[%gather3A_1151] in [0] : vector<16xi32>, vector<16xi32> -> vector<16xi32>
      %broadcast_in_dim3A_1153 = vector.shape_cast %and3A_18 : vector<16xi32> to vector<16x1xi32>
      %gather3A_1154 = vector.shape_cast %broadcast_in_dim3A_1153 : vector<16x1xi32> to vector<16xi32>
      %gather3A_1155 = tpu.dynamic_gather %get3A_1142[%gather3A_1154] in [0] : vector<16xi32>, vector<16xi32> -> vector<16xi32>
      %select_n3A_1156 = arith.select %lt3A_4, %gather3A_1152, %gather3A_1155 : vector<16xi1>, vector<16xi32>
      %mul3A_1157 = arith.constant 10 : i32
      %mul3A_1158 = vector.broadcast %mul3A_1157 : i32 to vector<16xi32>
      %mul3A_1159 = arith.muli %select_n3A_1149, %mul3A_1158 : vector<16xi32>
      %add3A_1160 = arith.addi %mul3A_1159, %select_n3A_1156 : vector<16xi32>
      %swap3A_1161 = arith.constant 0 : i32
      %swap3A_1162 = arith.index_cast %swap3A_1161 : i32 to index
      %swap3A_1163 = arith.constant 16 : index
      %swap3A_1164 = tpu.vector_load %arg6[%swap3A_1162, %swap3A_1163] {strides = array<i32>} : memref<4x128xi32, #tpu.memory_space<vmem>>, vector<1x16xi32>,
      %swap3A_1165 = vector.shape_cast %swap3A_1164 : vector<1x16xi32> to vector<16xi32>
      %swap3A_1166 = vector.shape_cast %add3A_1160 : vector<16xi32> to vector<1x16xi32>
      tpu.vector_store %arg6[%swap3A_1162, %swap3A_1163], %swap3A_1166 {strides = array<i32>} : memref<4x128xi32, #tpu.memory_space<vmem>>, vector<1x16xi32>,
      %get3A_1167 = arith.constant 0 : i32
      %get3A_1168 = arith.index_cast %get3A_1167 : i32 to index
      %get3A_1169 = arith.constant 64 : index
      %get3A_1170 = tpu.vector_load %arg5[%get3A_1168, %get3A_1169] {strides = array<i32>} : memref<4x200xi32, #tpu.memory_space<vmem>>, vector<1x16xi32>,
      %get3A_1171 = vector.shape_cast %get3A_1170 : vector<1x16xi32> to vector<16xi32>
      %get3A_1172 = arith.constant 0 : i32
      %get3A_1173 = arith.index_cast %get3A_1172 : i32 to index
      %get3A_1174 = arith.constant 80 : index
      %get3A_1175 = tpu.vector_load %arg5[%get3A_1173, %get3A_1174] {strides = array<i32>} : memref<4x200xi32, #tpu.memory_space<vmem>>, vector<1x16xi32>,
      %get3A_1176 = vector.shape_cast %get3A_1175 : vector<1x16xi32> to vector<16xi32>
      %broadcast_in_dim3A_1177 = vector.shape_cast %and3A_9 : vector<16xi32> to vector<16x1xi32>
      %gather3A_1178 = vector.shape_cast %broadcast_in_dim3A_1177 : vector<16x1xi32> to vector<16xi32>
      %gather3A_1179 = tpu.dynamic_gather %get3A_1171[%gather3A_1178] in [0] : vector<16xi32>, vector<16xi32> -> vector<16xi32>
      %broadcast_in_dim3A_1180 = vector.shape_cast %and3A_9 : vector<16xi32> to vector<16x1xi32>
      %gather3A_1181 = vector.shape_cast %broadcast_in_dim3A_1180 : vector<16x1xi32> to vector<16xi32>
      %gather3A_1182 = tpu.dynamic_gather %get3A_1176[%gather3A_1181] in [0] : vector<16xi32>, vector<16xi32> -> vector<16xi32>
      %select_n3A_1183 = arith.select %lt3A_4, %gather3A_1179, %gather3A_1182 : vector<16xi1>, vector<16xi32>
      %broadcast_in_dim3A_1184 = vector.shape_cast %and3A_18 : vector<16xi32> to vector<16x1xi32>
      %gather3A_1185 = vector.shape_cast %broadcast_in_dim3A_1184 : vector<16x1xi32> to vector<16xi32>
      %gather3A_1186 = tpu.dynamic_gather %get3A_1171[%gather3A_1185] in [0] : vector<16xi32>, vector<16xi32> -> vector<16xi32>
      %broadcast_in_dim3A_1187 = vector.shape_cast %and3A_18 : vector<16xi32> to vector<16x1xi32>
      %gather3A_1188 = vector.shape_cast %broadcast_in_dim3A_1187 : vector<16x1xi32> to vector<16xi32>
      %gather3A_1189 = tpu.dynamic_gather %get3A_1176[%gather3A_1188] in [0] : vector<16xi32>, vector<16xi32> -> vector<16xi32>
      %select_n3A_1190 = arith.select %lt3A_4, %gather3A_1186, %gather3A_1189 : vector<16xi1>, vector<16xi32>
      %mul3A_1191 = arith.constant 10 : i32
      %mul3A_1192 = vector.broadcast %mul3A_1191 : i32 to vector<16xi32>
      %mul3A_1193 = arith.muli %select_n3A_1183, %mul3A_1192 : vector<16xi32>
      %add3A_1194 = arith.addi %mul3A_1193, %select_n3A_1190 : vector<16xi32>
      %swap3A_1195 = arith.constant 0 : i32
      %swap3A_1196 = arith.index_cast %swap3A_1195 : i32 to index
      %swap3A_1197 = arith.constant 32 : index
      %swap3A_1198 = tpu.vector_load %arg6[%swap3A_1196, %swap3A_1197] {strides = array<i32>} : memref<4x128xi32, #tpu.memory_space<vmem>>, vector<1x16xi32>,
      %swap3A_1199 = vector.shape_cast %swap3A_1198 : vector<1x16xi32> to vector<16xi32>
      %swap3A_1200 = vector.shape_cast %add3A_1194 : vector<16xi32> to vector<1x16xi32>
      tpu.vector_store %arg6[%swap3A_1196, %swap3A_1197], %swap3A_1200 {strides = array<i32>} : memref<4x128xi32, #tpu.memory_space<vmem>>, vector<1x16xi32>,
      %get3A_1201 = arith.constant 0 : i32
      %get3A_1202 = arith.index_cast %get3A_1201 : i32 to index
      %get3A_1203 = arith.constant 96 : index
      %get3A_1204 = tpu.vector_load %arg5[%get3A_1202, %get3A_1203] {strides = array<i32>} : memref<4x200xi32, #tpu.memory_space<vmem>>, vector<1x16xi32>,
      %get3A_1205 = vector.shape_cast %get3A_1204 : vector<1x16xi32> to vector<16xi32>
      %get3A_1206 = arith.constant 0 : i32
      %get3A_1207 = arith.index_cast %get3A_1206 : i32 to index
      %get3A_1208 = arith.constant 112 : index
      %get3A_1209 = tpu.vector_load %arg5[%get3A_1207, %get3A_1208] {strides = array<i32>} : memref<4x200xi32, #tpu.memory_space<vmem>>, vector<1x16xi32>,
      %get3A_1210 = vector.shape_cast %get3A_1209 : vector<1x16xi32> to vector<16xi32>
      %broadcast_in_dim3A_1211 = vector.shape_cast %and3A_9 : vector<16xi32> to vector<16x1xi32>
      %gather3A_1212 = vector.shape_cast %broadcast_in_dim3A_1211 : vector<16x1xi32> to vector<16xi32>
      %gather3A_1213 = tpu.dynamic_gather %get3A_1205[%gather3A_1212] in [0] : vector<16xi32>, vector<16xi32> -> vector<16xi32>
      %broadcast_in_dim3A_1214 = vector.shape_cast %and3A_9 : vector<16xi32> to vector<16x1xi32>
      %gather3A_1215 = vector.shape_cast %broadcast_in_dim3A_1214 : vector<16x1xi32> to vector<16xi32>
      %gather3A_1216 = tpu.dynamic_gather %get3A_1210[%gather3A_1215] in [0] : vector<16xi32>, vector<16xi32> -> vector<16xi32>
      %select_n3A_1217 = arith.select %lt3A_4, %gather3A_1213, %gather3A_1216 : vector<16xi1>, vector<16xi32>
      %broadcast_in_dim3A_1218 = vector.shape_cast %and3A_18 : vector<16xi32> to vector<16x1xi32>
      %gather3A_1219 = vector.shape_cast %broadcast_in_dim3A_1218 : vector<16x1xi32> to vector<16xi32>
      %gather3A_1220 = tpu.dynamic_gather %get3A_1205[%gather3A_1219] in [0] : vector<16xi32>, vector<16xi32> -> vector<16xi32>
      %broadcast_in_dim3A_1221 = vector.shape_cast %and3A_18 : vector<16xi32> to vector<16x1xi32>
      %gather3A_1222 = vector.shape_cast %broadcast_in_dim3A_1221 : vector<16x1xi32> to vector<16xi32>
      %gather3A_1223 = tpu.dynamic_gather %get3A_1210[%gather3A_1222] in [0] : vector<16xi32>, vector<16xi32> -> vector<16xi32>
      %select_n3A_1224 = arith.select %lt3A_4, %gather3A_1220, %gather3A_1223 : vector<16xi1>, vector<16xi32>
      %mul3A_1225 = arith.constant 10 : i32
      %mul3A_1226 = vector.broadcast %mul3A_1225 : i32 to vector<16xi32>
      %mul3A_1227 = arith.muli %select_n3A_1217, %mul3A_1226 : vector<16xi32>
      %add3A_1228 = arith.addi %mul3A_1227, %select_n3A_1224 : vector<16xi32>
      %swap3A_1229 = arith.constant 0 : i32
      %swap3A_1230 = arith.index_cast %swap3A_1229 : i32 to index
      %swap3A_1231 = arith.constant 48 : index
      %swap3A_1232 = tpu.vector_load %arg6[%swap3A_1230, %swap3A_1231] {strides = array<i32>} : memref<4x128xi32, #tpu.memory_space<vmem>>, vector<1x16xi32>,
      %swap3A_1233 = vector.shape_cast %swap3A_1232 : vector<1x16xi32> to vector<16xi32>
      %swap3A_1234 = vector.shape_cast %add3A_1228 : vector<16xi32> to vector<1x16xi32>
      tpu.vector_store %arg6[%swap3A_1230, %swap3A_1231], %swap3A_1234 {strides = array<i32>} : memref<4x128xi32, #tpu.memory_space<vmem>>, vector<1x16xi32>,
      %get3A_1235 = arith.constant 0 : i32
      %get3A_1236 = arith.index_cast %get3A_1235 : i32 to index
      %get3A_1237 = arith.constant 128 : index
      %get3A_1238 = tpu.vector_load %arg5[%get3A_1236, %get3A_1237] {strides = array<i32>} : memref<4x200xi32, #tpu.memory_space<vmem>>, vector<1x16xi32>,
      %get3A_1239 = vector.shape_cast %get3A_1238 : vector<1x16xi32> to vector<16xi32>
      %get3A_1240 = arith.constant 0 : i32
      %get3A_1241 = arith.index_cast %get3A_1240 : i32 to index
      %get3A_1242 = arith.constant 144 : index
      %get3A_1243 = tpu.vector_load %arg5[%get3A_1241, %get3A_1242] {strides = array<i32>} : memref<4x200xi32, #tpu.memory_space<vmem>>, vector<1x16xi32>,
      %get3A_1244 = vector.shape_cast %get3A_1243 : vector<1x16xi32> to vector<16xi32>
      %broadcast_in_dim3A_1245 = vector.shape_cast %and3A_9 : vector<16xi32> to vector<16x1xi32>
      %gather3A_1246 = vector.shape_cast %broadcast_in_dim3A_1245 : vector<16x1xi32> to vector<16xi32>
      %gather3A_1247 = tpu.dynamic_gather %get3A_1239[%gather3A_1246] in [0] : vector<16xi32>, vector<16xi32> -> vector<16xi32>
      %broadcast_in_dim3A_1248 = vector.shape_cast %and3A_9 : vector<16xi32> to vector<16x1xi32>
      %gather3A_1249 = vector.shape_cast %broadcast_in_dim3A_1248 : vector<16x1xi32> to vector<16xi32>
      %gather3A_1250 = tpu.dynamic_gather %get3A_1244[%gather3A_1249] in [0] : vector<16xi32>, vector<16xi32> -> vector<16xi32>
      %select_n3A_1251 = arith.select %lt3A_4, %gather3A_1247, %gather3A_1250 : vector<16xi1>, vector<16xi32>
      %broadcast_in_dim3A_1252 = vector.shape_cast %and3A_18 : vector<16xi32> to vector<16x1xi32>
      %gather3A_1253 = vector.shape_cast %broadcast_in_dim3A_1252 : vector<16x1xi32> to vector<16xi32>
      %gather3A_1254 = tpu.dynamic_gather %get3A_1239[%gather3A_1253] in [0] : vector<16xi32>, vector<16xi32> -> vector<16xi32>
      %broadcast_in_dim3A_1255 = vector.shape_cast %and3A_18 : vector<16xi32> to vector<16x1xi32>
      %gather3A_1256 = vector.shape_cast %broadcast_in_dim3A_1255 : vector<16x1xi32> to vector<16xi32>
      %gather3A_1257 = tpu.dynamic_gather %get3A_1244[%gather3A_1256] in [0] : vector<16xi32>, vector<16xi32> -> vector<16xi32>
      %select_n3A_1258 = arith.select %lt3A_4, %gather3A_1254, %gather3A_1257 : vector<16xi1>, vector<16xi32>
      %mul3A_1259 = arith.constant 10 : i32
      %mul3A_1260 = vector.broadcast %mul3A_1259 : i32 to vector<16xi32>
      %mul3A_1261 = arith.muli %select_n3A_1251, %mul3A_1260 : vector<16xi32>
      %add3A_1262 = arith.addi %mul3A_1261, %select_n3A_1258 : vector<16xi32>
      %swap3A_1263 = arith.constant 0 : i32
      %swap3A_1264 = arith.index_cast %swap3A_1263 : i32 to index
      %swap3A_1265 = arith.constant 64 : index
      %swap3A_1266 = tpu.vector_load %arg6[%swap3A_1264, %swap3A_1265] {strides = array<i32>} : memref<4x128xi32, #tpu.memory_space<vmem>>, vector<1x16xi32>,
      %swap3A_1267 = vector.shape_cast %swap3A_1266 : vector<1x16xi32> to vector<16xi32>
      %swap3A_1268 = vector.shape_cast %add3A_1262 : vector<16xi32> to vector<1x16xi32>
      tpu.vector_store %arg6[%swap3A_1264, %swap3A_1265], %swap3A_1268 {strides = array<i32>} : memref<4x128xi32, #tpu.memory_space<vmem>>, vector<1x16xi32>,
      %get3A_1269 = arith.constant 0 : i32
      %get3A_1270 = arith.index_cast %get3A_1269 : i32 to index
      %get3A_1271 = arith.constant 160 : index
      %get3A_1272 = tpu.vector_load %arg5[%get3A_1270, %get3A_1271] {strides = array<i32>} : memref<4x200xi32, #tpu.memory_space<vmem>>, vector<1x16xi32>,
      %get3A_1273 = vector.shape_cast %get3A_1272 : vector<1x16xi32> to vector<16xi32>
      %get3A_1274 = arith.constant 0 : i32
      %get3A_1275 = arith.index_cast %get3A_1274 : i32 to index
      %get3A_1276 = arith.constant 176 : index
      %get3A_1277 = tpu.vector_load %arg5[%get3A_1275, %get3A_1276] {strides = array<i32>} : memref<4x200xi32, #tpu.memory_space<vmem>>, vector<1x16xi32>,
      %get3A_1278 = vector.shape_cast %get3A_1277 : vector<1x16xi32> to vector<16xi32>
      %broadcast_in_dim3A_1279 = vector.shape_cast %and3A_9 : vector<16xi32> to vector<16x1xi32>
      %gather3A_1280 = vector.shape_cast %broadcast_in_dim3A_1279 : vector<16x1xi32> to vector<16xi32>
      %gather3A_1281 = tpu.dynamic_gather %get3A_1273[%gather3A_1280] in [0] : vector<16xi32>, vector<16xi32> -> vector<16xi32>
      %broadcast_in_dim3A_1282 = vector.shape_cast %and3A_9 : vector<16xi32> to vector<16x1xi32>
      %gather3A_1283 = vector.shape_cast %broadcast_in_dim3A_1282 : vector<16x1xi32> to vector<16xi32>
      %gather3A_1284 = tpu.dynamic_gather %get3A_1278[%gather3A_1283] in [0] : vector<16xi32>, vector<16xi32> -> vector<16xi32>
      %select_n3A_1285 = arith.select %lt3A_4, %gather3A_1281, %gather3A_1284 : vector<16xi1>, vector<16xi32>
      %broadcast_in_dim3A_1286 = vector.shape_cast %and3A_18 : vector<16xi32> to vector<16x1xi32>
      %gather3A_1287 = vector.shape_cast %broadcast_in_dim3A_1286 : vector<16x1xi32> to vector<16xi32>
      %gather3A_1288 = tpu.dynamic_gather %get3A_1273[%gather3A_1287] in [0] : vector<16xi32>, vector<16xi32> -> vector<16xi32>
      %broadcast_in_dim3A_1289 = vector.shape_cast %and3A_18 : vector<16xi32> to vector<16x1xi32>
      %gather3A_1290 = vector.shape_cast %broadcast_in_dim3A_1289 : vector<16x1xi32> to vector<16xi32>
      %gather3A_1291 = tpu.dynamic_gather %get3A_1278[%gather3A_1290] in [0] : vector<16xi32>, vector<16xi32> -> vector<16xi32>
      %select_n3A_1292 = arith.select %lt3A_4, %gather3A_1288, %gather3A_1291 : vector<16xi1>, vector<16xi32>
      %mul3A_1293 = arith.constant 10 : i32
      %mul3A_1294 = vector.broadcast %mul3A_1293 : i32 to vector<16xi32>
      %mul3A_1295 = arith.muli %select_n3A_1285, %mul3A_1294 : vector<16xi32>
      %add3A_1296 = arith.addi %mul3A_1295, %select_n3A_1292 : vector<16xi32>
      %swap3A_1297 = arith.constant 0 : i32
      %swap3A_1298 = arith.index_cast %swap3A_1297 : i32 to index
      %swap3A_1299 = arith.constant 80 : index
      %swap3A_1300 = tpu.vector_load %arg6[%swap3A_1298, %swap3A_1299] {strides = array<i32>} : memref<4x128xi32, #tpu.memory_space<vmem>>, vector<1x16xi32>,
      %swap3A_1301 = vector.shape_cast %swap3A_1300 : vector<1x16xi32> to vector<16xi32>
      %swap3A_1302 = vector.shape_cast %add3A_1296 : vector<16xi32> to vector<1x16xi32>
      tpu.vector_store %arg6[%swap3A_1298, %swap3A_1299], %swap3A_1302 {strides = array<i32>} : memref<4x128xi32, #tpu.memory_space<vmem>>, vector<1x16xi32>,
      %get3A_1303 = arith.constant 0 : i32
      %get3A_1304 = arith.index_cast %get3A_1303 : i32 to index
      %get3A_1305 = arith.constant 184 : index
      %get3A_1306 = tpu.vector_load %arg5[%get3A_1304, %get3A_1305] {strides = array<i32>} : memref<4x200xi32, #tpu.memory_space<vmem>>, vector<1x16xi32>,
      %get3A_1307 = vector.shape_cast %get3A_1306 : vector<1x16xi32> to vector<16xi32>
      %broadcast_in_dim3A_1308 = vector.shape_cast %and3A_27 : vector<16xi32> to vector<16x1xi32>
      %gather3A_1309 = vector.shape_cast %broadcast_in_dim3A_1308 : vector<16x1xi32> to vector<16xi32>
      %gather3A_1310 = tpu.dynamic_gather %get3A_1307[%gather3A_1309] in [0] : vector<16xi32>, vector<16xi32> -> vector<16xi32>
      %mul3A_1311 = arith.constant 10 : i32
      %mul3A_1312 = vector.broadcast %mul3A_1311 : i32 to vector<16xi32>
      %mul3A_1313 = arith.muli %gather3A_1310, %mul3A_1312 : vector<16xi32>
      %broadcast_in_dim3A_1314 = vector.shape_cast %and3A_36 : vector<16xi32> to vector<16x1xi32>
      %gather3A_1315 = vector.shape_cast %broadcast_in_dim3A_1314 : vector<16x1xi32> to vector<16xi32>
      %gather3A_1316 = tpu.dynamic_gather %get3A_1307[%gather3A_1315] in [0] : vector<16xi32>, vector<16xi32> -> vector<16xi32>
      %add3A_1317 = arith.addi %mul3A_1313, %gather3A_1316 : vector<16xi32>
      %swap3A_1318 = arith.constant 0 : i32
      %swap3A_1319 = arith.index_cast %swap3A_1318 : i32 to index
      %swap3A_1320 = arith.constant 96 : index
      %swap3A_1321 = tpu.vector_load %arg6[%swap3A_1319, %swap3A_1320] {strides = array<i32>} : memref<4x128xi32, #tpu.memory_space<vmem>>, vector<1x16xi32>,
      %swap3A_1322 = vector.shape_cast %swap3A_1321 : vector<1x16xi32> to vector<16xi32>
      %swap3A_1323 = vector.shape_cast %add3A_1317 : vector<16xi32> to vector<1x16xi32>
      tpu.vector_store %arg6[%swap3A_1319, %swap3A_1320], %swap3A_1323 {strides = array<i32>} : memref<4x128xi32, #tpu.memory_space<vmem>>, vector<1x16xi32>,
      %get3A_1324 = arith.constant 1 : i32
      %get3A_1325 = arith.index_cast %get3A_1324 : i32 to index
      %get3A_1326 = arith.constant 0 : index
      %get3A_1327 = tpu.vector_load %arg5[%get3A_1325, %get3A_1326] {strides = array<i32>} : memref<4x200xi32, #tpu.memory_space<vmem>>, vector<1x16xi32>,
      %get3A_1328 = vector.shape_cast %get3A_1327 : vector<1x16xi32> to vector<16xi32>
      %get3A_1329 = arith.constant 1 : i32
      %get3A_1330 = arith.index_cast %get3A_1329 : i32 to index
      %get3A_1331 = arith.constant 16 : index
      %get3A_1332 = tpu.vector_load %arg5[%get3A_1330, %get3A_1331] {strides = array<i32>} : memref<4x200xi32, #tpu.memory_space<vmem>>, vector<1x16xi32>,
      %get3A_1333 = vector.shape_cast %get3A_1332 : vector<1x16xi32> to vector<16xi32>
      %broadcast_in_dim3A_1334 = vector.shape_cast %and3A_9 : vector<16xi32> to vector<16x1xi32>
      %gather3A_1335 = vector.shape_cast %broadcast_in_dim3A_1334 : vector<16x1xi32> to vector<16xi32>
      %gather3A_1336 = tpu.dynamic_gather %get3A_1328[%gather3A_1335] in [0] : vector<16xi32>, vector<16xi32> -> vector<16xi32>
      %broadcast_in_dim3A_1337 = vector.shape_cast %and3A_9 : vector<16xi32> to vector<16x1xi32>
      %gather3A_1338 = vector.shape_cast %broadcast_in_dim3A_1337 : vector<16x1xi32> to vector<16xi32>
      %gather3A_1339 = tpu.dynamic_gather %get3A_1333[%gather3A_1338] in [0] : vector<16xi32>, vector<16xi32> -> vector<16xi32>
      %select_n3A_1340 = arith.select %lt3A_4, %gather3A_1336, %gather3A_1339 : vector<16xi1>, vector<16xi32>
      %broadcast_in_dim3A_1341 = vector.shape_cast %and3A_18 : vector<16xi32> to vector<16x1xi32>
      %gather3A_1342 = vector.shape_cast %broadcast_in_dim3A_1341 : vector<16x1xi32> to vector<16xi32>
      %gather3A_1343 = tpu.dynamic_gather %get3A_1328[%gather3A_1342] in [0] : vector<16xi32>, vector<16xi32> -> vector<16xi32>
      %broadcast_in_dim3A_1344 = vector.shape_cast %and3A_18 : vector<16xi32> to vector<16x1xi32>
      %gather3A_1345 = vector.shape_cast %broadcast_in_dim3A_1344 : vector<16x1xi32> to vector<16xi32>
      %gather3A_1346 = tpu.dynamic_gather %get3A_1333[%gather3A_1345] in [0] : vector<16xi32>, vector<16xi32> -> vector<16xi32>
      %select_n3A_1347 = arith.select %lt3A_4, %gather3A_1343, %gather3A_1346 : vector<16xi1>, vector<16xi32>
      %mul3A_1348 = arith.constant 10 : i32
      %mul3A_1349 = vector.broadcast %mul3A_1348 : i32 to vector<16xi32>
      %mul3A_1350 = arith.muli %select_n3A_1340, %mul3A_1349 : vector<16xi32>
      %add3A_1351 = arith.addi %mul3A_1350, %select_n3A_1347 : vector<16xi32>
      %swap3A_1352 = arith.constant 1 : i32
      %swap3A_1353 = arith.index_cast %swap3A_1352 : i32 to index
      %swap3A_1354 = arith.constant 0 : index
      %swap3A_1355 = tpu.vector_load %arg6[%swap3A_1353, %swap3A_1354] {strides = array<i32>} : memref<4x128xi32, #tpu.memory_space<vmem>>, vector<1x16xi32>,
      %swap3A_1356 = vector.shape_cast %swap3A_1355 : vector<1x16xi32> to vector<16xi32>
      %swap3A_1357 = vector.shape_cast %add3A_1351 : vector<16xi32> to vector<1x16xi32>
      tpu.vector_store %arg6[%swap3A_1353, %swap3A_1354], %swap3A_1357 {strides = array<i32>} : memref<4x128xi32, #tpu.memory_space<vmem>>, vector<1x16xi32>,
      %get3A_1358 = arith.constant 1 : i32
      %get3A_1359 = arith.index_cast %get3A_1358 : i32 to index
      %get3A_1360 = arith.constant 32 : index
      %get3A_1361 = tpu.vector_load %arg5[%get3A_1359, %get3A_1360] {strides = array<i32>} : memref<4x200xi32, #tpu.memory_space<vmem>>, vector<1x16xi32>,
      %get3A_1362 = vector.shape_cast %get3A_1361 : vector<1x16xi32> to vector<16xi32>
      %get3A_1363 = arith.constant 1 : i32
      %get3A_1364 = arith.index_cast %get3A_1363 : i32 to index
      %get3A_1365 = arith.constant 48 : index
      %get3A_1366 = tpu.vector_load %arg5[%get3A_1364, %get3A_1365] {strides = array<i32>} : memref<4x200xi32, #tpu.memory_space<vmem>>, vector<1x16xi32>,
      %get3A_1367 = vector.shape_cast %get3A_1366 : vector<1x16xi32> to vector<16xi32>
      %broadcast_in_dim3A_1368 = vector.shape_cast %and3A_9 : vector<16xi32> to vector<16x1xi32>
      %gather3A_1369 = vector.shape_cast %broadcast_in_dim3A_1368 : vector<16x1xi32> to vector<16xi32>
      %gather3A_1370 = tpu.dynamic_gather %get3A_1362[%gather3A_1369] in [0] : vector<16xi32>, vector<16xi32> -> vector<16xi32>
      %broadcast_in_dim3A_1371 = vector.shape_cast %and3A_9 : vector<16xi32> to vector<16x1xi32>
      %gather3A_1372 = vector.shape_cast %broadcast_in_dim3A_1371 : vector<16x1xi32> to vector<16xi32>
      %gather3A_1373 = tpu.dynamic_gather %get3A_1367[%gather3A_1372] in [0] : vector<16xi32>, vector<16xi32> -> vector<16xi32>
      %select_n3A_1374 = arith.select %lt3A_4, %gather3A_1370, %gather3A_1373 : vector<16xi1>, vector<16xi32>
      %broadcast_in_dim3A_1375 = vector.shape_cast %and3A_18 : vector<16xi32> to vector<16x1xi32>
      %gather3A_1376 = vector.shape_cast %broadcast_in_dim3A_1375 : vector<16x1xi32> to vector<16xi32>
      %gather3A_1377 = tpu.dynamic_gather %get3A_1362[%gather3A_1376] in [0] : vector<16xi32>, vector<16xi32> -> vector<16xi32>
      %broadcast_in_dim3A_1378 = vector.shape_cast %and3A_18 : vector<16xi32> to vector<16x1xi32>
      %gather3A_1379 = vector.shape_cast %broadcast_in_dim3A_1378 : vector<16x1xi32> to vector<16xi32>
      %gather3A_1380 = tpu.dynamic_gather %get3A_1367[%gather3A_1379] in [0] : vector<16xi32>, vector<16xi32> -> vector<16xi32>
      %select_n3A_1381 = arith.select %lt3A_4, %gather3A_1377, %gather3A_1380 : vector<16xi1>, vector<16xi32>
      %mul3A_1382 = arith.constant 10 : i32
      %mul3A_1383 = vector.broadcast %mul3A_1382 : i32 to vector<16xi32>
      %mul3A_1384 = arith.muli %select_n3A_1374, %mul3A_1383 : vector<16xi32>
      %add3A_1385 = arith.addi %mul3A_1384, %select_n3A_1381 : vector<16xi32>
      %swap3A_1386 = arith.constant 1 : i32
      %swap3A_1387 = arith.index_cast %swap3A_1386 : i32 to index
      %swap3A_1388 = arith.constant 16 : index
      %swap3A_1389 = tpu.vector_load %arg6[%swap3A_1387, %swap3A_1388] {strides = array<i32>} : memref<4x128xi32, #tpu.memory_space<vmem>>, vector<1x16xi32>,
      %swap3A_1390 = vector.shape_cast %swap3A_1389 : vector<1x16xi32> to vector<16xi32>
      %swap3A_1391 = vector.shape_cast %add3A_1385 : vector<16xi32> to vector<1x16xi32>
      tpu.vector_store %arg6[%swap3A_1387, %swap3A_1388], %swap3A_1391 {strides = array<i32>} : memref<4x128xi32, #tpu.memory_space<vmem>>, vector<1x16xi32>,
      %get3A_1392 = arith.constant 1 : i32
      %get3A_1393 = arith.index_cast %get3A_1392 : i32 to index
      %get3A_1394 = arith.constant 64 : index
      %get3A_1395 = tpu.vector_load %arg5[%get3A_1393, %get3A_1394] {strides = array<i32>} : memref<4x200xi32, #tpu.memory_space<vmem>>, vector<1x16xi32>,
      %get3A_1396 = vector.shape_cast %get3A_1395 : vector<1x16xi32> to vector<16xi32>
      %get3A_1397 = arith.constant 1 : i32
      %get3A_1398 = arith.index_cast %get3A_1397 : i32 to index
      %get3A_1399 = arith.constant 80 : index
      %get3A_1400 = tpu.vector_load %arg5[%get3A_1398, %get3A_1399] {strides = array<i32>} : memref<4x200xi32, #tpu.memory_space<vmem>>, vector<1x16xi32>,
      %get3A_1401 = vector.shape_cast %get3A_1400 : vector<1x16xi32> to vector<16xi32>
      %broadcast_in_dim3A_1402 = vector.shape_cast %and3A_9 : vector<16xi32> to vector<16x1xi32>
      %gather3A_1403 = vector.shape_cast %broadcast_in_dim3A_1402 : vector<16x1xi32> to vector<16xi32>
      %gather3A_1404 = tpu.dynamic_gather %get3A_1396[%gather3A_1403] in [0] : vector<16xi32>, vector<16xi32> -> vector<16xi32>
      %broadcast_in_dim3A_1405 = vector.shape_cast %and3A_9 : vector<16xi32> to vector<16x1xi32>
      %gather3A_1406 = vector.shape_cast %broadcast_in_dim3A_1405 : vector<16x1xi32> to vector<16xi32>
      %gather3A_1407 = tpu.dynamic_gather %get3A_1401[%gather3A_1406] in [0] : vector<16xi32>, vector<16xi32> -> vector<16xi32>
      %select_n3A_1408 = arith.select %lt3A_4, %gather3A_1404, %gather3A_1407 : vector<16xi1>, vector<16xi32>
      %broadcast_in_dim3A_1409 = vector.shape_cast %and3A_18 : vector<16xi32> to vector<16x1xi32>
      %gather3A_1410 = vector.shape_cast %broadcast_in_dim3A_1409 : vector<16x1xi32> to vector<16xi32>
      %gather3A_1411 = tpu.dynamic_gather %get3A_1396[%gather3A_1410] in [0] : vector<16xi32>, vector<16xi32> -> vector<16xi32>
      %broadcast_in_dim3A_1412 = vector.shape_cast %and3A_18 : vector<16xi32> to vector<16x1xi32>
      %gather3A_1413 = vector.shape_cast %broadcast_in_dim3A_1412 : vector<16x1xi32> to vector<16xi32>
      %gather3A_1414 = tpu.dynamic_gather %get3A_1401[%gather3A_1413] in [0] : vector<16xi32>, vector<16xi32> -> vector<16xi32>
      %select_n3A_1415 = arith.select %lt3A_4, %gather3A_1411, %gather3A_1414 : vector<16xi1>, vector<16xi32>
      %mul3A_1416 = arith.constant 10 : i32
      %mul3A_1417 = vector.broadcast %mul3A_1416 : i32 to vector<16xi32>
      %mul3A_1418 = arith.muli %select_n3A_1408, %mul3A_1417 : vector<16xi32>
      %add3A_1419 = arith.addi %mul3A_1418, %select_n3A_1415 : vector<16xi32>
      %swap3A_1420 = arith.constant 1 : i32
      %swap3A_1421 = arith.index_cast %swap3A_1420 : i32 to index
      %swap3A_1422 = arith.constant 32 : index
      %swap3A_1423 = tpu.vector_load %arg6[%swap3A_1421, %swap3A_1422] {strides = array<i32>} : memref<4x128xi32, #tpu.memory_space<vmem>>, vector<1x16xi32>,
      %swap3A_1424 = vector.shape_cast %swap3A_1423 : vector<1x16xi32> to vector<16xi32>
      %swap3A_1425 = vector.shape_cast %add3A_1419 : vector<16xi32> to vector<1x16xi32>
      tpu.vector_store %arg6[%swap3A_1421, %swap3A_1422], %swap3A_1425 {strides = array<i32>} : memref<4x128xi32, #tpu.memory_space<vmem>>, vector<1x16xi32>,
      %get3A_1426 = arith.constant 1 : i32
      %get3A_1427 = arith.index_cast %get3A_1426 : i32 to index
      %get3A_1428 = arith.constant 96 : index
      %get3A_1429 = tpu.vector_load %arg5[%get3A_1427, %get3A_1428] {strides = array<i32>} : memref<4x200xi32, #tpu.memory_space<vmem>>, vector<1x16xi32>,
      %get3A_1430 = vector.shape_cast %get3A_1429 : vector<1x16xi32> to vector<16xi32>
      %get3A_1431 = arith.constant 1 : i32
      %get3A_1432 = arith.index_cast %get3A_1431 : i32 to index
      %get3A_1433 = arith.constant 112 : index
      %get3A_1434 = tpu.vector_load %arg5[%get3A_1432, %get3A_1433] {strides = array<i32>} : memref<4x200xi32, #tpu.memory_space<vmem>>, vector<1x16xi32>,
      %get3A_1435 = vector.shape_cast %get3A_1434 : vector<1x16xi32> to vector<16xi32>
      %broadcast_in_dim3A_1436 = vector.shape_cast %and3A_9 : vector<16xi32> to vector<16x1xi32>
      %gather3A_1437 = vector.shape_cast %broadcast_in_dim3A_1436 : vector<16x1xi32> to vector<16xi32>
      %gather3A_1438 = tpu.dynamic_gather %get3A_1430[%gather3A_1437] in [0] : vector<16xi32>, vector<16xi32> -> vector<16xi32>
      %broadcast_in_dim3A_1439 = vector.shape_cast %and3A_9 : vector<16xi32> to vector<16x1xi32>
      %gather3A_1440 = vector.shape_cast %broadcast_in_dim3A_1439 : vector<16x1xi32> to vector<16xi32>
      %gather3A_1441 = tpu.dynamic_gather %get3A_1435[%gather3A_1440] in [0] : vector<16xi32>, vector<16xi32> -> vector<16xi32>
      %select_n3A_1442 = arith.select %lt3A_4, %gather3A_1438, %gather3A_1441 : vector<16xi1>, vector<16xi32>
      %broadcast_in_dim3A_1443 = vector.shape_cast %and3A_18 : vector<16xi32> to vector<16x1xi32>
      %gather3A_1444 = vector.shape_cast %broadcast_in_dim3A_1443 : vector<16x1xi32> to vector<16xi32>
      %gather3A_1445 = tpu.dynamic_gather %get3A_1430[%gather3A_1444] in [0] : vector<16xi32>, vector<16xi32> -> vector<16xi32>
      %broadcast_in_dim3A_1446 = vector.shape_cast %and3A_18 : vector<16xi32> to vector<16x1xi32>
      %gather3A_1447 = vector.shape_cast %broadcast_in_dim3A_1446 : vector<16x1xi32> to vector<16xi32>
      %gather3A_1448 = tpu.dynamic_gather %get3A_1435[%gather3A_1447] in [0] : vector<16xi32>, vector<16xi32> -> vector<16xi32>
      %select_n3A_1449 = arith.select %lt3A_4, %gather3A_1445, %gather3A_1448 : vector<16xi1>, vector<16xi32>
      %mul3A_1450 = arith.constant 10 : i32
      %mul3A_1451 = vector.broadcast %mul3A_1450 : i32 to vector<16xi32>
      %mul3A_1452 = arith.muli %select_n3A_1442, %mul3A_1451 : vector<16xi32>
      %add3A_1453 = arith.addi %mul3A_1452, %select_n3A_1449 : vector<16xi32>
      %swap3A_1454 = arith.constant 1 : i32
      %swap3A_1455 = arith.index_cast %swap3A_1454 : i32 to index
      %swap3A_1456 = arith.constant 48 : index
      %swap3A_1457 = tpu.vector_load %arg6[%swap3A_1455, %swap3A_1456] {strides = array<i32>} : memref<4x128xi32, #tpu.memory_space<vmem>>, vector<1x16xi32>,
      %swap3A_1458 = vector.shape_cast %swap3A_1457 : vector<1x16xi32> to vector<16xi32>
      %swap3A_1459 = vector.shape_cast %add3A_1453 : vector<16xi32> to vector<1x16xi32>
      tpu.vector_store %arg6[%swap3A_1455, %swap3A_1456], %swap3A_1459 {strides = array<i32>} : memref<4x128xi32, #tpu.memory_space<vmem>>, vector<1x16xi32>,
      %get3A_1460 = arith.constant 1 : i32
      %get3A_1461 = arith.index_cast %get3A_1460 : i32 to index
      %get3A_1462 = arith.constant 128 : index
      %get3A_1463 = tpu.vector_load %arg5[%get3A_1461, %get3A_1462] {strides = array<i32>} : memref<4x200xi32, #tpu.memory_space<vmem>>, vector<1x16xi32>,
      %get3A_1464 = vector.shape_cast %get3A_1463 : vector<1x16xi32> to vector<16xi32>
      %get3A_1465 = arith.constant 1 : i32
      %get3A_1466 = arith.index_cast %get3A_1465 : i32 to index
      %get3A_1467 = arith.constant 144 : index
      %get3A_1468 = tpu.vector_load %arg5[%get3A_1466, %get3A_1467] {strides = array<i32>} : memref<4x200xi32, #tpu.memory_space<vmem>>, vector<1x16xi32>,
      %get3A_1469 = vector.shape_cast %get3A_1468 : vector<1x16xi32> to vector<16xi32>
      %broadcast_in_dim3A_1470 = vector.shape_cast %and3A_9 : vector<16xi32> to vector<16x1xi32>
      %gather3A_1471 = vector.shape_cast %broadcast_in_dim3A_1470 : vector<16x1xi32> to vector<16xi32>
      %gather3A_1472 = tpu.dynamic_gather %get3A_1464[%gather3A_1471] in [0] : vector<16xi32>, vector<16xi32> -> vector<16xi32>
      %broadcast_in_dim3A_1473 = vector.shape_cast %and3A_9 : vector<16xi32> to vector<16x1xi32>
      %gather3A_1474 = vector.shape_cast %broadcast_in_dim3A_1473 : vector<16x1xi32> to vector<16xi32>
      %gather3A_1475 = tpu.dynamic_gather %get3A_1469[%gather3A_1474] in [0] : vector<16xi32>, vector<16xi32> -> vector<16xi32>
      %select_n3A_1476 = arith.select %lt3A_4, %gather3A_1472, %gather3A_1475 : vector<16xi1>, vector<16xi32>
      %broadcast_in_dim3A_1477 = vector.shape_cast %and3A_18 : vector<16xi32> to vector<16x1xi32>
      %gather3A_1478 = vector.shape_cast %broadcast_in_dim3A_1477 : vector<16x1xi32> to vector<16xi32>
      %gather3A_1479 = tpu.dynamic_gather %get3A_1464[%gather3A_1478] in [0] : vector<16xi32>, vector<16xi32> -> vector<16xi32>
      %broadcast_in_dim3A_1480 = vector.shape_cast %and3A_18 : vector<16xi32> to vector<16x1xi32>
      %gather3A_1481 = vector.shape_cast %broadcast_in_dim3A_1480 : vector<16x1xi32> to vector<16xi32>
      %gather3A_1482 = tpu.dynamic_gather %get3A_1469[%gather3A_1481] in [0] : vector<16xi32>, vector<16xi32> -> vector<16xi32>
      %select_n3A_1483 = arith.select %lt3A_4, %gather3A_1479, %gather3A_1482 : vector<16xi1>, vector<16xi32>
      %mul3A_1484 = arith.constant 10 : i32
      %mul3A_1485 = vector.broadcast %mul3A_1484 : i32 to vector<16xi32>
      %mul3A_1486 = arith.muli %select_n3A_1476, %mul3A_1485 : vector<16xi32>
      %add3A_1487 = arith.addi %mul3A_1486, %select_n3A_1483 : vector<16xi32>
      %swap3A_1488 = arith.constant 1 : i32
      %swap3A_1489 = arith.index_cast %swap3A_1488 : i32 to index
      %swap3A_1490 = arith.constant 64 : index
      %swap3A_1491 = tpu.vector_load %arg6[%swap3A_1489, %swap3A_1490] {strides = array<i32>} : memref<4x128xi32, #tpu.memory_space<vmem>>, vector<1x16xi32>,
      %swap3A_1492 = vector.shape_cast %swap3A_1491 : vector<1x16xi32> to vector<16xi32>
      %swap3A_1493 = vector.shape_cast %add3A_1487 : vector<16xi32> to vector<1x16xi32>
      tpu.vector_store %arg6[%swap3A_1489, %swap3A_1490], %swap3A_1493 {strides = array<i32>} : memref<4x128xi32, #tpu.memory_space<vmem>>, vector<1x16xi32>,
      %get3A_1494 = arith.constant 1 : i32
      %get3A_1495 = arith.index_cast %get3A_1494 : i32 to index
      %get3A_1496 = arith.constant 160 : index
      %get3A_1497 = tpu.vector_load %arg5[%get3A_1495, %get3A_1496] {strides = array<i32>} : memref<4x200xi32, #tpu.memory_space<vmem>>, vector<1x16xi32>,
      %get3A_1498 = vector.shape_cast %get3A_1497 : vector<1x16xi32> to vector<16xi32>
      %get3A_1499 = arith.constant 1 : i32
      %get3A_1500 = arith.index_cast %get3A_1499 : i32 to index
      %get3A_1501 = arith.constant 176 : index
      %get3A_1502 = tpu.vector_load %arg5[%get3A_1500, %get3A_1501] {strides = array<i32>} : memref<4x200xi32, #tpu.memory_space<vmem>>, vector<1x16xi32>,
      %get3A_1503 = vector.shape_cast %get3A_1502 : vector<1x16xi32> to vector<16xi32>
      %broadcast_in_dim3A_1504 = vector.shape_cast %and3A_9 : vector<16xi32> to vector<16x1xi32>
      %gather3A_1505 = vector.shape_cast %broadcast_in_dim3A_1504 : vector<16x1xi32> to vector<16xi32>
      %gather3A_1506 = tpu.dynamic_gather %get3A_1498[%gather3A_1505] in [0] : vector<16xi32>, vector<16xi32> -> vector<16xi32>
      %broadcast_in_dim3A_1507 = vector.shape_cast %and3A_9 : vector<16xi32> to vector<16x1xi32>
      %gather3A_1508 = vector.shape_cast %broadcast_in_dim3A_1507 : vector<16x1xi32> to vector<16xi32>
      %gather3A_1509 = tpu.dynamic_gather %get3A_1503[%gather3A_1508] in [0] : vector<16xi32>, vector<16xi32> -> vector<16xi32>
      %select_n3A_1510 = arith.select %lt3A_4, %gather3A_1506, %gather3A_1509 : vector<16xi1>, vector<16xi32>
      %broadcast_in_dim3A_1511 = vector.shape_cast %and3A_18 : vector<16xi32> to vector<16x1xi32>
      %gather3A_1512 = vector.shape_cast %broadcast_in_dim3A_1511 : vector<16x1xi32> to vector<16xi32>
      %gather3A_1513 = tpu.dynamic_gather %get3A_1498[%gather3A_1512] in [0] : vector<16xi32>, vector<16xi32> -> vector<16xi32>
      %broadcast_in_dim3A_1514 = vector.shape_cast %and3A_18 : vector<16xi32> to vector<16x1xi32>
      %gather3A_1515 = vector.shape_cast %broadcast_in_dim3A_1514 : vector<16x1xi32> to vector<16xi32>
      %gather3A_1516 = tpu.dynamic_gather %get3A_1503[%gather3A_1515] in [0] : vector<16xi32>, vector<16xi32> -> vector<16xi32>
      %select_n3A_1517 = arith.select %lt3A_4, %gather3A_1513, %gather3A_1516 : vector<16xi1>, vector<16xi32>
      %mul3A_1518 = arith.constant 10 : i32
      %mul3A_1519 = vector.broadcast %mul3A_1518 : i32 to vector<16xi32>
      %mul3A_1520 = arith.muli %select_n3A_1510, %mul3A_1519 : vector<16xi32>
      %add3A_1521 = arith.addi %mul3A_1520, %select_n3A_1517 : vector<16xi32>
      %swap3A_1522 = arith.constant 1 : i32
      %swap3A_1523 = arith.index_cast %swap3A_1522 : i32 to index
      %swap3A_1524 = arith.constant 80 : index
      %swap3A_1525 = tpu.vector_load %arg6[%swap3A_1523, %swap3A_1524] {strides = array<i32>} : memref<4x128xi32, #tpu.memory_space<vmem>>, vector<1x16xi32>,
      %swap3A_1526 = vector.shape_cast %swap3A_1525 : vector<1x16xi32> to vector<16xi32>
      %swap3A_1527 = vector.shape_cast %add3A_1521 : vector<16xi32> to vector<1x16xi32>
      tpu.vector_store %arg6[%swap3A_1523, %swap3A_1524], %swap3A_1527 {strides = array<i32>} : memref<4x128xi32, #tpu.memory_space<vmem>>, vector<1x16xi32>,
      %get3A_1528 = arith.constant 1 : i32
      %get3A_1529 = arith.index_cast %get3A_1528 : i32 to index
      %get3A_1530 = arith.constant 184 : index
      %get3A_1531 = tpu.vector_load %arg5[%get3A_1529, %get3A_1530] {strides = array<i32>} : memref<4x200xi32, #tpu.memory_space<vmem>>, vector<1x16xi32>,
      %get3A_1532 = vector.shape_cast %get3A_1531 : vector<1x16xi32> to vector<16xi32>
      %broadcast_in_dim3A_1533 = vector.shape_cast %and3A_27 : vector<16xi32> to vector<16x1xi32>
      %gather3A_1534 = vector.shape_cast %broadcast_in_dim3A_1533 : vector<16x1xi32> to vector<16xi32>
      %gather3A_1535 = tpu.dynamic_gather %get3A_1532[%gather3A_1534] in [0] : vector<16xi32>, vector<16xi32> -> vector<16xi32>
      %mul3A_1536 = arith.constant 10 : i32
      %mul3A_1537 = vector.broadcast %mul3A_1536 : i32 to vector<16xi32>
      %mul3A_1538 = arith.muli %gather3A_1535, %mul3A_1537 : vector<16xi32>
      %broadcast_in_dim3A_1539 = vector.shape_cast %and3A_36 : vector<16xi32> to vector<16x1xi32>
      %gather3A_1540 = vector.shape_cast %broadcast_in_dim3A_1539 : vector<16x1xi32> to vector<16xi32>
      %gather3A_1541 = tpu.dynamic_gather %get3A_1532[%gather3A_1540] in [0] : vector<16xi32>, vector<16xi32> -> vector<16xi32>
      %add3A_1542 = arith.addi %mul3A_1538, %gather3A_1541 : vector<16xi32>
      %swap3A_1543 = arith.constant 1 : i32
      %swap3A_1544 = arith.index_cast %swap3A_1543 : i32 to index
      %swap3A_1545 = arith.constant 96 : index
      %swap3A_1546 = tpu.vector_load %arg6[%swap3A_1544, %swap3A_1545] {strides = array<i32>} : memref<4x128xi32, #tpu.memory_space<vmem>>, vector<1x16xi32>,
      %swap3A_1547 = vector.shape_cast %swap3A_1546 : vector<1x16xi32> to vector<16xi32>
      %swap3A_1548 = vector.shape_cast %add3A_1542 : vector<16xi32> to vector<1x16xi32>
      tpu.vector_store %arg6[%swap3A_1544, %swap3A_1545], %swap3A_1548 {strides = array<i32>} : memref<4x128xi32, #tpu.memory_space<vmem>>, vector<1x16xi32>,
      %get3A_1549 = arith.constant 2 : i32
      %get3A_1550 = arith.index_cast %get3A_1549 : i32 to index
      %get3A_1551 = arith.constant 0 : index
      %get3A_1552 = tpu.vector_load %arg5[%get3A_1550, %get3A_1551] {strides = array<i32>} : memref<4x200xi32, #tpu.memory_space<vmem>>, vector<1x16xi32>,
      %get3A_1553 = vector.shape_cast %get3A_1552 : vector<1x16xi32> to vector<16xi32>
      %get3A_1554 = arith.constant 2 : i32
      %get3A_1555 = arith.index_cast %get3A_1554 : i32 to index
      %get3A_1556 = arith.constant 16 : index
      %get3A_1557 = tpu.vector_load %arg5[%get3A_1555, %get3A_1556] {strides = array<i32>} : memref<4x200xi32, #tpu.memory_space<vmem>>, vector<1x16xi32>,
      %get3A_1558 = vector.shape_cast %get3A_1557 : vector<1x16xi32> to vector<16xi32>
      %broadcast_in_dim3A_1559 = vector.shape_cast %and3A_9 : vector<16xi32> to vector<16x1xi32>
      %gather3A_1560 = vector.shape_cast %broadcast_in_dim3A_1559 : vector<16x1xi32> to vector<16xi32>
      %gather3A_1561 = tpu.dynamic_gather %get3A_1553[%gather3A_1560] in [0] : vector<16xi32>, vector<16xi32> -> vector<16xi32>
      %broadcast_in_dim3A_1562 = vector.shape_cast %and3A_9 : vector<16xi32> to vector<16x1xi32>
      %gather3A_1563 = vector.shape_cast %broadcast_in_dim3A_1562 : vector<16x1xi32> to vector<16xi32>
      %gather3A_1564 = tpu.dynamic_gather %get3A_1558[%gather3A_1563] in [0] : vector<16xi32>, vector<16xi32> -> vector<16xi32>
      %select_n3A_1565 = arith.select %lt3A_4, %gather3A_1561, %gather3A_1564 : vector<16xi1>, vector<16xi32>
      %broadcast_in_dim3A_1566 = vector.shape_cast %and3A_18 : vector<16xi32> to vector<16x1xi32>
      %gather3A_1567 = vector.shape_cast %broadcast_in_dim3A_1566 : vector<16x1xi32> to vector<16xi32>
      %gather3A_1568 = tpu.dynamic_gather %get3A_1553[%gather3A_1567] in [0] : vector<16xi32>, vector<16xi32> -> vector<16xi32>
      %broadcast_in_dim3A_1569 = vector.shape_cast %and3A_18 : vector<16xi32> to vector<16x1xi32>
      %gather3A_1570 = vector.shape_cast %broadcast_in_dim3A_1569 : vector<16x1xi32> to vector<16xi32>
      %gather3A_1571 = tpu.dynamic_gather %get3A_1558[%gather3A_1570] in [0] : vector<16xi32>, vector<16xi32> -> vector<16xi32>
      %select_n3A_1572 = arith.select %lt3A_4, %gather3A_1568, %gather3A_1571 : vector<16xi1>, vector<16xi32>
      %mul3A_1573 = arith.constant 10 : i32
      %mul3A_1574 = vector.broadcast %mul3A_1573 : i32 to vector<16xi32>
      %mul3A_1575 = arith.muli %select_n3A_1565, %mul3A_1574 : vector<16xi32>
      %add3A_1576 = arith.addi %mul3A_1575, %select_n3A_1572 : vector<16xi32>
      %swap3A_1577 = arith.constant 2 : i32
      %swap3A_1578 = arith.index_cast %swap3A_1577 : i32 to index
      %swap3A_1579 = arith.constant 0 : index
      %swap3A_1580 = tpu.vector_load %arg6[%swap3A_1578, %swap3A_1579] {strides = array<i32>} : memref<4x128xi32, #tpu.memory_space<vmem>>, vector<1x16xi32>,
      %swap3A_1581 = vector.shape_cast %swap3A_1580 : vector<1x16xi32> to vector<16xi32>
      %swap3A_1582 = vector.shape_cast %add3A_1576 : vector<16xi32> to vector<1x16xi32>
      tpu.vector_store %arg6[%swap3A_1578, %swap3A_1579], %swap3A_1582 {strides = array<i32>} : memref<4x128xi32, #tpu.memory_space<vmem>>, vector<1x16xi32>,
      %get3A_1583 = arith.constant 2 : i32
      %get3A_1584 = arith.index_cast %get3A_1583 : i32 to index
      %get3A_1585 = arith.constant 32 : index
      %get3A_1586 = tpu.vector_load %arg5[%get3A_1584, %get3A_1585] {strides = array<i32>} : memref<4x200xi32, #tpu.memory_space<vmem>>, vector<1x16xi32>,
      %get3A_1587 = vector.shape_cast %get3A_1586 : vector<1x16xi32> to vector<16xi32>
      %get3A_1588 = arith.constant 2 : i32
      %get3A_1589 = arith.index_cast %get3A_1588 : i32 to index
      %get3A_1590 = arith.constant 48 : index
      %get3A_1591 = tpu.vector_load %arg5[%get3A_1589, %get3A_1590] {strides = array<i32>} : memref<4x200xi32, #tpu.memory_space<vmem>>, vector<1x16xi32>,
      %get3A_1592 = vector.shape_cast %get3A_1591 : vector<1x16xi32> to vector<16xi32>
      %broadcast_in_dim3A_1593 = vector.shape_cast %and3A_9 : vector<16xi32> to vector<16x1xi32>
      %gather3A_1594 = vector.shape_cast %broadcast_in_dim3A_1593 : vector<16x1xi32> to vector<16xi32>
      %gather3A_1595 = tpu.dynamic_gather %get3A_1587[%gather3A_1594] in [0] : vector<16xi32>, vector<16xi32> -> vector<16xi32>
      %broadcast_in_dim3A_1596 = vector.shape_cast %and3A_9 : vector<16xi32> to vector<16x1xi32>
      %gather3A_1597 = vector.shape_cast %broadcast_in_dim3A_1596 : vector<16x1xi32> to vector<16xi32>
      %gather3A_1598 = tpu.dynamic_gather %get3A_1592[%gather3A_1597] in [0] : vector<16xi32>, vector<16xi32> -> vector<16xi32>
      %select_n3A_1599 = arith.select %lt3A_4, %gather3A_1595, %gather3A_1598 : vector<16xi1>, vector<16xi32>
      %broadcast_in_dim3A_1600 = vector.shape_cast %and3A_18 : vector<16xi32> to vector<16x1xi32>
      %gather3A_1601 = vector.shape_cast %broadcast_in_dim3A_1600 : vector<16x1xi32> to vector<16xi32>
      %gather3A_1602 = tpu.dynamic_gather %get3A_1587[%gather3A_1601] in [0] : vector<16xi32>, vector<16xi32> -> vector<16xi32>
      %broadcast_in_dim3A_1603 = vector.shape_cast %and3A_18 : vector<16xi32> to vector<16x1xi32>
      %gather3A_1604 = vector.shape_cast %broadcast_in_dim3A_1603 : vector<16x1xi32> to vector<16xi32>
      %gather3A_1605 = tpu.dynamic_gather %get3A_1592[%gather3A_1604] in [0] : vector<16xi32>, vector<16xi32> -> vector<16xi32>
      %select_n3A_1606 = arith.select %lt3A_4, %gather3A_1602, %gather3A_1605 : vector<16xi1>, vector<16xi32>
      %mul3A_1607 = arith.constant 10 : i32
      %mul3A_1608 = vector.broadcast %mul3A_1607 : i32 to vector<16xi32>
      %mul3A_1609 = arith.muli %select_n3A_1599, %mul3A_1608 : vector<16xi32>
      %add3A_1610 = arith.addi %mul3A_1609, %select_n3A_1606 : vector<16xi32>
      %swap3A_1611 = arith.constant 2 : i32
      %swap3A_1612 = arith.index_cast %swap3A_1611 : i32 to index
      %swap3A_1613 = arith.constant 16 : index
      %swap3A_1614 = tpu.vector_load %arg6[%swap3A_1612, %swap3A_1613] {strides = array<i32>} : memref<4x128xi32, #tpu.memory_space<vmem>>, vector<1x16xi32>,
      %swap3A_1615 = vector.shape_cast %swap3A_1614 : vector<1x16xi32> to vector<16xi32>
      %swap3A_1616 = vector.shape_cast %add3A_1610 : vector<16xi32> to vector<1x16xi32>
      tpu.vector_store %arg6[%swap3A_1612, %swap3A_1613], %swap3A_1616 {strides = array<i32>} : memref<4x128xi32, #tpu.memory_space<vmem>>, vector<1x16xi32>,
      %get3A_1617 = arith.constant 2 : i32
      %get3A_1618 = arith.index_cast %get3A_1617 : i32 to index
      %get3A_1619 = arith.constant 64 : index
      %get3A_1620 = tpu.vector_load %arg5[%get3A_1618, %get3A_1619] {strides = array<i32>} : memref<4x200xi32, #tpu.memory_space<vmem>>, vector<1x16xi32>,
      %get3A_1621 = vector.shape_cast %get3A_1620 : vector<1x16xi32> to vector<16xi32>
      %get3A_1622 = arith.constant 2 : i32
      %get3A_1623 = arith.index_cast %get3A_1622 : i32 to index
      %get3A_1624 = arith.constant 80 : index
      %get3A_1625 = tpu.vector_load %arg5[%get3A_1623, %get3A_1624] {strides = array<i32>} : memref<4x200xi32, #tpu.memory_space<vmem>>, vector<1x16xi32>,
      %get3A_1626 = vector.shape_cast %get3A_1625 : vector<1x16xi32> to vector<16xi32>
      %broadcast_in_dim3A_1627 = vector.shape_cast %and3A_9 : vector<16xi32> to vector<16x1xi32>
      %gather3A_1628 = vector.shape_cast %broadcast_in_dim3A_1627 : vector<16x1xi32> to vector<16xi32>
      %gather3A_1629 = tpu.dynamic_gather %get3A_1621[%gather3A_1628] in [0] : vector<16xi32>, vector<16xi32> -> vector<16xi32>
      %broadcast_in_dim3A_1630 = vector.shape_cast %and3A_9 : vector<16xi32> to vector<16x1xi32>
      %gather3A_1631 = vector.shape_cast %broadcast_in_dim3A_1630 : vector<16x1xi32> to vector<16xi32>
      %gather3A_1632 = tpu.dynamic_gather %get3A_1626[%gather3A_1631] in [0] : vector<16xi32>, vector<16xi32> -> vector<16xi32>
      %select_n3A_1633 = arith.select %lt3A_4, %gather3A_1629, %gather3A_1632 : vector<16xi1>, vector<16xi32>
      %broadcast_in_dim3A_1634 = vector.shape_cast %and3A_18 : vector<16xi32> to vector<16x1xi32>
      %gather3A_1635 = vector.shape_cast %broadcast_in_dim3A_1634 : vector<16x1xi32> to vector<16xi32>
      %gather3A_1636 = tpu.dynamic_gather %get3A_1621[%gather3A_1635] in [0] : vector<16xi32>, vector<16xi32> -> vector<16xi32>
      %broadcast_in_dim3A_1637 = vector.shape_cast %and3A_18 : vector<16xi32> to vector<16x1xi32>
      %gather3A_1638 = vector.shape_cast %broadcast_in_dim3A_1637 : vector<16x1xi32> to vector<16xi32>
      %gather3A_1639 = tpu.dynamic_gather %get3A_1626[%gather3A_1638] in [0] : vector<16xi32>, vector<16xi32> -> vector<16xi32>
      %select_n3A_1640 = arith.select %lt3A_4, %gather3A_1636, %gather3A_1639 : vector<16xi1>, vector<16xi32>
      %mul3A_1641 = arith.constant 10 : i32
      %mul3A_1642 = vector.broadcast %mul3A_1641 : i32 to vector<16xi32>
      %mul3A_1643 = arith.muli %select_n3A_1633, %mul3A_1642 : vector<16xi32>
      %add3A_1644 = arith.addi %mul3A_1643, %select_n3A_1640 : vector<16xi32>
      %swap3A_1645 = arith.constant 2 : i32
      %swap3A_1646 = arith.index_cast %swap3A_1645 : i32 to index
      %swap3A_1647 = arith.constant 32 : index
      %swap3A_1648 = tpu.vector_load %arg6[%swap3A_1646, %swap3A_1647] {strides = array<i32>} : memref<4x128xi32, #tpu.memory_space<vmem>>, vector<1x16xi32>,
      %swap3A_1649 = vector.shape_cast %swap3A_1648 : vector<1x16xi32> to vector<16xi32>
      %swap3A_1650 = vector.shape_cast %add3A_1644 : vector<16xi32> to vector<1x16xi32>
      tpu.vector_store %arg6[%swap3A_1646, %swap3A_1647], %swap3A_1650 {strides = array<i32>} : memref<4x128xi32, #tpu.memory_space<vmem>>, vector<1x16xi32>,
      %get3A_1651 = arith.constant 2 : i32
      %get3A_1652 = arith.index_cast %get3A_1651 : i32 to index
      %get3A_1653 = arith.constant 96 : index
      %get3A_1654 = tpu.vector_load %arg5[%get3A_1652, %get3A_1653] {strides = array<i32>} : memref<4x200xi32, #tpu.memory_space<vmem>>, vector<1x16xi32>,
      %get3A_1655 = vector.shape_cast %get3A_1654 : vector<1x16xi32> to vector<16xi32>
      %get3A_1656 = arith.constant 2 : i32
      %get3A_1657 = arith.index_cast %get3A_1656 : i32 to index
      %get3A_1658 = arith.constant 112 : index
      %get3A_1659 = tpu.vector_load %arg5[%get3A_1657, %get3A_1658] {strides = array<i32>} : memref<4x200xi32, #tpu.memory_space<vmem>>, vector<1x16xi32>,
      %get3A_1660 = vector.shape_cast %get3A_1659 : vector<1x16xi32> to vector<16xi32>
      %broadcast_in_dim3A_1661 = vector.shape_cast %and3A_9 : vector<16xi32> to vector<16x1xi32>
      %gather3A_1662 = vector.shape_cast %broadcast_in_dim3A_1661 : vector<16x1xi32> to vector<16xi32>
      %gather3A_1663 = tpu.dynamic_gather %get3A_1655[%gather3A_1662] in [0] : vector<16xi32>, vector<16xi32> -> vector<16xi32>
      %broadcast_in_dim3A_1664 = vector.shape_cast %and3A_9 : vector<16xi32> to vector<16x1xi32>
      %gather3A_1665 = vector.shape_cast %broadcast_in_dim3A_1664 : vector<16x1xi32> to vector<16xi32>
      %gather3A_1666 = tpu.dynamic_gather %get3A_1660[%gather3A_1665] in [0] : vector<16xi32>, vector<16xi32> -> vector<16xi32>
      %select_n3A_1667 = arith.select %lt3A_4, %gather3A_1663, %gather3A_1666 : vector<16xi1>, vector<16xi32>
      %broadcast_in_dim3A_1668 = vector.shape_cast %and3A_18 : vector<16xi32> to vector<16x1xi32>
      %gather3A_1669 = vector.shape_cast %broadcast_in_dim3A_1668 : vector<16x1xi32> to vector<16xi32>
      %gather3A_1670 = tpu.dynamic_gather %get3A_1655[%gather3A_1669] in [0] : vector<16xi32>, vector<16xi32> -> vector<16xi32>
      %broadcast_in_dim3A_1671 = vector.shape_cast %and3A_18 : vector<16xi32> to vector<16x1xi32>
      %gather3A_1672 = vector.shape_cast %broadcast_in_dim3A_1671 : vector<16x1xi32> to vector<16xi32>
      %gather3A_1673 = tpu.dynamic_gather %get3A_1660[%gather3A_1672] in [0] : vector<16xi32>, vector<16xi32> -> vector<16xi32>
      %select_n3A_1674 = arith.select %lt3A_4, %gather3A_1670, %gather3A_1673 : vector<16xi1>, vector<16xi32>
      %mul3A_1675 = arith.constant 10 : i32
      %mul3A_1676 = vector.broadcast %mul3A_1675 : i32 to vector<16xi32>
      %mul3A_1677 = arith.muli %select_n3A_1667, %mul3A_1676 : vector<16xi32>
      %add3A_1678 = arith.addi %mul3A_1677, %select_n3A_1674 : vector<16xi32>
      %swap3A_1679 = arith.constant 2 : i32
      %swap3A_1680 = arith.index_cast %swap3A_1679 : i32 to index
      %swap3A_1681 = arith.constant 48 : index
      %swap3A_1682 = tpu.vector_load %arg6[%swap3A_1680, %swap3A_1681] {strides = array<i32>} : memref<4x128xi32, #tpu.memory_space<vmem>>, vector<1x16xi32>,
      %swap3A_1683 = vector.shape_cast %swap3A_1682 : vector<1x16xi32> to vector<16xi32>
      %swap3A_1684 = vector.shape_cast %add3A_1678 : vector<16xi32> to vector<1x16xi32>
      tpu.vector_store %arg6[%swap3A_1680, %swap3A_1681], %swap3A_1684 {strides = array<i32>} : memref<4x128xi32, #tpu.memory_space<vmem>>, vector<1x16xi32>,
      %get3A_1685 = arith.constant 2 : i32
      %get3A_1686 = arith.index_cast %get3A_1685 : i32 to index
      %get3A_1687 = arith.constant 128 : index
      %get3A_1688 = tpu.vector_load %arg5[%get3A_1686, %get3A_1687] {strides = array<i32>} : memref<4x200xi32, #tpu.memory_space<vmem>>, vector<1x16xi32>,
      %get3A_1689 = vector.shape_cast %get3A_1688 : vector<1x16xi32> to vector<16xi32>
      %get3A_1690 = arith.constant 2 : i32
      %get3A_1691 = arith.index_cast %get3A_1690 : i32 to index
      %get3A_1692 = arith.constant 144 : index
      %get3A_1693 = tpu.vector_load %arg5[%get3A_1691, %get3A_1692] {strides = array<i32>} : memref<4x200xi32, #tpu.memory_space<vmem>>, vector<1x16xi32>,
      %get3A_1694 = vector.shape_cast %get3A_1693 : vector<1x16xi32> to vector<16xi32>
      %broadcast_in_dim3A_1695 = vector.shape_cast %and3A_9 : vector<16xi32> to vector<16x1xi32>
      %gather3A_1696 = vector.shape_cast %broadcast_in_dim3A_1695 : vector<16x1xi32> to vector<16xi32>
      %gather3A_1697 = tpu.dynamic_gather %get3A_1689[%gather3A_1696] in [0] : vector<16xi32>, vector<16xi32> -> vector<16xi32>
      %broadcast_in_dim3A_1698 = vector.shape_cast %and3A_9 : vector<16xi32> to vector<16x1xi32>
      %gather3A_1699 = vector.shape_cast %broadcast_in_dim3A_1698 : vector<16x1xi32> to vector<16xi32>
      %gather3A_1700 = tpu.dynamic_gather %get3A_1694[%gather3A_1699] in [0] : vector<16xi32>, vector<16xi32> -> vector<16xi32>
      %select_n3A_1701 = arith.select %lt3A_4, %gather3A_1697, %gather3A_1700 : vector<16xi1>, vector<16xi32>
      %broadcast_in_dim3A_1702 = vector.shape_cast %and3A_18 : vector<16xi32> to vector<16x1xi32>
      %gather3A_1703 = vector.shape_cast %broadcast_in_dim3A_1702 : vector<16x1xi32> to vector<16xi32>
      %gather3A_1704 = tpu.dynamic_gather %get3A_1689[%gather3A_1703] in [0] : vector<16xi32>, vector<16xi32> -> vector<16xi32>
      %broadcast_in_dim3A_1705 = vector.shape_cast %and3A_18 : vector<16xi32> to vector<16x1xi32>
      %gather3A_1706 = vector.shape_cast %broadcast_in_dim3A_1705 : vector<16x1xi32> to vector<16xi32>
      %gather3A_1707 = tpu.dynamic_gather %get3A_1694[%gather3A_1706] in [0] : vector<16xi32>, vector<16xi32> -> vector<16xi32>
      %select_n3A_1708 = arith.select %lt3A_4, %gather3A_1704, %gather3A_1707 : vector<16xi1>, vector<16xi32>
      %mul3A_1709 = arith.constant 10 : i32
      %mul3A_1710 = vector.broadcast %mul3A_1709 : i32 to vector<16xi32>
      %mul3A_1711 = arith.muli %select_n3A_1701, %mul3A_1710 : vector<16xi32>
      %add3A_1712 = arith.addi %mul3A_1711, %select_n3A_1708 : vector<16xi32>
      %swap3A_1713 = arith.constant 2 : i32
      %swap3A_1714 = arith.index_cast %swap3A_1713 : i32 to index
      %swap3A_1715 = arith.constant 64 : index
      %swap3A_1716 = tpu.vector_load %arg6[%swap3A_1714, %swap3A_1715] {strides = array<i32>} : memref<4x128xi32, #tpu.memory_space<vmem>>, vector<1x16xi32>,
      %swap3A_1717 = vector.shape_cast %swap3A_1716 : vector<1x16xi32> to vector<16xi32>
      %swap3A_1718 = vector.shape_cast %add3A_1712 : vector<16xi32> to vector<1x16xi32>
      tpu.vector_store %arg6[%swap3A_1714, %swap3A_1715], %swap3A_1718 {strides = array<i32>} : memref<4x128xi32, #tpu.memory_space<vmem>>, vector<1x16xi32>,
      %get3A_1719 = arith.constant 2 : i32
      %get3A_1720 = arith.index_cast %get3A_1719 : i32 to index
      %get3A_1721 = arith.constant 160 : index
      %get3A_1722 = tpu.vector_load %arg5[%get3A_1720, %get3A_1721] {strides = array<i32>} : memref<4x200xi32, #tpu.memory_space<vmem>>, vector<1x16xi32>,
      %get3A_1723 = vector.shape_cast %get3A_1722 : vector<1x16xi32> to vector<16xi32>
      %get3A_1724 = arith.constant 2 : i32
      %get3A_1725 = arith.index_cast %get3A_1724 : i32 to index
      %get3A_1726 = arith.constant 176 : index
      %get3A_1727 = tpu.vector_load %arg5[%get3A_1725, %get3A_1726] {strides = array<i32>} : memref<4x200xi32, #tpu.memory_space<vmem>>, vector<1x16xi32>,
      %get3A_1728 = vector.shape_cast %get3A_1727 : vector<1x16xi32> to vector<16xi32>
      %broadcast_in_dim3A_1729 = vector.shape_cast %and3A_9 : vector<16xi32> to vector<16x1xi32>
      %gather3A_1730 = vector.shape_cast %broadcast_in_dim3A_1729 : vector<16x1xi32> to vector<16xi32>
      %gather3A_1731 = tpu.dynamic_gather %get3A_1723[%gather3A_1730] in [0] : vector<16xi32>, vector<16xi32> -> vector<16xi32>
      %broadcast_in_dim3A_1732 = vector.shape_cast %and3A_9 : vector<16xi32> to vector<16x1xi32>
      %gather3A_1733 = vector.shape_cast %broadcast_in_dim3A_1732 : vector<16x1xi32> to vector<16xi32>
      %gather3A_1734 = tpu.dynamic_gather %get3A_1728[%gather3A_1733] in [0] : vector<16xi32>, vector<16xi32> -> vector<16xi32>
      %select_n3A_1735 = arith.select %lt3A_4, %gather3A_1731, %gather3A_1734 : vector<16xi1>, vector<16xi32>
      %broadcast_in_dim3A_1736 = vector.shape_cast %and3A_18 : vector<16xi32> to vector<16x1xi32>
      %gather3A_1737 = vector.shape_cast %broadcast_in_dim3A_1736 : vector<16x1xi32> to vector<16xi32>
      %gather3A_1738 = tpu.dynamic_gather %get3A_1723[%gather3A_1737] in [0] : vector<16xi32>, vector<16xi32> -> vector<16xi32>
      %broadcast_in_dim3A_1739 = vector.shape_cast %and3A_18 : vector<16xi32> to vector<16x1xi32>
      %gather3A_1740 = vector.shape_cast %broadcast_in_dim3A_1739 : vector<16x1xi32> to vector<16xi32>
      %gather3A_1741 = tpu.dynamic_gather %get3A_1728[%gather3A_1740] in [0] : vector<16xi32>, vector<16xi32> -> vector<16xi32>
      %select_n3A_1742 = arith.select %lt3A_4, %gather3A_1738, %gather3A_1741 : vector<16xi1>, vector<16xi32>
      %mul3A_1743 = arith.constant 10 : i32
      %mul3A_1744 = vector.broadcast %mul3A_1743 : i32 to vector<16xi32>
      %mul3A_1745 = arith.muli %select_n3A_1735, %mul3A_1744 : vector<16xi32>
      %add3A_1746 = arith.addi %mul3A_1745, %select_n3A_1742 : vector<16xi32>
      %swap3A_1747 = arith.constant 2 : i32
      %swap3A_1748 = arith.index_cast %swap3A_1747 : i32 to index
      %swap3A_1749 = arith.constant 80 : index
      %swap3A_1750 = tpu.vector_load %arg6[%swap3A_1748, %swap3A_1749] {strides = array<i32>} : memref<4x128xi32, #tpu.memory_space<vmem>>, vector<1x16xi32>,
      %swap3A_1751 = vector.shape_cast %swap3A_1750 : vector<1x16xi32> to vector<16xi32>
      %swap3A_1752 = vector.shape_cast %add3A_1746 : vector<16xi32> to vector<1x16xi32>
      tpu.vector_store %arg6[%swap3A_1748, %swap3A_1749], %swap3A_1752 {strides = array<i32>} : memref<4x128xi32, #tpu.memory_space<vmem>>, vector<1x16xi32>,
      %get3A_1753 = arith.constant 2 : i32
      %get3A_1754 = arith.index_cast %get3A_1753 : i32 to index
      %get3A_1755 = arith.constant 184 : index
      %get3A_1756 = tpu.vector_load %arg5[%get3A_1754, %get3A_1755] {strides = array<i32>} : memref<4x200xi32, #tpu.memory_space<vmem>>, vector<1x16xi32>,
      %get3A_1757 = vector.shape_cast %get3A_1756 : vector<1x16xi32> to vector<16xi32>
      %broadcast_in_dim3A_1758 = vector.shape_cast %and3A_27 : vector<16xi32> to vector<16x1xi32>
      %gather3A_1759 = vector.shape_cast %broadcast_in_dim3A_1758 : vector<16x1xi32> to vector<16xi32>
      %gather3A_1760 = tpu.dynamic_gather %get3A_1757[%gather3A_1759] in [0] : vector<16xi32>, vector<16xi32> -> vector<16xi32>
      %mul3A_1761 = arith.constant 10 : i32
      %mul3A_1762 = vector.broadcast %mul3A_1761 : i32 to vector<16xi32>
      %mul3A_1763 = arith.muli %gather3A_1760, %mul3A_1762 : vector<16xi32>
      %broadcast_in_dim3A_1764 = vector.shape_cast %and3A_36 : vector<16xi32> to vector<16x1xi32>
      %gather3A_1765 = vector.shape_cast %broadcast_in_dim3A_1764 : vector<16x1xi32> to vector<16xi32>
      %gather3A_1766 = tpu.dynamic_gather %get3A_1757[%gather3A_1765] in [0] : vector<16xi32>, vector<16xi32> -> vector<16xi32>
      %add3A_1767 = arith.addi %mul3A_1763, %gather3A_1766 : vector<16xi32>
      %swap3A_1768 = arith.constant 2 : i32
      %swap3A_1769 = arith.index_cast %swap3A_1768 : i32 to index
      %swap3A_1770 = arith.constant 96 : index
      %swap3A_1771 = tpu.vector_load %arg6[%swap3A_1769, %swap3A_1770] {strides = array<i32>} : memref<4x128xi32, #tpu.memory_space<vmem>>, vector<1x16xi32>,
      %swap3A_1772 = vector.shape_cast %swap3A_1771 : vector<1x16xi32> to vector<16xi32>
      %swap3A_1773 = vector.shape_cast %add3A_1767 : vector<16xi32> to vector<1x16xi32>
      tpu.vector_store %arg6[%swap3A_1769, %swap3A_1770], %swap3A_1773 {strides = array<i32>} : memref<4x128xi32, #tpu.memory_space<vmem>>, vector<1x16xi32>,
      %get3A_1774 = arith.constant 3 : i32
      %get3A_1775 = arith.index_cast %get3A_1774 : i32 to index
      %get3A_1776 = arith.constant 0 : index
      %get3A_1777 = tpu.vector_load %arg5[%get3A_1775, %get3A_1776] {strides = array<i32>} : memref<4x200xi32, #tpu.memory_space<vmem>>, vector<1x16xi32>,
      %get3A_1778 = vector.shape_cast %get3A_1777 : vector<1x16xi32> to vector<16xi32>
      %get3A_1779 = arith.constant 3 : i32
      %get3A_1780 = arith.index_cast %get3A_1779 : i32 to index
      %get3A_1781 = arith.constant 16 : index
      %get3A_1782 = tpu.vector_load %arg5[%get3A_1780, %get3A_1781] {strides = array<i32>} : memref<4x200xi32, #tpu.memory_space<vmem>>, vector<1x16xi32>,
      %get3A_1783 = vector.shape_cast %get3A_1782 : vector<1x16xi32> to vector<16xi32>
      %broadcast_in_dim3A_1784 = vector.shape_cast %and3A_9 : vector<16xi32> to vector<16x1xi32>
      %gather3A_1785 = vector.shape_cast %broadcast_in_dim3A_1784 : vector<16x1xi32> to vector<16xi32>
      %gather3A_1786 = tpu.dynamic_gather %get3A_1778[%gather3A_1785] in [0] : vector<16xi32>, vector<16xi32> -> vector<16xi32>
      %broadcast_in_dim3A_1787 = vector.shape_cast %and3A_9 : vector<16xi32> to vector<16x1xi32>
      %gather3A_1788 = vector.shape_cast %broadcast_in_dim3A_1787 : vector<16x1xi32> to vector<16xi32>
      %gather3A_1789 = tpu.dynamic_gather %get3A_1783[%gather3A_1788] in [0] : vector<16xi32>, vector<16xi32> -> vector<16xi32>
      %select_n3A_1790 = arith.select %lt3A_4, %gather3A_1786, %gather3A_1789 : vector<16xi1>, vector<16xi32>
      %broadcast_in_dim3A_1791 = vector.shape_cast %and3A_18 : vector<16xi32> to vector<16x1xi32>
      %gather3A_1792 = vector.shape_cast %broadcast_in_dim3A_1791 : vector<16x1xi32> to vector<16xi32>
      %gather3A_1793 = tpu.dynamic_gather %get3A_1778[%gather3A_1792] in [0] : vector<16xi32>, vector<16xi32> -> vector<16xi32>
      %broadcast_in_dim3A_1794 = vector.shape_cast %and3A_18 : vector<16xi32> to vector<16x1xi32>
      %gather3A_1795 = vector.shape_cast %broadcast_in_dim3A_1794 : vector<16x1xi32> to vector<16xi32>
      %gather3A_1796 = tpu.dynamic_gather %get3A_1783[%gather3A_1795] in [0] : vector<16xi32>, vector<16xi32> -> vector<16xi32>
      %select_n3A_1797 = arith.select %lt3A_4, %gather3A_1793, %gather3A_1796 : vector<16xi1>, vector<16xi32>
      %mul3A_1798 = arith.constant 10 : i32
      %mul3A_1799 = vector.broadcast %mul3A_1798 : i32 to vector<16xi32>
      %mul3A_1800 = arith.muli %select_n3A_1790, %mul3A_1799 : vector<16xi32>
      %add3A_1801 = arith.addi %mul3A_1800, %select_n3A_1797 : vector<16xi32>
      %swap3A_1802 = arith.constant 3 : i32
      %swap3A_1803 = arith.index_cast %swap3A_1802 : i32 to index
      %swap3A_1804 = arith.constant 0 : index
      %swap3A_1805 = tpu.vector_load %arg6[%swap3A_1803, %swap3A_1804] {strides = array<i32>} : memref<4x128xi32, #tpu.memory_space<vmem>>, vector<1x16xi32>,
      %swap3A_1806 = vector.shape_cast %swap3A_1805 : vector<1x16xi32> to vector<16xi32>
      %swap3A_1807 = vector.shape_cast %add3A_1801 : vector<16xi32> to vector<1x16xi32>
      tpu.vector_store %arg6[%swap3A_1803, %swap3A_1804], %swap3A_1807 {strides = array<i32>} : memref<4x128xi32, #tpu.memory_space<vmem>>, vector<1x16xi32>,
      %get3A_1808 = arith.constant 3 : i32
      %get3A_1809 = arith.index_cast %get3A_1808 : i32 to index
      %get3A_1810 = arith.constant 32 : index
      %get3A_1811 = tpu.vector_load %arg5[%get3A_1809, %get3A_1810] {strides = array<i32>} : memref<4x200xi32, #tpu.memory_space<vmem>>, vector<1x16xi32>,
      %get3A_1812 = vector.shape_cast %get3A_1811 : vector<1x16xi32> to vector<16xi32>
      %get3A_1813 = arith.constant 3 : i32
      %get3A_1814 = arith.index_cast %get3A_1813 : i32 to index
      %get3A_1815 = arith.constant 48 : index
      %get3A_1816 = tpu.vector_load %arg5[%get3A_1814, %get3A_1815] {strides = array<i32>} : memref<4x200xi32, #tpu.memory_space<vmem>>, vector<1x16xi32>,
      %get3A_1817 = vector.shape_cast %get3A_1816 : vector<1x16xi32> to vector<16xi32>
      %broadcast_in_dim3A_1818 = vector.shape_cast %and3A_9 : vector<16xi32> to vector<16x1xi32>
      %gather3A_1819 = vector.shape_cast %broadcast_in_dim3A_1818 : vector<16x1xi32> to vector<16xi32>
      %gather3A_1820 = tpu.dynamic_gather %get3A_1812[%gather3A_1819] in [0] : vector<16xi32>, vector<16xi32> -> vector<16xi32>
      %broadcast_in_dim3A_1821 = vector.shape_cast %and3A_9 : vector<16xi32> to vector<16x1xi32>
      %gather3A_1822 = vector.shape_cast %broadcast_in_dim3A_1821 : vector<16x1xi32> to vector<16xi32>
      %gather3A_1823 = tpu.dynamic_gather %get3A_1817[%gather3A_1822] in [0] : vector<16xi32>, vector<16xi32> -> vector<16xi32>
      %select_n3A_1824 = arith.select %lt3A_4, %gather3A_1820, %gather3A_1823 : vector<16xi1>, vector<16xi32>
      %broadcast_in_dim3A_1825 = vector.shape_cast %and3A_18 : vector<16xi32> to vector<16x1xi32>
      %gather3A_1826 = vector.shape_cast %broadcast_in_dim3A_1825 : vector<16x1xi32> to vector<16xi32>
      %gather3A_1827 = tpu.dynamic_gather %get3A_1812[%gather3A_1826] in [0] : vector<16xi32>, vector<16xi32> -> vector<16xi32>
      %broadcast_in_dim3A_1828 = vector.shape_cast %and3A_18 : vector<16xi32> to vector<16x1xi32>
      %gather3A_1829 = vector.shape_cast %broadcast_in_dim3A_1828 : vector<16x1xi32> to vector<16xi32>
      %gather3A_1830 = tpu.dynamic_gather %get3A_1817[%gather3A_1829] in [0] : vector<16xi32>, vector<16xi32> -> vector<16xi32>
      %select_n3A_1831 = arith.select %lt3A_4, %gather3A_1827, %gather3A_1830 : vector<16xi1>, vector<16xi32>
      %mul3A_1832 = arith.constant 10 : i32
      %mul3A_1833 = vector.broadcast %mul3A_1832 : i32 to vector<16xi32>
      %mul3A_1834 = arith.muli %select_n3A_1824, %mul3A_1833 : vector<16xi32>
      %add3A_1835 = arith.addi %mul3A_1834, %select_n3A_1831 : vector<16xi32>
      %swap3A_1836 = arith.constant 3 : i32
      %swap3A_1837 = arith.index_cast %swap3A_1836 : i32 to index
      %swap3A_1838 = arith.constant 16 : index
      %swap3A_1839 = tpu.vector_load %arg6[%swap3A_1837, %swap3A_1838] {strides = array<i32>} : memref<4x128xi32, #tpu.memory_space<vmem>>, vector<1x16xi32>,
      %swap3A_1840 = vector.shape_cast %swap3A_1839 : vector<1x16xi32> to vector<16xi32>
      %swap3A_1841 = vector.shape_cast %add3A_1835 : vector<16xi32> to vector<1x16xi32>
      tpu.vector_store %arg6[%swap3A_1837, %swap3A_1838], %swap3A_1841 {strides = array<i32>} : memref<4x128xi32, #tpu.memory_space<vmem>>, vector<1x16xi32>,
      %get3A_1842 = arith.constant 3 : i32
      %get3A_1843 = arith.index_cast %get3A_1842 : i32 to index
      %get3A_1844 = arith.constant 64 : index
      %get3A_1845 = tpu.vector_load %arg5[%get3A_1843, %get3A_1844] {strides = array<i32>} : memref<4x200xi32, #tpu.memory_space<vmem>>, vector<1x16xi32>,
      %get3A_1846 = vector.shape_cast %get3A_1845 : vector<1x16xi32> to vector<16xi32>
      %get3A_1847 = arith.constant 3 : i32
      %get3A_1848 = arith.index_cast %get3A_1847 : i32 to index
      %get3A_1849 = arith.constant 80 : index
      %get3A_1850 = tpu.vector_load %arg5[%get3A_1848, %get3A_1849] {strides = array<i32>} : memref<4x200xi32, #tpu.memory_space<vmem>>, vector<1x16xi32>,
      %get3A_1851 = vector.shape_cast %get3A_1850 : vector<1x16xi32> to vector<16xi32>
      %broadcast_in_dim3A_1852 = vector.shape_cast %and3A_9 : vector<16xi32> to vector<16x1xi32>
      %gather3A_1853 = vector.shape_cast %broadcast_in_dim3A_1852 : vector<16x1xi32> to vector<16xi32>
      %gather3A_1854 = tpu.dynamic_gather %get3A_1846[%gather3A_1853] in [0] : vector<16xi32>, vector<16xi32> -> vector<16xi32>
      %broadcast_in_dim3A_1855 = vector.shape_cast %and3A_9 : vector<16xi32> to vector<16x1xi32>
      %gather3A_1856 = vector.shape_cast %broadcast_in_dim3A_1855 : vector<16x1xi32> to vector<16xi32>
      %gather3A_1857 = tpu.dynamic_gather %get3A_1851[%gather3A_1856] in [0] : vector<16xi32>, vector<16xi32> -> vector<16xi32>
      %select_n3A_1858 = arith.select %lt3A_4, %gather3A_1854, %gather3A_1857 : vector<16xi1>, vector<16xi32>
      %broadcast_in_dim3A_1859 = vector.shape_cast %and3A_18 : vector<16xi32> to vector<16x1xi32>
      %gather3A_1860 = vector.shape_cast %broadcast_in_dim3A_1859 : vector<16x1xi32> to vector<16xi32>
      %gather3A_1861 = tpu.dynamic_gather %get3A_1846[%gather3A_1860] in [0] : vector<16xi32>, vector<16xi32> -> vector<16xi32>
      %broadcast_in_dim3A_1862 = vector.shape_cast %and3A_18 : vector<16xi32> to vector<16x1xi32>
      %gather3A_1863 = vector.shape_cast %broadcast_in_dim3A_1862 : vector<16x1xi32> to vector<16xi32>
      %gather3A_1864 = tpu.dynamic_gather %get3A_1851[%gather3A_1863] in [0] : vector<16xi32>, vector<16xi32> -> vector<16xi32>
      %select_n3A_1865 = arith.select %lt3A_4, %gather3A_1861, %gather3A_1864 : vector<16xi1>, vector<16xi32>
      %mul3A_1866 = arith.constant 10 : i32
      %mul3A_1867 = vector.broadcast %mul3A_1866 : i32 to vector<16xi32>
      %mul3A_1868 = arith.muli %select_n3A_1858, %mul3A_1867 : vector<16xi32>
      %add3A_1869 = arith.addi %mul3A_1868, %select_n3A_1865 : vector<16xi32>
      %swap3A_1870 = arith.constant 3 : i32
      %swap3A_1871 = arith.index_cast %swap3A_1870 : i32 to index
      %swap3A_1872 = arith.constant 32 : index
      %swap3A_1873 = tpu.vector_load %arg6[%swap3A_1871, %swap3A_1872] {strides = array<i32>} : memref<4x128xi32, #tpu.memory_space<vmem>>, vector<1x16xi32>,
      %swap3A_1874 = vector.shape_cast %swap3A_1873 : vector<1x16xi32> to vector<16xi32>
      %swap3A_1875 = vector.shape_cast %add3A_1869 : vector<16xi32> to vector<1x16xi32>
      tpu.vector_store %arg6[%swap3A_1871, %swap3A_1872], %swap3A_1875 {strides = array<i32>} : memref<4x128xi32, #tpu.memory_space<vmem>>, vector<1x16xi32>,
      %get3A_1876 = arith.constant 3 : i32
      %get3A_1877 = arith.index_cast %get3A_1876 : i32 to index
      %get3A_1878 = arith.constant 96 : index
      %get3A_1879 = tpu.vector_load %arg5[%get3A_1877, %get3A_1878] {strides = array<i32>} : memref<4x200xi32, #tpu.memory_space<vmem>>, vector<1x16xi32>,
      %get3A_1880 = vector.shape_cast %get3A_1879 : vector<1x16xi32> to vector<16xi32>
      %get3A_1881 = arith.constant 3 : i32
      %get3A_1882 = arith.index_cast %get3A_1881 : i32 to index
      %get3A_1883 = arith.constant 112 : index
      %get3A_1884 = tpu.vector_load %arg5[%get3A_1882, %get3A_1883] {strides = array<i32>} : memref<4x200xi32, #tpu.memory_space<vmem>>, vector<1x16xi32>,
      %get3A_1885 = vector.shape_cast %get3A_1884 : vector<1x16xi32> to vector<16xi32>
      %broadcast_in_dim3A_1886 = vector.shape_cast %and3A_9 : vector<16xi32> to vector<16x1xi32>
      %gather3A_1887 = vector.shape_cast %broadcast_in_dim3A_1886 : vector<16x1xi32> to vector<16xi32>
      %gather3A_1888 = tpu.dynamic_gather %get3A_1880[%gather3A_1887] in [0] : vector<16xi32>, vector<16xi32> -> vector<16xi32>
      %broadcast_in_dim3A_1889 = vector.shape_cast %and3A_9 : vector<16xi32> to vector<16x1xi32>
      %gather3A_1890 = vector.shape_cast %broadcast_in_dim3A_1889 : vector<16x1xi32> to vector<16xi32>
      %gather3A_1891 = tpu.dynamic_gather %get3A_1885[%gather3A_1890] in [0] : vector<16xi32>, vector<16xi32> -> vector<16xi32>
      %select_n3A_1892 = arith.select %lt3A_4, %gather3A_1888, %gather3A_1891 : vector<16xi1>, vector<16xi32>
      %broadcast_in_dim3A_1893 = vector.shape_cast %and3A_18 : vector<16xi32> to vector<16x1xi32>
      %gather3A_1894 = vector.shape_cast %broadcast_in_dim3A_1893 : vector<16x1xi32> to vector<16xi32>
      %gather3A_1895 = tpu.dynamic_gather %get3A_1880[%gather3A_1894] in [0] : vector<16xi32>, vector<16xi32> -> vector<16xi32>
      %broadcast_in_dim3A_1896 = vector.shape_cast %and3A_18 : vector<16xi32> to vector<16x1xi32>
      %gather3A_1897 = vector.shape_cast %broadcast_in_dim3A_1896 : vector<16x1xi32> to vector<16xi32>
      %gather3A_1898 = tpu.dynamic_gather %get3A_1885[%gather3A_1897] in [0] : vector<16xi32>, vector<16xi32> -> vector<16xi32>
      %select_n3A_1899 = arith.select %lt3A_4, %gather3A_1895, %gather3A_1898 : vector<16xi1>, vector<16xi32>
      %mul3A_1900 = arith.constant 10 : i32
      %mul3A_1901 = vector.broadcast %mul3A_1900 : i32 to vector<16xi32>
      %mul3A_1902 = arith.muli %select_n3A_1892, %mul3A_1901 : vector<16xi32>
      %add3A_1903 = arith.addi %mul3A_1902, %select_n3A_1899 : vector<16xi32>
      %swap3A_1904 = arith.constant 3 : i32
      %swap3A_1905 = arith.index_cast %swap3A_1904 : i32 to index
      %swap3A_1906 = arith.constant 48 : index
      %swap3A_1907 = tpu.vector_load %arg6[%swap3A_1905, %swap3A_1906] {strides = array<i32>} : memref<4x128xi32, #tpu.memory_space<vmem>>, vector<1x16xi32>,
      %swap3A_1908 = vector.shape_cast %swap3A_1907 : vector<1x16xi32> to vector<16xi32>
      %swap3A_1909 = vector.shape_cast %add3A_1903 : vector<16xi32> to vector<1x16xi32>
      tpu.vector_store %arg6[%swap3A_1905, %swap3A_1906], %swap3A_1909 {strides = array<i32>} : memref<4x128xi32, #tpu.memory_space<vmem>>, vector<1x16xi32>,
      %get3A_1910 = arith.constant 3 : i32
      %get3A_1911 = arith.index_cast %get3A_1910 : i32 to index
      %get3A_1912 = arith.constant 128 : index
      %get3A_1913 = tpu.vector_load %arg5[%get3A_1911, %get3A_1912] {strides = array<i32>} : memref<4x200xi32, #tpu.memory_space<vmem>>, vector<1x16xi32>,
      %get3A_1914 = vector.shape_cast %get3A_1913 : vector<1x16xi32> to vector<16xi32>
      %get3A_1915 = arith.constant 3 : i32
      %get3A_1916 = arith.index_cast %get3A_1915 : i32 to index
      %get3A_1917 = arith.constant 144 : index
      %get3A_1918 = tpu.vector_load %arg5[%get3A_1916, %get3A_1917] {strides = array<i32>} : memref<4x200xi32, #tpu.memory_space<vmem>>, vector<1x16xi32>,
      %get3A_1919 = vector.shape_cast %get3A_1918 : vector<1x16xi32> to vector<16xi32>
      %broadcast_in_dim3A_1920 = vector.shape_cast %and3A_9 : vector<16xi32> to vector<16x1xi32>
      %gather3A_1921 = vector.shape_cast %broadcast_in_dim3A_1920 : vector<16x1xi32> to vector<16xi32>
      %gather3A_1922 = tpu.dynamic_gather %get3A_1914[%gather3A_1921] in [0] : vector<16xi32>, vector<16xi32> -> vector<16xi32>
      %broadcast_in_dim3A_1923 = vector.shape_cast %and3A_9 : vector<16xi32> to vector<16x1xi32>
      %gather3A_1924 = vector.shape_cast %broadcast_in_dim3A_1923 : vector<16x1xi32> to vector<16xi32>
      %gather3A_1925 = tpu.dynamic_gather %get3A_1919[%gather3A_1924] in [0] : vector<16xi32>, vector<16xi32> -> vector<16xi32>
      %select_n3A_1926 = arith.select %lt3A_4, %gather3A_1922, %gather3A_1925 : vector<16xi1>, vector<16xi32>
      %broadcast_in_dim3A_1927 = vector.shape_cast %and3A_18 : vector<16xi32> to vector<16x1xi32>
      %gather3A_1928 = vector.shape_cast %broadcast_in_dim3A_1927 : vector<16x1xi32> to vector<16xi32>
      %gather3A_1929 = tpu.dynamic_gather %get3A_1914[%gather3A_1928] in [0] : vector<16xi32>, vector<16xi32> -> vector<16xi32>
      %broadcast_in_dim3A_1930 = vector.shape_cast %and3A_18 : vector<16xi32> to vector<16x1xi32>
      %gather3A_1931 = vector.shape_cast %broadcast_in_dim3A_1930 : vector<16x1xi32> to vector<16xi32>
      %gather3A_1932 = tpu.dynamic_gather %get3A_1919[%gather3A_1931] in [0] : vector<16xi32>, vector<16xi32> -> vector<16xi32>
      %select_n3A_1933 = arith.select %lt3A_4, %gather3A_1929, %gather3A_1932 : vector<16xi1>, vector<16xi32>
      %mul3A_1934 = arith.constant 10 : i32
      %mul3A_1935 = vector.broadcast %mul3A_1934 : i32 to vector<16xi32>
      %mul3A_1936 = arith.muli %select_n3A_1926, %mul3A_1935 : vector<16xi32>
      %add3A_1937 = arith.addi %mul3A_1936, %select_n3A_1933 : vector<16xi32>
      %swap3A_1938 = arith.constant 3 : i32
      %swap3A_1939 = arith.index_cast %swap3A_1938 : i32 to index
      %swap3A_1940 = arith.constant 64 : index
      %swap3A_1941 = tpu.vector_load %arg6[%swap3A_1939, %swap3A_1940] {strides = array<i32>} : memref<4x128xi32, #tpu.memory_space<vmem>>, vector<1x16xi32>,
      %swap3A_1942 = vector.shape_cast %swap3A_1941 : vector<1x16xi32> to vector<16xi32>
      %swap3A_1943 = vector.shape_cast %add3A_1937 : vector<16xi32> to vector<1x16xi32>
      tpu.vector_store %arg6[%swap3A_1939, %swap3A_1940], %swap3A_1943 {strides = array<i32>} : memref<4x128xi32, #tpu.memory_space<vmem>>, vector<1x16xi32>,
      %get3A_1944 = arith.constant 3 : i32
      %get3A_1945 = arith.index_cast %get3A_1944 : i32 to index
      %get3A_1946 = arith.constant 160 : index
      %get3A_1947 = tpu.vector_load %arg5[%get3A_1945, %get3A_1946] {strides = array<i32>} : memref<4x200xi32, #tpu.memory_space<vmem>>, vector<1x16xi32>,
      %get3A_1948 = vector.shape_cast %get3A_1947 : vector<1x16xi32> to vector<16xi32>
      %get3A_1949 = arith.constant 3 : i32
      %get3A_1950 = arith.index_cast %get3A_1949 : i32 to index
      %get3A_1951 = arith.constant 176 : index
      %get3A_1952 = tpu.vector_load %arg5[%get3A_1950, %get3A_1951] {strides = array<i32>} : memref<4x200xi32, #tpu.memory_space<vmem>>, vector<1x16xi32>,
      %get3A_1953 = vector.shape_cast %get3A_1952 : vector<1x16xi32> to vector<16xi32>
      %broadcast_in_dim3A_1954 = vector.shape_cast %and3A_9 : vector<16xi32> to vector<16x1xi32>
      %gather3A_1955 = vector.shape_cast %broadcast_in_dim3A_1954 : vector<16x1xi32> to vector<16xi32>
      %gather3A_1956 = tpu.dynamic_gather %get3A_1948[%gather3A_1955] in [0] : vector<16xi32>, vector<16xi32> -> vector<16xi32>
      %broadcast_in_dim3A_1957 = vector.shape_cast %and3A_9 : vector<16xi32> to vector<16x1xi32>
      %gather3A_1958 = vector.shape_cast %broadcast_in_dim3A_1957 : vector<16x1xi32> to vector<16xi32>
      %gather3A_1959 = tpu.dynamic_gather %get3A_1953[%gather3A_1958] in [0] : vector<16xi32>, vector<16xi32> -> vector<16xi32>
      %select_n3A_1960 = arith.select %lt3A_4, %gather3A_1956, %gather3A_1959 : vector<16xi1>, vector<16xi32>
      %broadcast_in_dim3A_1961 = vector.shape_cast %and3A_18 : vector<16xi32> to vector<16x1xi32>
      %gather3A_1962 = vector.shape_cast %broadcast_in_dim3A_1961 : vector<16x1xi32> to vector<16xi32>
      %gather3A_1963 = tpu.dynamic_gather %get3A_1948[%gather3A_1962] in [0] : vector<16xi32>, vector<16xi32> -> vector<16xi32>
      %broadcast_in_dim3A_1964 = vector.shape_cast %and3A_18 : vector<16xi32> to vector<16x1xi32>
      %gather3A_1965 = vector.shape_cast %broadcast_in_dim3A_1964 : vector<16x1xi32> to vector<16xi32>
      %gather3A_1966 = tpu.dynamic_gather %get3A_1953[%gather3A_1965] in [0] : vector<16xi32>, vector<16xi32> -> vector<16xi32>
      %select_n3A_1967 = arith.select %lt3A_4, %gather3A_1963, %gather3A_1966 : vector<16xi1>, vector<16xi32>
      %mul3A_1968 = arith.constant 10 : i32
      %mul3A_1969 = vector.broadcast %mul3A_1968 : i32 to vector<16xi32>
      %mul3A_1970 = arith.muli %select_n3A_1960, %mul3A_1969 : vector<16xi32>
      %add3A_1971 = arith.addi %mul3A_1970, %select_n3A_1967 : vector<16xi32>
      %swap3A_1972 = arith.constant 3 : i32
      %swap3A_1973 = arith.index_cast %swap3A_1972 : i32 to index
      %swap3A_1974 = arith.constant 80 : index
      %swap3A_1975 = tpu.vector_load %arg6[%swap3A_1973, %swap3A_1974] {strides = array<i32>} : memref<4x128xi32, #tpu.memory_space<vmem>>, vector<1x16xi32>,
      %swap3A_1976 = vector.shape_cast %swap3A_1975 : vector<1x16xi32> to vector<16xi32>
      %swap3A_1977 = vector.shape_cast %add3A_1971 : vector<16xi32> to vector<1x16xi32>
      tpu.vector_store %arg6[%swap3A_1973, %swap3A_1974], %swap3A_1977 {strides = array<i32>} : memref<4x128xi32, #tpu.memory_space<vmem>>, vector<1x16xi32>,
      %get3A_1978 = arith.constant 3 : i32
      %get3A_1979 = arith.index_cast %get3A_1978 : i32 to index
      %get3A_1980 = arith.constant 184 : index
      %get3A_1981 = tpu.vector_load %arg5[%get3A_1979, %get3A_1980] {strides = array<i32>} : memref<4x200xi32, #tpu.memory_space<vmem>>, vector<1x16xi32>,
      %get3A_1982 = vector.shape_cast %get3A_1981 : vector<1x16xi32> to vector<16xi32>
      %broadcast_in_dim3A_1983 = vector.shape_cast %and3A_27 : vector<16xi32> to vector<16x1xi32>
      %gather3A_1984 = vector.shape_cast %broadcast_in_dim3A_1983 : vector<16x1xi32> to vector<16xi32>
      %gather3A_1985 = tpu.dynamic_gather %get3A_1982[%gather3A_1984] in [0] : vector<16xi32>, vector<16xi32> -> vector<16xi32>
      %mul3A_1986 = arith.constant 10 : i32
      %mul3A_1987 = vector.broadcast %mul3A_1986 : i32 to vector<16xi32>
      %mul3A_1988 = arith.muli %gather3A_1985, %mul3A_1987 : vector<16xi32>
      %broadcast_in_dim3A_1989 = vector.shape_cast %and3A_36 : vector<16xi32> to vector<16x1xi32>
      %gather3A_1990 = vector.shape_cast %broadcast_in_dim3A_1989 : vector<16x1xi32> to vector<16xi32>
      %gather3A_1991 = tpu.dynamic_gather %get3A_1982[%gather3A_1990] in [0] : vector<16xi32>, vector<16xi32> -> vector<16xi32>
      %add3A_1992 = arith.addi %mul3A_1988, %gather3A_1991 : vector<16xi32>
      %swap3A_1993 = arith.constant 3 : i32
      %swap3A_1994 = arith.index_cast %swap3A_1993 : i32 to index
      %swap3A_1995 = arith.constant 96 : index
      %swap3A_1996 = tpu.vector_load %arg6[%swap3A_1994, %swap3A_1995] {strides = array<i32>} : memref<4x128xi32, #tpu.memory_space<vmem>>, vector<1x16xi32>,
      %swap3A_1997 = vector.shape_cast %swap3A_1996 : vector<1x16xi32> to vector<16xi32>
      %swap3A_1998 = vector.shape_cast %add3A_1992 : vector<16xi32> to vector<1x16xi32>
      tpu.vector_store %arg6[%swap3A_1994, %swap3A_1995], %swap3A_1998 {strides = array<i32>} : memref<4x128xi32, #tpu.memory_space<vmem>>, vector<1x16xi32>,
      %ge3A_1999 = arith.constant 1 : i32
      %ge3A_2000 = arith.cmpi sge, %scan3A_71, %ge3A_1999 : i32
      %convert_element_type3A_2001 = arith.extui %ge3A_2000 : i1 to i32
      %cond3A_2002 = arith.constant 0 : i32
      %cond3A_2003 = arith.cmpi ne, %convert_element_type3A_2001, %cond3A_2002 : i32
      scf.if %cond3A_2003 {
        %dma_wait3A_2115 = arith.constant 1 : i32
        %dma_wait3A_2116 = arith.constant 0 : i32
        %dma_wait3A_2117 = arith.constant 0 : i32
        %dma_wait3A_2118 = tpu.memref_slice %arg7[%dma_wait3A_2115, %dma_wait3A_2116, %dma_wait3A_2117] : memref<2x400x128xf32, #tpu.memory_space<vmem>> -> memref<1x400x128xf32, #tpu.memory_space<vmem>>
        %dma_wait3A_2119 = tpu.memref_squeeze %dma_wait3A_2118 : memref<1x400x128xf32, #tpu.memory_space<vmem>> -> memref<400x128xf32, #tpu.memory_space<vmem>>
        %dma_wait3A_2120 = arith.constant 0 : i32
        %dma_wait3A_2121 = arith.constant 0 : i32
        %dma_wait3A_2122 = tpu.memref_slice %arg4[%dma_wait3A_2120, %dma_wait3A_2121] : memref<1638400x128xf32, #tpu.memory_space<hbm>> -> memref<400x128xf32, #tpu.memory_space<hbm>>
        %dma_wait3A_2123 = arith.constant 0 : i32
        %dma_wait3A_2124 = arith.constant 0 : i32
        %dma_wait3A_2125 = tpu.memref_slice %arg4[%dma_wait3A_2123, %dma_wait3A_2124] : memref<1638400x128xf32, #tpu.memory_space<hbm>> -> memref<400x128xf32, #tpu.memory_space<hbm>>
        %dma_wait3A_2126 = arith.constant 0 : i32
        %dma_wait3A_2127 = arith.constant 0 : i32
        %dma_wait3A_2128 = tpu.memref_slice %arg7[%dma_wait3A_2115, %dma_wait3A_2126, %dma_wait3A_2127] : memref<2x400x128xf32, #tpu.memory_space<vmem>> -> memref<1x400x128xf32, #tpu.memory_space<vmem>>
        %dma_wait3A_2129 = tpu.memref_squeeze %dma_wait3A_2128 : memref<1x400x128xf32, #tpu.memory_space<vmem>> -> memref<400x128xf32, #tpu.memory_space<vmem>>
        tpu.wait_dma2 semaphore(%arg11 : memref<!tpu.dma_semaphore, #tpu.memory_space<semaphore_mem>>) src(%dma_wait3A_2129 : memref<400x128xf32, #tpu.memory_space<vmem>>) dst(%dma_wait3A_2125 : memref<400x128xf32, #tpu.memory_space<hbm>>)
      } else {
      }
      %dma_start3A_2004 = arith.constant 0 : i32
      %dma_start3A_2005 = arith.constant 1 : i32
      %dma_start3A_2006 = arith.constant 0 : i32
      %dma_start3A_2007 = arith.constant 0 : i32
      %dma_start3A_2008 = tpu.memref_slice %arg7[%dma_start3A_2005, %dma_start3A_2006, %dma_start3A_2007] : memref<2x400x128xf32, #tpu.memory_space<vmem>> -> memref<1x100x128xf32, #tpu.memory_space<vmem>>
      %dma_start3A_2009 = tpu.memref_squeeze %dma_start3A_2008 : memref<1x100x128xf32, #tpu.memory_space<vmem>> -> memref<100x128xf32, #tpu.memory_space<vmem>>
      %dma_start3A_2010 = arith.constant 0 : i32
      %dma_start3A_2011 = tpu.memref_slice %arg6[%dma_start3A_2004, %dma_start3A_2010] : memref<4x128xi32, #tpu.memory_space<vmem>> -> memref<1x100xi32, #tpu.memory_space<vmem>>
      %dma_start3A_2012 = tpu.memref_squeeze %dma_start3A_2011 : memref<1x100xi32, #tpu.memory_space<vmem>> -> memref<100xi32, #tpu.memory_space<vmem>>
      %dma_start3A_2013 = arith.constant 0 : i32
      %dma_start3A_2014 = arith.constant 0 : i32
      %dma_start3A_2015 = tpu.memref_slice %arg8[%dma_start3A_2013, %dma_start3A_2014] : memref<100x128xf32, #tpu.memory_space<vmem_shared>> -> memref<100x128xf32, #tpu.memory_space<vmem_shared>>
      tpu.enqueue_indirect_dma source(%dma_start3A_2015 : memref<100x128xf32, #tpu.memory_space<vmem_shared>>) target(%dma_start3A_2009 : memref<100x128xf32, #tpu.memory_space<vmem>>) offsets(%dma_start3A_2012 : memref<100xi32, #tpu.memory_space<vmem>>) semaphore(%arg9 : memref<!tpu.dma_semaphore, #tpu.memory_space<semaphore_mem>>)
      %dma_start3A_2016 = arith.constant 1 : i32
      %dma_start3A_2017 = arith.constant 1 : i32
      %dma_start3A_2018 = arith.constant 100 : i32
      %dma_start3A_2019 = arith.constant 0 : i32
      %dma_start3A_2020 = tpu.memref_slice %arg7[%dma_start3A_2017, %dma_start3A_2018, %dma_start3A_2019] : memref<2x400x128xf32, #tpu.memory_space<vmem>> -> memref<1x100x128xf32, #tpu.memory_space<vmem>>
      %dma_start3A_2021 = tpu.memref_squeeze %dma_start3A_2020 : memref<1x100x128xf32, #tpu.memory_space<vmem>> -> memref<100x128xf32, #tpu.memory_space<vmem>>
      %dma_start3A_2022 = arith.constant 0 : i32
      %dma_start3A_2023 = tpu.memref_slice %arg6[%dma_start3A_2016, %dma_start3A_2022] : memref<4x128xi32, #tpu.memory_space<vmem>> -> memref<1x100xi32, #tpu.memory_space<vmem>>
      %dma_start3A_2024 = tpu.memref_squeeze %dma_start3A_2023 : memref<1x100xi32, #tpu.memory_space<vmem>> -> memref<100xi32, #tpu.memory_space<vmem>>
      %dma_start3A_2025 = arith.constant 0 : i32
      %dma_start3A_2026 = arith.constant 0 : i32
      %dma_start3A_2027 = tpu.memref_slice %arg8[%dma_start3A_2025, %dma_start3A_2026] : memref<100x128xf32, #tpu.memory_space<vmem_shared>> -> memref<100x128xf32, #tpu.memory_space<vmem_shared>>
      tpu.enqueue_indirect_dma source(%dma_start3A_2027 : memref<100x128xf32, #tpu.memory_space<vmem_shared>>) target(%dma_start3A_2021 : memref<100x128xf32, #tpu.memory_space<vmem>>) offsets(%dma_start3A_2024 : memref<100xi32, #tpu.memory_space<vmem>>) semaphore(%arg9 : memref<!tpu.dma_semaphore, #tpu.memory_space<semaphore_mem>>)
      %dma_start3A_2028 = arith.constant 2 : i32
      %dma_start3A_2029 = arith.constant 1 : i32
      %dma_start3A_2030 = arith.constant 200 : i32
      %dma_start3A_2031 = arith.constant 0 : i32
      %dma_start3A_2032 = tpu.memref_slice %arg7[%dma_start3A_2029, %dma_start3A_2030, %dma_start3A_2031] : memref<2x400x128xf32, #tpu.memory_space<vmem>> -> memref<1x100x128xf32, #tpu.memory_space<vmem>>
      %dma_start3A_2033 = tpu.memref_squeeze %dma_start3A_2032 : memref<1x100x128xf32, #tpu.memory_space<vmem>> -> memref<100x128xf32, #tpu.memory_space<vmem>>
      %dma_start3A_2034 = arith.constant 0 : i32
      %dma_start3A_2035 = tpu.memref_slice %arg6[%dma_start3A_2028, %dma_start3A_2034] : memref<4x128xi32, #tpu.memory_space<vmem>> -> memref<1x100xi32, #tpu.memory_space<vmem>>
      %dma_start3A_2036 = tpu.memref_squeeze %dma_start3A_2035 : memref<1x100xi32, #tpu.memory_space<vmem>> -> memref<100xi32, #tpu.memory_space<vmem>>
      %dma_start3A_2037 = arith.constant 0 : i32
      %dma_start3A_2038 = arith.constant 0 : i32
      %dma_start3A_2039 = tpu.memref_slice %arg8[%dma_start3A_2037, %dma_start3A_2038] : memref<100x128xf32, #tpu.memory_space<vmem_shared>> -> memref<100x128xf32, #tpu.memory_space<vmem_shared>>
      tpu.enqueue_indirect_dma source(%dma_start3A_2039 : memref<100x128xf32, #tpu.memory_space<vmem_shared>>) target(%dma_start3A_2033 : memref<100x128xf32, #tpu.memory_space<vmem>>) offsets(%dma_start3A_2036 : memref<100xi32, #tpu.memory_space<vmem>>) semaphore(%arg9 : memref<!tpu.dma_semaphore, #tpu.memory_space<semaphore_mem>>)
      %dma_start3A_2040 = arith.constant 3 : i32
      %dma_start3A_2041 = arith.constant 1 : i32
      %dma_start3A_2042 = arith.constant 300 : i32
      %dma_start3A_2043 = arith.constant 0 : i32
      %dma_start3A_2044 = tpu.memref_slice %arg7[%dma_start3A_2041, %dma_start3A_2042, %dma_start3A_2043] : memref<2x400x128xf32, #tpu.memory_space<vmem>> -> memref<1x100x128xf32, #tpu.memory_space<vmem>>
      %dma_start3A_2045 = tpu.memref_squeeze %dma_start3A_2044 : memref<1x100x128xf32, #tpu.memory_space<vmem>> -> memref<100x128xf32, #tpu.memory_space<vmem>>
      %dma_start3A_2046 = arith.constant 0 : i32
      %dma_start3A_2047 = tpu.memref_slice %arg6[%dma_start3A_2040, %dma_start3A_2046] : memref<4x128xi32, #tpu.memory_space<vmem>> -> memref<1x100xi32, #tpu.memory_space<vmem>>
      %dma_start3A_2048 = tpu.memref_squeeze %dma_start3A_2047 : memref<1x100xi32, #tpu.memory_space<vmem>> -> memref<100xi32, #tpu.memory_space<vmem>>
      %dma_start3A_2049 = arith.constant 0 : i32
      %dma_start3A_2050 = arith.constant 0 : i32
      %dma_start3A_2051 = tpu.memref_slice %arg8[%dma_start3A_2049, %dma_start3A_2050] : memref<100x128xf32, #tpu.memory_space<vmem_shared>> -> memref<100x128xf32, #tpu.memory_space<vmem_shared>>
      tpu.enqueue_indirect_dma source(%dma_start3A_2051 : memref<100x128xf32, #tpu.memory_space<vmem_shared>>) target(%dma_start3A_2045 : memref<100x128xf32, #tpu.memory_space<vmem>>) offsets(%dma_start3A_2048 : memref<100xi32, #tpu.memory_space<vmem>>) semaphore(%arg9 : memref<!tpu.dma_semaphore, #tpu.memory_space<semaphore_mem>>)
      %dma_wait3A_2052 = arith.constant 0 : i32
      %dma_wait3A_2053 = arith.constant 1 : i32
      %dma_wait3A_2054 = arith.constant 0 : i32
      %dma_wait3A_2055 = arith.constant 0 : i32
      %dma_wait3A_2056 = tpu.memref_slice %arg7[%dma_wait3A_2053, %dma_wait3A_2054, %dma_wait3A_2055] : memref<2x400x128xf32, #tpu.memory_space<vmem>> -> memref<1x100x128xf32, #tpu.memory_space<vmem>>
      %dma_wait3A_2057 = tpu.memref_squeeze %dma_wait3A_2056 : memref<1x100x128xf32, #tpu.memory_space<vmem>> -> memref<100x128xf32, #tpu.memory_space<vmem>>
      %dma_wait3A_2058 = arith.constant 0 : i32
      %dma_wait3A_2059 = tpu.memref_slice %arg6[%dma_wait3A_2052, %dma_wait3A_2058] : memref<4x128xi32, #tpu.memory_space<vmem>> -> memref<1x100xi32, #tpu.memory_space<vmem>>
      %dma_wait3A_2060 = tpu.memref_squeeze %dma_wait3A_2059 : memref<1x100xi32, #tpu.memory_space<vmem>> -> memref<100xi32, #tpu.memory_space<vmem>>
      %dma_wait3A_2061 = arith.constant 0 : i32
      %dma_wait3A_2062 = arith.constant 0 : i32
      %dma_wait3A_2063 = tpu.memref_slice %arg8[%dma_wait3A_2061, %dma_wait3A_2062] : memref<100x128xf32, #tpu.memory_space<vmem_shared>> -> memref<100x128xf32, #tpu.memory_space<vmem_shared>>
      tpu.wait_indirect_dma semaphore(%arg9 : memref<!tpu.dma_semaphore, #tpu.memory_space<semaphore_mem>>) src(%dma_wait3A_2063 : memref<100x128xf32, #tpu.memory_space<vmem_shared>>) dst(%dma_wait3A_2057 : memref<100x128xf32, #tpu.memory_space<vmem>>)
      %dma_wait3A_2064 = arith.constant 1 : i32
      %dma_wait3A_2065 = arith.constant 1 : i32
      %dma_wait3A_2066 = arith.constant 100 : i32
      %dma_wait3A_2067 = arith.constant 0 : i32
      %dma_wait3A_2068 = tpu.memref_slice %arg7[%dma_wait3A_2065, %dma_wait3A_2066, %dma_wait3A_2067] : memref<2x400x128xf32, #tpu.memory_space<vmem>> -> memref<1x100x128xf32, #tpu.memory_space<vmem>>
      %dma_wait3A_2069 = tpu.memref_squeeze %dma_wait3A_2068 : memref<1x100x128xf32, #tpu.memory_space<vmem>> -> memref<100x128xf32, #tpu.memory_space<vmem>>
      %dma_wait3A_2070 = arith.constant 0 : i32
      %dma_wait3A_2071 = tpu.memref_slice %arg6[%dma_wait3A_2064, %dma_wait3A_2070] : memref<4x128xi32, #tpu.memory_space<vmem>> -> memref<1x100xi32, #tpu.memory_space<vmem>>
      %dma_wait3A_2072 = tpu.memref_squeeze %dma_wait3A_2071 : memref<1x100xi32, #tpu.memory_space<vmem>> -> memref<100xi32, #tpu.memory_space<vmem>>
      %dma_wait3A_2073 = arith.constant 0 : i32
      %dma_wait3A_2074 = arith.constant 0 : i32
      %dma_wait3A_2075 = tpu.memref_slice %arg8[%dma_wait3A_2073, %dma_wait3A_2074] : memref<100x128xf32, #tpu.memory_space<vmem_shared>> -> memref<100x128xf32, #tpu.memory_space<vmem_shared>>
      tpu.wait_indirect_dma semaphore(%arg9 : memref<!tpu.dma_semaphore, #tpu.memory_space<semaphore_mem>>) src(%dma_wait3A_2075 : memref<100x128xf32, #tpu.memory_space<vmem_shared>>) dst(%dma_wait3A_2069 : memref<100x128xf32, #tpu.memory_space<vmem>>)
      %dma_wait3A_2076 = arith.constant 2 : i32
      %dma_wait3A_2077 = arith.constant 1 : i32
      %dma_wait3A_2078 = arith.constant 200 : i32
      %dma_wait3A_2079 = arith.constant 0 : i32
      %dma_wait3A_2080 = tpu.memref_slice %arg7[%dma_wait3A_2077, %dma_wait3A_2078, %dma_wait3A_2079] : memref<2x400x128xf32, #tpu.memory_space<vmem>> -> memref<1x100x128xf32, #tpu.memory_space<vmem>>
      %dma_wait3A_2081 = tpu.memref_squeeze %dma_wait3A_2080 : memref<1x100x128xf32, #tpu.memory_space<vmem>> -> memref<100x128xf32, #tpu.memory_space<vmem>>
      %dma_wait3A_2082 = arith.constant 0 : i32
      %dma_wait3A_2083 = tpu.memref_slice %arg6[%dma_wait3A_2076, %dma_wait3A_2082] : memref<4x128xi32, #tpu.memory_space<vmem>> -> memref<1x100xi32, #tpu.memory_space<vmem>>
      %dma_wait3A_2084 = tpu.memref_squeeze %dma_wait3A_2083 : memref<1x100xi32, #tpu.memory_space<vmem>> -> memref<100xi32, #tpu.memory_space<vmem>>
      %dma_wait3A_2085 = arith.constant 0 : i32
      %dma_wait3A_2086 = arith.constant 0 : i32
      %dma_wait3A_2087 = tpu.memref_slice %arg8[%dma_wait3A_2085, %dma_wait3A_2086] : memref<100x128xf32, #tpu.memory_space<vmem_shared>> -> memref<100x128xf32, #tpu.memory_space<vmem_shared>>
      tpu.wait_indirect_dma semaphore(%arg9 : memref<!tpu.dma_semaphore, #tpu.memory_space<semaphore_mem>>) src(%dma_wait3A_2087 : memref<100x128xf32, #tpu.memory_space<vmem_shared>>) dst(%dma_wait3A_2081 : memref<100x128xf32, #tpu.memory_space<vmem>>)
      %dma_wait3A_2088 = arith.constant 3 : i32
      %dma_wait3A_2089 = arith.constant 1 : i32
      %dma_wait3A_2090 = arith.constant 300 : i32
      %dma_wait3A_2091 = arith.constant 0 : i32
      %dma_wait3A_2092 = tpu.memref_slice %arg7[%dma_wait3A_2089, %dma_wait3A_2090, %dma_wait3A_2091] : memref<2x400x128xf32, #tpu.memory_space<vmem>> -> memref<1x100x128xf32, #tpu.memory_space<vmem>>
      %dma_wait3A_2093 = tpu.memref_squeeze %dma_wait3A_2092 : memref<1x100x128xf32, #tpu.memory_space<vmem>> -> memref<100x128xf32, #tpu.memory_space<vmem>>
      %dma_wait3A_2094 = arith.constant 0 : i32
      %dma_wait3A_2095 = tpu.memref_slice %arg6[%dma_wait3A_2088, %dma_wait3A_2094] : memref<4x128xi32, #tpu.memory_space<vmem>> -> memref<1x100xi32, #tpu.memory_space<vmem>>
      %dma_wait3A_2096 = tpu.memref_squeeze %dma_wait3A_2095 : memref<1x100xi32, #tpu.memory_space<vmem>> -> memref<100xi32, #tpu.memory_space<vmem>>
      %dma_wait3A_2097 = arith.constant 0 : i32
      %dma_wait3A_2098 = arith.constant 0 : i32
      %dma_wait3A_2099 = tpu.memref_slice %arg8[%dma_wait3A_2097, %dma_wait3A_2098] : memref<100x128xf32, #tpu.memory_space<vmem_shared>> -> memref<100x128xf32, #tpu.memory_space<vmem_shared>>
      tpu.wait_indirect_dma semaphore(%arg9 : memref<!tpu.dma_semaphore, #tpu.memory_space<semaphore_mem>>) src(%dma_wait3A_2099 : memref<100x128xf32, #tpu.memory_space<vmem_shared>>) dst(%dma_wait3A_2093 : memref<100x128xf32, #tpu.memory_space<vmem>>)
      %mul3A_2100 = arith.constant 100 : i32
      %mul3A_2101 = arith.muli %add3A_1098, %mul3A_2100 : i32
      %dma_start3A_2102 = arith.constant 1 : i32
      %dma_start3A_2103 = arith.constant 0 : i32
      %dma_start3A_2104 = arith.constant 0 : i32
      %dma_start3A_2105 = tpu.memref_slice %arg7[%dma_start3A_2102, %dma_start3A_2103, %dma_start3A_2104] : memref<2x400x128xf32, #tpu.memory_space<vmem>> -> memref<1x400x128xf32, #tpu.memory_space<vmem>>
      %dma_start3A_2106 = tpu.memref_squeeze %dma_start3A_2105 : memref<1x400x128xf32, #tpu.memory_space<vmem>> -> memref<400x128xf32, #tpu.memory_space<vmem>>
      %dma_start3A_2107 = arith.constant 0 : i32
      %dma_start3A_2108 = tpu.memref_slice %arg4[%mul3A_2101, %dma_start3A_2107] : memref<1638400x128xf32, #tpu.memory_space<hbm>> -> memref<400x128xf32, #tpu.memory_space<hbm>>
      %dma_start3A_2109 = arith.constant 0 : i32
      %dma_start3A_2110 = tpu.memref_slice %arg4[%mul3A_2101, %dma_start3A_2109] : memref<1638400x128xf32, #tpu.memory_space<hbm>> -> memref<400x128xf32, #tpu.memory_space<hbm>>
      %dma_start3A_2111 = arith.constant 0 : i32
      %dma_start3A_2112 = arith.constant 0 : i32
      %dma_start3A_2113 = tpu.memref_slice %arg7[%dma_start3A_2102, %dma_start3A_2111, %dma_start3A_2112] : memref<2x400x128xf32, #tpu.memory_space<vmem>> -> memref<1x400x128xf32, #tpu.memory_space<vmem>>
      %dma_start3A_2114 = tpu.memref_squeeze %dma_start3A_2113 : memref<1x400x128xf32, #tpu.memory_space<vmem>> -> memref<400x128xf32, #tpu.memory_space<vmem>>
      tpu.enqueue_dma source(%dma_start3A_2114 : memref<400x128xf32, #tpu.memory_space<vmem>>) target(%dma_start3A_2110 : memref<400x128xf32, #tpu.memory_space<hbm>>) target_semaphore(%arg11 : memref<!tpu.dma_semaphore, #tpu.memory_space<semaphore_mem>>)
    }
    %scan3A_41 = arith.constant 64 : i32
    %dma_wait3A = arith.constant 0 : i32
    %dma_wait3A_42 = arith.constant 0 : i32
    %dma_wait3A_43 = arith.constant 0 : i32
    %dma_wait3A_44 = tpu.memref_slice %arg7[%dma_wait3A, %dma_wait3A_42, %dma_wait3A_43] : memref<2x400x128xf32, #tpu.memory_space<vmem>> -> memref<1x400x128xf32, #tpu.memory_space<vmem>>
    %dma_wait3A_45 = tpu.memref_squeeze %dma_wait3A_44 : memref<1x400x128xf32, #tpu.memory_space<vmem>> -> memref<400x128xf32, #tpu.memory_space<vmem>>
    %dma_wait3A_46 = arith.constant 0 : i32
    %dma_wait3A_47 = arith.constant 0 : i32
    %dma_wait3A_48 = tpu.memref_slice %arg4[%dma_wait3A_46, %dma_wait3A_47] : memref<1638400x128xf32, #tpu.memory_space<hbm>> -> memref<400x128xf32, #tpu.memory_space<hbm>>
    %dma_wait3A_49 = arith.constant 0 : i32
    %dma_wait3A_50 = arith.constant 0 : i32
    %dma_wait3A_51 = tpu.memref_slice %arg4[%dma_wait3A_49, %dma_wait3A_50] : memref<1638400x128xf32, #tpu.memory_space<hbm>> -> memref<400x128xf32, #tpu.memory_space<hbm>>
    %dma_wait3A_52 = arith.constant 0 : i32
    %dma_wait3A_53 = arith.constant 0 : i32
    %dma_wait3A_54 = tpu.memref_slice %arg7[%dma_wait3A, %dma_wait3A_52, %dma_wait3A_53] : memref<2x400x128xf32, #tpu.memory_space<vmem>> -> memref<1x400x128xf32, #tpu.memory_space<vmem>>
    %dma_wait3A_55 = tpu.memref_squeeze %dma_wait3A_54 : memref<1x400x128xf32, #tpu.memory_space<vmem>> -> memref<400x128xf32, #tpu.memory_space<vmem>>
    tpu.wait_dma2 semaphore(%arg10 : memref<!tpu.dma_semaphore, #tpu.memory_space<semaphore_mem>>) src(%dma_wait3A_55 : memref<400x128xf32, #tpu.memory_space<vmem>>) dst(%dma_wait3A_51 : memref<400x128xf32, #tpu.memory_space<hbm>>)
    %dma_wait3A_56 = arith.constant 1 : i32
    %dma_wait3A_57 = arith.constant 0 : i32
    %dma_wait3A_58 = arith.constant 0 : i32
    %dma_wait3A_59 = tpu.memref_slice %arg7[%dma_wait3A_56, %dma_wait3A_57, %dma_wait3A_58] : memref<2x400x128xf32, #tpu.memory_space<vmem>> -> memref<1x400x128xf32, #tpu.memory_space<vmem>>
    %dma_wait3A_60 = tpu.memref_squeeze %dma_wait3A_59 : memref<1x400x128xf32, #tpu.memory_space<vmem>> -> memref<400x128xf32, #tpu.memory_space<vmem>>
    %dma_wait3A_61 = arith.constant 0 : i32
    %dma_wait3A_62 = arith.constant 0 : i32
    %dma_wait3A_63 = tpu.memref_slice %arg4[%dma_wait3A_61, %dma_wait3A_62] : memref<1638400x128xf32, #tpu.memory_space<hbm>> -> memref<400x128xf32, #tpu.memory_space<hbm>>
    %dma_wait3A_64 = arith.constant 0 : i32
    %dma_wait3A_65 = arith.constant 0 : i32
    %dma_wait3A_66 = tpu.memref_slice %arg4[%dma_wait3A_64, %dma_wait3A_65] : memref<1638400x128xf32, #tpu.memory_space<hbm>> -> memref<400x128xf32, #tpu.memory_space<hbm>>
    %dma_wait3A_67 = arith.constant 0 : i32
    %dma_wait3A_68 = arith.constant 0 : i32
    %dma_wait3A_69 = tpu.memref_slice %arg7[%dma_wait3A_56, %dma_wait3A_67, %dma_wait3A_68] : memref<2x400x128xf32, #tpu.memory_space<vmem>> -> memref<1x400x128xf32, #tpu.memory_space<vmem>>
    %dma_wait3A_70 = tpu.memref_squeeze %dma_wait3A_69 : memref<1x400x128xf32, #tpu.memory_space<vmem>> -> memref<400x128xf32, #tpu.memory_space<vmem>>
    tpu.wait_dma2 semaphore(%arg11 : memref<!tpu.dma_semaphore, #tpu.memory_space<semaphore_mem>>) src(%dma_wait3A_70 : memref<400x128xf32, #tpu.memory_space<vmem>>) dst(%dma_wait3A_66 : memref<400x128xf32, #tpu.memory_space<hbm>>)
    return
  }
}

</mosaic_0001>

<sc_bundles>
// kernel: _gather_pairs.3.cloned.1.call-start
scs
__scs_entry_jumppad:
0x0: {  	(pc) =	sbr.rel $0x88, $3  }
0x1: {  	(tag) =	ssettag $0x0;
	lr =	simm.s32 $0x1  }
0x2: {  	[smem:$0x3F9F] =	sst lr;
	_ =	strace $0xD0000000  }
0x3: {  	_ = 	snop  }
0x4: {  	_ = 	snop  }
0x5: {  	_ = 	snop  }
0x6: {  	_ = 	snop  }
0x7: {  	_ = 	snop  }
__scs_overlays_trampoline_lowered:
0x8: {  	[smem:$0x3FAE] =	sst s0  }
0x9: {  	[smem:$0x3FAF] =	sst s1  }
0xa: {  	[smem:$0x3FB0] =	sst s2  }
0xb: {  	[smem:$0x3FB1] =	sst s3  }
0xc: {  	[smem:$0x3FB2] =	sst s4  }
0xd: {  	[smem:$0x3FB3] =	sst s5  }
0xe: {  	[smem:$0x3FB4] =	sst s6  }
0xf: {  	[smem:$0x3FB5] =	sst s7  }
0x10: {  	[smem:$0x3FB6] =	sst s8  }
0x11: {  	[smem:$0x3FB7] =	sst s9;
	s0 =	simm.s32 @!p0 $0x0  }
0x12: {  	s1 =	sld [smem:$0x3F9D];
	s0 =	simm.s32 @p0 $0x1  }
0x13: {  	[smem:$0x3FB8] =	sst s0;
	s0 =	simm.s32 @!p1 $0x0  }
0x14: {  	s2 =	sld [smem:$0x3F9C];
	s0 =	simm.s32 @p1 $0x1  }
0x15: {  	[smem:$0x3FB9] =	sst s0;
	s0 =	simm.s32 @!p2 $0x0  }
0x16: {  	s3 =	sld [smem:$0x3FDB];
	s0 =	simm.s32 @p2 $0x1  }
0x17: {  	s4 =	simm.s32 $0x1BF5;
	[smem:$0x3FBB] =	sst s0  }
0x18: {  	s0 =	sld [smem:$0x3F9E];
	_ =	swait.ge [sflag:s4], $0x0  }
0x19: {  	s7 =	sld [smem:$0x3F9F]  }
0x1a: {  	s8 =	sadd.s32 $0xFFFFE003, lr  }
0x1b: {  	s9 =	sadd.s32 $0xFFFFFEF7, lr;
	s5 =	simm.s32 $0xFFFFFFFF;
	p2 =	slt.u32 s8, $0xFFFFF086  }
0x1c: {  	p1 =	slt.u32 s9, $0xF7A;
	s5 =	simm.s32 @!p2 $0x0  }
0x1d: {  	s5 =	simm.s32 @p1 $0x1;
	p0 =	seq.s32 s7, s2  }
0x1e: {  	s7 =	smul.u32 @!p0 $0xF7A, s2;
	p2 =	seq.s32 @!p0 s5, $0x0  }
0x1f: {  	s9 =	smul.u32 $0xF7A, s1;
	s8 =	simm.s32 @!p0 $0x1BF5;
	p2 =	por !p2, p0  }
0x20: {  	[sflag:s8] =	ssyncset.s32 @!p0 $0xFFFFF086;
	s6 =	sadd.s32 @!p0 s3, s7;
	s7 =	simm.s32 @!p0 $0x108  }
0x21: {  	s3 =	sadd.s32 s3, s9;
	s6 =	sadd.s32 @!p0 $0x88, s6;
	s7 =	simm.s32 @p2 $0x1082  }
0x22: {  	[simem:s7], [sflag:s8] =	dma.local @!p0 [hbm:s6], $0xF7A  }
0x23: {  	s9 =	sor.u32 $0xD0000000, s2;
	s6 =	simm.s32 $0x108;
	_ =	swait.ge @!p0 [sflag:s8], $0x0  }
0x24: {  	s3 =	sadd.s32 $0x88, s3;
	s6 =	simm.s32 @!p1 $0x1082;
	[sflag:s4] =	ssyncset.s32 $0xFFFFF086  }
0x25: {  	[simem:s6], [sflag:s4] =	dma.local [hbm:s3], $0xF7A  }
0x26: {  	[smem:$0x3F9F] =	sst s1;
	(tag) =	ssettag s2;
	_ =	strace s9  }
0x27: {  	s1 =	sld [smem:$0x3FAF]  }
0x28: {  	s2 =	sld [smem:$0x3FB0]  }
0x29: {  	s4 =	sld [smem:$0x3FB2]  }
0x2a: {  	p0 =	seq.s32 s5, $0x0;
	s5 =	sld [smem:$0x3FB3]  }
0x2b: {  	s6 =	sld [smem:$0x3FB4]  }
0x2c: {  	s7 =	sld [smem:$0x3FB5]  }
0x2d: {  	s3 =	simm.s32 $0x108;
	s8 =	sld [smem:$0x3FB6]  }
0x2e: {  	s3 =	simm.s32 @!p0 $0x1082;
	s9 =	sld [smem:$0x3FB7]  }
0x2f: {  	lr =	sadd.s32 s0, s3;
	s0 =	sld [smem:$0x3FAE]  }
0x30: {  	s3 =	sld [smem:$0x3FB1]  }
0x31: {  	[smem:$0x3FBA] =	sst s10  }
0x32: {  	s10 =	sld [smem:$0x3FB8];
	_ =	sdelay $0x3  }
0x33: {  	p0 =	seq.s32 s10, $0x1;
	s10 =	sld [smem:$0x3FBA];
	_ =	sdelay $0x3  }
0x34: {  	[smem:$0x3FBA] =	sst s10  }
0x35: {  	s10 =	sld [smem:$0x3FB9];
	_ =	sdelay $0x3  }
0x36: {  	p1 =	seq.s32 s10, $0x1;
	s10 =	sld [smem:$0x3FBA];
	_ =	sdelay $0x3  }
0x37: {  	[smem:$0x3FBA] =	sst s10  }
0x38: {  	s10 =	sld [smem:$0x3FBB]  }
0x39: {  	_ = 	snop;
	(pc) =	sbr.ind lr, $3  }
0x3a: {  	_ = 	snop  }
0x3b: {  	_ = 	snop  }
0x3c: {  	p2 =	seq.s32 s10, $0x1;
	s10 =	sld [smem:$0x3FBA]  }
0x3d: {  	_ =	shalt  }
0x3e: {  	_ =	shalt  }
0x3f: {  	_ =	shalt  }
0x40: {  	_ =	shalt  }
0x41: {  	_ =	shalt  }
0x42: {  	_ =	shalt  }
0x43: {  	_ =	shalt  }
0x44: {  	_ =	shalt  }
0x45: {  	_ =	shalt  }
0x46: {  	_ =	shalt  }
0x47: {  	_ =	shalt  }
0x48: {  	_ =	shalt  }
0x49: {  	_ =	shalt  }
0x4a: {  	_ =	shalt  }
0x4b: {  	_ =	shalt  }
0x4c: {  	_ =	shalt  }
0x4d: {  	_ =	shalt  }
0x4e: {  	_ =	shalt  }
0x4f: {  	_ =	shalt  }
0x50: {  	_ =	shalt  }
0x51: {  	_ =	shalt  }
0x52: {  	_ =	shalt  }
0x53: {  	_ =	shalt  }
0x54: {  	_ =	shalt  }
0x55: {  	_ =	shalt  }
0x56: {  	_ =	shalt  }
0x57: {  	_ =	shalt  }
0x58: {  	_ =	shalt  }
0x59: {  	_ =	shalt  }
0x5a: {  	_ =	shalt  }
0x5b: {  	_ =	shalt  }
0x5c: {  	_ =	shalt  }
0x5d: {  	_ =	shalt  }
0x5e: {  	_ =	shalt  }
0x5f: {  	_ =	shalt  }
0x60: {  	_ =	shalt  }
0x61: {  	_ =	shalt  }
0x62: {  	_ =	shalt  }
0x63: {  	_ =	shalt  }
0x64: {  	_ =	shalt  }
0x65: {  	_ =	shalt  }
0x66: {  	_ =	shalt  }
0x67: {  	_ =	shalt  }
0x68: {  	_ =	shalt  }
0x69: {  	_ =	shalt  }
0x6a: {  	_ =	shalt  }
0x6b: {  	_ =	shalt  }
0x6c: {  	_ =	shalt  }
0x6d: {  	_ =	shalt  }
0x6e: {  	_ =	shalt  }
0x6f: {  	_ =	shalt  }
0x70: {  	_ =	shalt  }
0x71: {  	_ =	shalt  }
0x72: {  	_ =	shalt  }
0x73: {  	_ =	shalt  }
0x74: {  	_ =	shalt  }
0x75: {  	_ =	shalt  }
0x76: {  	_ =	shalt  }
0x77: {  	_ =	shalt  }
0x78: {  	_ =	shalt  }
0x79: {  	_ =	shalt  }
0x7a: {  	_ =	shalt  }
0x7b: {  	_ =	shalt  }
0x7c: {  	_ =	shalt  }
0x7d: {  	_ =	shalt  }
0x7e: {  	_ =	shalt  }
0x7f: {  	_ =	shalt  }
0x80: {  	_ =	shalt  }
0x81: {  	_ =	shalt  }
0x82: {  	_ =	shalt  }
0x83: {  	_ =	shalt  }
0x84: {  	_ =	shalt  }
0x85: {  	_ =	shalt  }
0x86: {  	_ =	shalt  }
0x87: {  	_ =	shalt  }
.Lfunc_end0:
.L_simem_size_0:
called_computation_lowered:
.L_overlay_start_0:
0x88: {  	s2 =	sld [smem:$0x3FD9]  }
0x89: {  	s3 =	sld [smem:$0x3FFE];
	_ =	sdelay $0x1  }
0x8a: {  	s1 =	srdreg.scid  }
0x8b: {  	s0 =	sand.u32 $0x1, s1  }
0x8c: {  	s17 =	sshll.u32 s0, $0xA;
	s2 =	sadd.s32 s3, s2  }
0x8d: {  	s2 =	sadd.s32 s2, s17  }
0x8e: {  	[smem:$0x3FC6] =	sst s2  }
0x8f: {  	_ = 	snop  }
0x90: {  	s2 =	sld [smem:$0x3FC8]  }
0x91: {  	s18 =	sld [smem:$0x3FD0];
	(tm) =	ssettm $0x1  }
0x92: {  	s4 =	sld [smem:$0x3FFB];
	_ =	sdelay $0x3  }
0x93: {  	_ =	strace s4  }
0x94: {  	s4 =	sld [smem:$0x3FFC];
	_ =	sdelay $0x3  }
0x95: {  	_ =	strace s4  }
0x96: {  	s4 =	sld [smem:$0x3FFD];
	_ =	sdelay $0x3  }
0x97: {  	_ =	strace s4  }
0x98: {  	_ =	strace $0x8FFFFFFF  }
0x99: {  	s19 =	sld [smem:$0x3FDB];
	_ =	sdelay $0x1  }
0x9a: {  	s5 =	simm.s32 $_scs_section_size  }
0x9b: {  	s6 =	simm.s32 $_size__tile_overlayer_lowered;
	s7 =	simm.s32 $_tile_overlayer_lowered  }
0x9c: {  	s22 =	simm.s32 $0x1BFF;
	s21 =	sshll.u32 s7, $0x1;
	s4 =	sadd.s32 s5, s19  }
0x9d: {  	s8 =	simm.s32 $0x0;
	s20 =	sshll.u32 s6, $0x1;
	s6 =	sadd.s32 s21, s4  }
0x9e: {  	[timem:s8], [sflag:s22] =	dma.local [hbm:s6], s20  }
0x9f: {  	_ =	swait.ge [sflag:s22], s20  }
0xa0: {  	s5 =	ssub.s32 $0x0, s20;
	[sflag:s22] =	ssyncset.done $0x0  }
0xa1: {  	[sflag:s22] =	ssyncadd.s32 s5;
	_ =	sdelay $0x1  }
0xa2: {  	s23 =	simm.s32 $0x1B8B  }
0xa3: {  	_ =	swait.ge [sflag:s23], $0x1  }
0xa4: {  	[sflag:s23] =	ssyncset.done $0x0  }
0xa5: {  	s25 =	simm.s32 $0x1B8E;
	s24 =	sld [smem:$0x3FFE];
	[sflag:s23] =	ssyncadd.s32 $0xFFFFFFFF  }
0xa6: {  	s26 =	simm.s32 $execute0_lowered;
	[smem:$0x3FD2] =	sst s25  }
0xa7: {  	s6 =	sshll.u32 s26, $0x1;
	_ =	strace $0x80000046;
	[dreg:$0x1] =	wrdreg $0xFFFFFFFF  }
0xa8: {  	s28 =	simm.s32 $_size_execute0_lowered;
	s4 =	sadd.s32 s4, s6;
	[dreg:$0x0] =	wrdreg $0x0  }
0xa9: {  	s6 =	sshll.u32 s28, $0x1;
	[dreg:$0x2] =	wrdreg s4  }
0xaa: {  	[dreg:$0x3] =	wrdreg s6  }
0xab: {  	[dreg:$0x4] =	wrdreg $0xC0  }
0xac: {  	_ =	task [dreg:s8], $0x5FFFF  }
0xad: {  	[dreg:$0x1] =	wrdreg $0xFFFFFFFF  }
0xae: {  	[dreg:$0x0] =	wrdreg $0x60  }
0xaf: {  	[dreg:$0x2] =	wrdreg s24  }
0xb0: {  	[dreg:$0x3] =	wrdreg s2  }
0xb1: {  	[dreg:$0x4] =	wrdreg s18  }
0xb2: {  	[dreg:$0x5] =	wrdreg $0x196000  }
0xb3: {  	[dreg:$0x6] =	wrdreg $0x9  }
0xb4: {  	_ =	task.clear_ibuf [dreg:s8], $0x7FFFF;
	_ =	strace $0x90000046  }
0xb5: {  	s29 =	simm.s32 $0x9;
	_ =	strace $0x80000048  }
0xb6: {  	_ =	swait.ge [sflag:s29], $0x1  }
0xb7: {  	[sflag:s29] =	ssyncadd.s32 $0xFFFFFFFF  }
0xb8: {  	_ =	strace $0x90000048  }
0xb9: {  	_ =	sfence  }
0xba: {  	s30 =	sld [smem:$0x0];
	_ =	sdelay $0x2  }
0xbb: {  	s31 =	sshll.u32 s1, $0xD;
	s1 =	sshrl.u32 s1, $0x2  }
0xbc: {  	s3 =	sand.u32 $0x4000, s31;
	s1 =	sadd.s32 s1, s30  }
0xbd: {  	s0 =	sor.u32 s3, s0;
	s1 =	sshll.u32 s1, $0x11  }
0xbe: {  	s0 =	sor.u32 s1, s0  }
0xbf: {  	s0 =	sadd.s32 $0x8F2B, s0  }
0xc0: {  	[sflag:s0] =	ssyncadd.remote.s32 $0x1  }
0xc1: {  	_ =	sfence.sel $0xFFFF  }
0xc2: {  	[dreg:$0x0] =	wrdreg $0xFFFFFFFF;
	(pc) =	sbr.abs _section_cstart, $3  }
0xc3: {  	[dreg:$0x1] =	wrdreg $0xFFFFFFFF  }
0xc4: {  	_ =	task.clear_ibuf [dreg:s8], $0x2FFFF;
	_ =	strace $0x9FFFFFFF  }
0xc5: {  	(tm) =	ssettm $0x7FFFFFFF  }
tec
execute0_lowered:
.L_overlay_start_1:
0x0: {  	(tag) =	ssettag $0x1  }
0x1: {  	s4 =	rddreg [dreg:$0x0]  }
0x2: {  	s1 =	rddreg [dreg:$0x1]  }
0x3: {  	s5 =	rddreg [dreg:$0x2]  }
0x4: {  	s2 =	rddreg [dreg:$0x3]  }
0x5: {  	s0 =	rddreg [dreg:$0x4];
	s3 =	simm.s32 $0x0;
	s6 =	srdreg.scid  }
0x6: {  	s7 =	stileid.u32;
	s11 =	simm.s32 $0x64;
	s12 =	simm.s32 $0x600  }
0x7: {  	s13 =	simm.s32 $0x480;
	s14 =	simm.s32 $0x3800;
	s15 =	simm.s32 $0x500  }
0x8: {  	s16 =	simm.s32 $0x6A00;
	s17 =	simm.s32 $0x580;
	s18 =	simm.s32 $0x9C00  }
0x9: {  	s19 =	simm.s32 $0x1;
	s20 =	simm.s32 $0xCE00;
	s21 =	simm.s32 $0x10000  }
0xa: {  	s22 =	simm.s32 $0x13200;
	s23 =	simm.s32 $0x16400;
	s24 =	simm.s32 $0x2  }
0xb: {  	s25 =	simm.s32 $0x3;
	s26 =	simm.s32 $0x0;
	[smem:$0x7FF] =	sst s3  }
0xc: {  	s6 =	sand.u32 $0x1, s6;
	s8 =	sshll.u32 s7, $0xF;
	s10 =	smul.u32 $0x190000, s7  }
0xd: {  	p0 =	sne.s32 s7, $0x0;
	_ =	strace $0x80000047;
	s9 =	ssub.s32 $0x2, s6  }
0xe: {  	v0 =	vlaneseq.u32;
	s8 =	sadd.s32 s8, s4;
	s30 =	sshll.u32 s6, $0xE;
	s6 =	smul.u32 $0xC8000, s6  }
0xf: {  	v0 =	vand.u32 $0x7, v0;
	s7 =	sshrl.u32 @!p0 s2, $0x3;
	s29 =	sshrl.u32 s9, $0x1;
	s8 =	sadd.s32 s30, s8  }
0x10: {  	v0 =	vmul.u32 $0x2, v0;
	s31 =	sadd.s32 s10, s5;
	s10 =	simm.s32 $0x4;
	s4 =	ssub.s32 s9, s29  }
0x11: {  	vm1 =	vcmask $0x2F20;
	vm2 =	vcmask $0xF00;
	s5 =	sadd.s32 $0x400, s8;
	s6 =	sadd.s32 s6, s31;
	s8 =	simm.s32 $0x200  }
0x12: {  	vm0 =	vmmov $0xff;
	vm1 =	vmor vm2, vm1;
	s9 =	simm.s32 $0x400;
	v1 =	vor.u32 $0x1, v0;
	s4 =	smax.u32 s4, $0x1;
	s6 =	sadd.s32 $0x1900, s6  }
.LBB2_1:
0x13: {  	s28 =	simm.s32 @!p0 $0x1C04  }
0x14: {  	[spmem:s7], [sflag:s28] =	dma.local @!p0 [hbm:s1], $0x640  }
0x15: {  	s28 =	simm.s32 @!p0 $0x4  }
0x16: {  	_ =	swait.ge @!p0 [sflag:s28], $0x640  }
0x17: {  	[sflag:s28] =	ssyncset.done @!p0 $0x0  }
0x18: {  	[sflag:s28] =	ssyncadd.s32 @!p0 $0xFFFFF9C0  }
0x19: {  	s29 =	simm.s32 $0x0;
	s28 =	smov.u32 s6;
	[bflag:$0x0] =	sbarrier.arrive $0xFFFF  }
.LBB2_2:
0x1a: {  	s30 =	sadd.s32 s29, s5  }
0x1b: {  	[tilespmem:s3], [sflag:$0x4] =	stream.strided.gather [hbm4b:s30+s8], $0x400, s9, s8, $0x38;
	[tilespmem:$0x19920] =	vst v63  }
0x1c: {  	_ =	swait.ge [sflag:s10], $0x400  }
0x1d: {  	[sflag:s10] =	ssyncset.done $0x0  }
0x1e: {  	[sflag:s10] =	ssyncadd.s32 $0xFFFFFC00  }
0x1f: {  	v2 =	vld [tilespmem:$0x0]  }
0x20: {  	v3 =	vld [tilespmem:$0x10]  }
0x21: {  	v5 =	vld [tilespmem:$0x30]  }
0x22: {  	v6 =	vld [tilespmem:$0x40]  }
0x23: {  	v9 =	vld [tilespmem:$0x50]  }
0x24: {  	v39 =	vld [tilespmem:$0x60]  }
0x25: {  	v11 =	vld [tilespmem:$0x70]  }
0x26: {  	v12 =	vld [tilespmem:$0x200];
	v7 =	vperm.xlane v2, v0;
	v8 =	vperm.xlane v3, v0  }
0x27: {  	v14 =	vld [tilespmem:$0x210];
	v2 =	vperm.xlane v2, v1;
	v3 =	vperm.xlane v3, v1  }
0x28: {  	v41 =	vld [tilespmem:$0x220];
	v10 =	vperm.xlane v5, v0;
	v5 =	vperm.xlane v5, v1  }
0x29: {  	v43 =	vld [tilespmem:$0x230];
	v40 =	vperm.xlane v6, v0;
	v13 =	vperm.xlane v9, v0  }
0x2a: {  	v47 =	vld [tilespmem:$0x230];
	v6 =	vperm.xlane v6, v1;
	v9 =	vperm.xlane v9, v1  }
0x2b: {  	v51 =	vld.msk [tilespmem:$0x240], $0xff;
	v44 =	vperm.xlane v39, v0;
	v15 =	vperm.xlane v11, v0  }
0x2c: {  	v55 =	vld [tilespmem:$0x80];
	v45 =	vperm.xlane v11, v1;
	v49 =	vperm.xlane v12, v0  }
0x2d: {  	v56 =	vld [tilespmem:$0x90];
	v50 =	vperm.xlane v14, v0;
	v52 =	vperm.xlane v41, v0  }
0x2e: {  	v58 =	vld [tilespmem:$0xA0];
	v16 =	vperm.xlane v43, v0;
	v53 =	vperm.xlane v12, v1  }
0x2f: {  	v18 =	vld [tilespmem:$0xB0];
	v54 =	vperm.xlane v14, v1;
	v59 =	vperm.xlane v47, v0  }
0x30: {  	v63 =	vld [tilespmem:$0xC0];
	v17 =	vperm.xlane v51, v0;
	v61 =	vperm.xlane v47, v1  }
0x31: {  	v25 =	vld [tilespmem:$0xD0];
	v62 =	vperm.xlane v51, v1;
	v23 =	vperm.xlane v55, v0  }
0x32: {  	v21 =	vld [tilespmem:$0x290];
	v24 =	vperm.xlane v56, v0;
	v26 =	vperm.xlane v55, v1  }
0x33: {  	v4 =	vld [tilespmem:$0x20];
	v27 =	vperm.xlane v56, v1;
	v28 =	vperm.xlane v58, v0  }
0x34: {  	v29 =	vperm.xlane v18, v0;
	v33 =	vperm.xlane v58, v1  }
0x35: {  	v34 =	vperm.xlane v18, v1;
	v36 =	vperm.xlane v63, v0  }
0x36: {  	v20 =	vperm.xlane v25, v0;
	v11 =	vperm.xlane v63, v1  }
0x37: {  	v37 =	vperm.xlane v25, v1;
	v47 =	vperm.xlane v21, v1  }
0x38: {  	v19 =	vld [tilespmem:$0xE0];
	v7 =	vsel vm0, v7, v8;
	v2 =	vsel vm0, v2, v3;
	v3 =	vperm.xlane v4, v0  }
0x39: {  	v35 =	vld [tilespmem:$0x280];
	v4 =	vperm.xlane v4, v1;
	v42 =	vsel vm0, v40, v13;
	v6 =	vsel vm0, v6, v9  }
0x3a: {  	v22 =	vld [tilespmem:$0x2B0];
	v8 =	vperm.xlane v39, v1;
	v46 =	vsel vm0, v44, v15;
	v15 =	vsel vm0, v52, v16  }
0x3b: {  	v9 =	vsel vm0, v53, v54;
	v60 =	vsel vm1, v17, v59;
	v12 =	vsel vm0, v23, v24  }
0x3c: {  	v32 =	vld [tilespmem:$0xF0];
	v30 =	vsel vm0, v26, v27;
	v13 =	vsel vm0, v28, v29;
	v14 =	vsel vm0, v33, v34  }
0x3d: {  	v38 =	vsel vm0, v36, v20;
	v40 =	vperm.xlane v19, v0;
	v19 =	vperm.xlane v19, v1  }
0x3e: {  	v11 =	vsel vm0, v11, v37;
	v44 =	vperm.xlane v21, v0;
	v16 =	vperm.xlane v35, v1  }
0x3f: {  	v52 =	vperm.xlane v22, v0;
	v22 =	vperm.xlane v22, v1;
	v7 =	vmul.u32 $0xA, v7  }
0x40: {  	v25 =	vld [tilespmem:$0x140];
	v57 =	vmul.u32 $0xA, v15;
	v31 =	vmul.u32 $0xA, v12;
	v13 =	vmul.u32 $0xA, v13  }
0x41: {  	v58 =	vld [tilespmem:$0x150];
	v12 =	vperm.xlane v32, v1;
	v3 =	vsel vm0, v3, v10;
	v4 =	vsel vm0, v4, v5  }
0x42: {  	v48 =	vsel vm0, v8, v45;
	v5 =	vperm.xlane v41, v1;
	v10 =	vperm.xlane v43, v1  }
0x43: {  	v8 =	vsel vm0, v49, v50;
	v41 =	vperm.xlane v32, v0;
	v43 =	vperm.xlane v35, v0  }
0x44: {  	v39 =	vld [tilespmem:$0x2A0];
	v16 =	vsel vm0, v16, v47;
	v2 =	vadd.s32 v7, v2;
	v3 =	vmul.u32 $0xA, v3  }
0x45: {  	v24 =	vld [tilespmem:$0x110];
	v7 =	vmul.u32 $0xA, v42;
	v8 =	vmul.u32 $0xA, v8;
	v33 =	vperm.xlane v25, v0  }
0x46: {  	v54 =	vld [tilespmem:$0x130];
	v12 =	vsel vm0, v19, v12;
	v34 =	vperm.xlane v58, v0;
	v25 =	vperm.xlane v25, v1  }
0x47: {  	v27 =	vld [tilespmem:$0x170];
	v5 =	vsel vm0, v5, v10;
	v10 =	vadd.s32 v13, v14;
	v13 =	vmul.u32 $0xA, v38  }
0x48: {  	v15 =	vsel vm0, v40, v41;
	v17 =	vsel vm0, v43, v44;
	v4 =	vadd.s32 v3, v4  }
0x49: {  	v51 =	vld [tilespmem:$0x120];
	v3 =	vadd.s32 v7, v6;
	v6 =	vmul.u32 $0xA, v46;
	v49 =	vperm.xlane v39, v0  }
0x4a: {  	v35 =	vld [tilespmem:$0x310];
	v5 =	vadd.s32 v57, v5;
	v14 =	vperm.xlane v39, v1;
	v56 =	vperm.xlane v24, v0  }
0x4b: {  	v42 =	vld [tilespmem:$0x2B0];
	v45 =	vmul.u32 $0xA, v15;
	v59 =	vperm.xlane v24, v1;
	v26 =	vperm.xlane v54, v0  }
0x4c: {  	v63 =	vld [tilespmem:$0x300];
	v17 =	vmul.u32 $0xA, v17;
	v21 =	vperm.xlane v54, v1;
	v37 =	vperm.xlane v27, v0  }
0x4d: {  	v41 =	vld [tilespmem:$0x330];
	v40 =	vperm.xlane v27, v1;
	v11 =	vadd.s32 v13, v11;
	v7 =	vadd.s32 v6, v48  }
0x4e: {  	v44 =	vld [tilespmem:$0x180];
	v6 =	vadd.s32 v8, v9;
	v9 =	vsel vm1, v62, v61;
	v61 =	vperm.xlane v51, v0  }
0x4f: {  	v46 =	vld.msk [tilespmem:$0x2C0], $0xff;
	v13 =	vadd.s32 v17, v16;
	v17 =	vperm.xlane v51, v1;
	v29 =	vperm.xlane v35, v0  }
0x50: {  	v28 =	vld [tilespmem:$0x320];
	v8 =	vmul.u32 $0xA, v60;
	v24 =	vperm.xlane v35, v1;
	v23 =	vperm.xlane v42, v0  }
0x51: {  	v39 =	vld [tilespmem:$0x330];
	v12 =	vadd.s32 v45, v12;
	v18 =	vperm.xlane v42, v1;
	v42 =	vperm.xlane v63, v0  }
0x52: {  	v8 =	vadd.s32 v8, v9;
	v9 =	vadd.s32 v31, v30;
	v62 =	vsel vm0, v61, v26  }
0x53: {  	v32 =	vld [tilespmem:$0x1E0];
	v17 =	vsel vm0, v17, v21;
	v21 =	vsel vm0, v33, v34;
	v51 =	vperm.xlane v41, v0  }
0x54: {  	v48 =	vld [tilespmem:$0x100];
	v61 =	vperm.xlane v44, v0;
	v50 =	vsel vm0, v49, v23;
	v53 =	vperm.xlane v46, v0  }
0x55: {  	v60 =	vld [tilespmem:$0x160];
	v14 =	vsel vm0, v14, v18;
	v15 =	vperm.xlane v46, v1;
	v46 =	vperm.xlane v28, v0  }
0x56: {  	v38 =	vmul.u32 $0xA, v21;
	v47 =	vperm.xlane v39, v0;
	v49 =	vperm.xlane v28, v1  }
0x57: {  	[tilespmem:$0x420] =	vst v3;
	v43 =	vsel vm0, v42, v29;
	v21 =	vperm.xlane v39, v1;
	v29 =	vperm.xlane v44, v1  }
0x58: {  	[tilespmem:$0x460] =	vst v8;
	v8 =	vperm.xlane v32, v1;
	v16 =	vmul.u32 $0xA, v50;
	v3 =	vmul.u32 $0xA, v43  }
0x59: {  	v30 =	vld.msk [tilespmem:$0x340], $0xff;
	v18 =	vsel vm1, v53, v52;
	v55 =	vperm.xlane v48, v0;
	v20 =	vperm.xlane v48, v1  }
0x5a: {  	v15 =	vsel vm1, v15, v22;
	v36 =	vperm.xlane v60, v0;
	v23 =	vperm.xlane v60, v1  }
0x5b: {  	v50 =	vsel vm0, v46, v47;
	v54 =	vsel vm0, v49, v21;
	v46 =	vperm.xlane v32, v0  }
0x5c: {  	v14 =	vadd.s32 v16, v14;
	v57 =	vmul.u32 $0xA, v18;
	v18 =	vperm.xlane v58, v1  }
0x5d: {  	v42 =	vld [tilespmem:$0x390];
	v58 =	vperm.xlane v41, v1;
	v19 =	vsel vm0, v55, v56;
	v20 =	vsel vm0, v20, v59  }
0x5e: {  	v48 =	vld [tilespmem:$0x190];
	v22 =	vsel vm0, v36, v37;
	v23 =	vsel vm0, v23, v40;
	v52 =	vperm.xlane v30, v0  }
0x5f: {  	[tilespmem:$0x400] =	vst v2;
	v53 =	vld [tilespmem:$0x1A0];
	v55 =	vmul.u32 $0xA, v50;
	v59 =	vperm.xlane v30, v1;
	v19 =	vmul.u32 $0xA, v19  }
0x60: {  	[tilespmem:$0x490] =	vst v10;
	v60 =	vld [tilespmem:$0x1C0];
	v15 =	vadd.s32 v57, v15;
	v18 =	vsel vm0, v25, v18;
	v22 =	vmul.u32 $0xA, v22  }
0x61: {  	[tilespmem:$0x410] =	vst v4;
	v2 =	vadd.s32 v38, v18;
	v57 =	vsel vm1, v52, v51;
	v28 =	vsel vm1, v59, v58  }
0x62: {  	[tilespmem:$0x450] =	vst v5;
	v56 =	vld [tilespmem:$0x1B0];
	v4 =	vadd.s32 v55, v54;
	v55 =	vperm.xlane v42, v0;
	v16 =	vadd.s32 v19, v20  }
0x63: {  	[tilespmem:$0x4A0] =	vst v11;
	v36 =	vld [tilespmem:$0x1F0];
	v19 =	vmul.u32 $0xA, v62;
	v20 =	vperm.xlane v63, v1;
	v62 =	vperm.xlane v48, v0  }
0x64: {  	[tilespmem:$0x430] =	vst v7;
	v40 =	vld [tilespmem:$0x380];
	v18 =	vadd.s32 v22, v23;
	v30 =	vperm.xlane v48, v1;
	v34 =	vperm.xlane v53, v0  }
0x65: {  	[tilespmem:$0x440] =	vst v6;
	v50 =	vld [tilespmem:$0x3B0];
	v5 =	vmul.u32 $0xA, v57;
	v37 =	vperm.xlane v53, v1;
	v38 =	vperm.xlane v60, v0  }
0x66: {  	[tilespmem:$0x4B0] =	vst v12;
	v43 =	vperm.xlane v60, v1;
	v17 =	vadd.s32 v19, v17;
	v45 =	vsel vm0, v20, v24  }
0x67: {  	[tilespmem:$0x4C0] =	vst v13;
	v5 =	vadd.s32 v5, v28;
	v35 =	vperm.xlane v56, v0;
	v7 =	vperm.xlane v56, v1  }
0x68: {  	[tilespmem:$0x480] =	vst v9;
	v63 =	vld [tilespmem:$0x1D0];
	v31 =	vsel vm0, v61, v62;
	v47 =	vperm.xlane v36, v0;
	v49 =	vperm.xlane v36, v1  }
0x69: {  	[tilespmem:$0x4D0] =	vst v14;
	v48 =	vld [tilespmem:$0x3B0];
	v33 =	vsel vm0, v29, v30;
	v54 =	vperm.xlane v40, v0;
	v56 =	vperm.xlane v40, v1  }
0x6a: {  	[tilespmem:$0x4E0] =	vst v15;
	v53 =	vld.msk [tilespmem:$0x3C0], $0xff;
	v62 =	vperm.xlane v50, v0;
	v14 =	vperm.xlane v50, v1;
	v3 =	vadd.s32 v3, v45  }
0x6b: {  	[tilespmem:$0x520] =	vst v2;
	v6 =	vmul.u32 $0xA, v31;
	v10 =	vsel vm0, v34, v35;
	v7 =	vsel vm0, v37, v7  }
0x6c: {  	[tilespmem:$0x550] =	vst v4;
	v45 =	vld [tilespmem:$0x3A0];
	v52 =	vsel vm0, v46, v47;
	v8 =	vsel vm0, v8, v49;
	v57 =	vsel vm0, v54, v55  }
0x6d: {  	[tilespmem:$0x500] =	vst v16;
	v39 =	vperm.xlane v63, v0;
	v6 =	vadd.s32 v6, v33;
	v41 =	vmul.u32 $0xA, v10  }
0x6e: {  	[tilespmem:$0x540] =	vst v3;
	v44 =	vperm.xlane v63, v1;
	v3 =	vmul.u32 $0xA, v52;
	v10 =	vperm.xlane v42, v1  }
0x6f: {  	[tilespmem:$0x530] =	vst v18;
	v59 =	vperm.xlane v48, v0;
	v4 =	vmul.u32 $0xA, v57;
	v63 =	vperm.xlane v53, v0  }
0x70: {  	[tilespmem:$0x510] =	vst v17;
	v15 =	vperm.xlane v53, v1;
	v11 =	vsel vm0, v38, v39;
	v12 =	vsel vm0, v43, v44  }
0x71: {  	[tilespmem:$0x560] =	vst v5;
	v2 =	vadd.s32 v41, v7;
	v11 =	vmul.u32 $0xA, v11;
	v58 =	vperm.xlane v45, v0  }
0x72: {  	v3 =	vadd.s32 v3, v8;
	v60 =	vsel vm0, v56, v10;
	[tilespmem:$0x590] =	vst v2;
	v2 =	vperm.xlane v45, v1  }
0x73: {  	[tilespmem:$0x580] =	vst v6;
	v51 =	vadd.s32 v11, v12;
	v61 =	vsel vm0, v58, v59;
	v12 =	vperm.xlane v48, v1  }
0x74: {  	v13 =	vsel vm1, v63, v62;
	[tilespmem:$0x5B0] =	vst v3;
	v3 =	vadd.s32 v4, v60;
	v6 =	vmul.u32 $0xA, v61  }
0x75: {  	v16 =	vmul.u32 $0xA, v13;
	[tilespmem:$0x5C0] =	vst v3;
	v2 =	vsel vm0, v2, v12  }
0x76: {  	v3 =	vsel vm1, v15, v14;
	[tilespmem:$0x5A0] =	vst v51;
	v2 =	vadd.s32 v6, v2  }
0x77: {  	p1 =	seq.s32 s29, $0x0;
	[tilespmem:$0x5D0] =	vst v2;
	v2 =	vadd.s32 v16, v3  }
0x78: {  	s31 =	simm.s32 @!p1 $0x2;
	[tilespmem:$0x5E0] =	vst v2  }
0x79: {  	_ =	swait.ge @!p1 [sflag:s31], $0xC800  }
0x7a: {  	[sflag:s31] =	ssyncset.done @!p1 $0x0  }
0x7b: {  	[sflag:s31] =	ssyncadd.s32 @!p1 $0xFFFF3800  }
0x7c: {  	[tilespmem:s12], [sflag:$0x1] =	stream.indirect.gather [spmem:s2], $0x80, s9, s11, $0xb8;
	[tilespmem:$0x19920] =	vst v63  }
0x7d: {  	_ = 	snop  }
0x7e: {  	[tilespmem:s14], [sflag:$0x1] =	stream.indirect.gather [spmem:s2], $0x80, s13, s11, $0xb8;
	[tilespmem:$0x19920] =	vst v63  }
0x7f: {  	_ = 	snop  }
0x80: {  	[tilespmem:s16], [sflag:$0x1] =	stream.indirect.gather [spmem:s2], $0x80, s15, s11, $0xb8;
	[tilespmem:$0x19920] =	vst v63  }
0x81: {  	_ = 	snop  }
0x82: {  	[tilespmem:s18], [sflag:$0x1] =	stream.indirect.gather [spmem:s2], $0x80, s17, s11, $0xb8;
	[tilespmem:$0x19920] =	vst v63  }
0x83: {  	_ =	swait.ge [sflag:s19], $0x3200  }
0x84: {  	[sflag:s19] =	ssyncset.done $0x0  }
0x85: {  	[sflag:s19] =	ssyncadd.s32 $0xFFFFCE00  }
0x86: {  	_ =	swait.ge [sflag:s19], $0x3200  }
0x87: {  	[sflag:s19] =	ssyncset.done $0x0  }
0x88: {  	[sflag:s19] =	ssyncadd.s32 $0xFFFFCE00  }
0x89: {  	_ =	swait.ge [sflag:s19], $0x3200  }
0x8a: {  	[sflag:s19] =	ssyncset.done $0x0  }
0x8b: {  	[sflag:s19] =	ssyncadd.s32 $0xFFFFCE00  }
0x8c: {  	_ =	swait.ge [sflag:s19], $0x3200  }
0x8d: {  	[sflag:s19] =	ssyncset.done $0x0  }
0x8e: {  	s31 =	sadd.s32 $0xFFFFE700, s28;
	[sflag:s19] =	ssyncadd.s32 $0xFFFFCE00  }
0x8f: {  	[hbm4b:s31+s3] =	stream.linear.scatter [tilespmem:s12], [sflag:$0x2], $0xC800, $0x38;
	[tilespmem:$0x19920] =	vst v63  }
0x90: {  	s30 =	sadd.s32 $0x40, s30  }
0x91: {  	[tilespmem:s3], [sflag:$0x4] =	stream.strided.gather [hbm4b:s30+s8], $0x400, s9, s8, $0x38;
	[tilespmem:$0x19920] =	vst v63  }
0x92: {  	_ =	swait.ge [sflag:s10], $0x400  }
0x93: {  	[sflag:s10] =	ssyncset.done $0x0  }
0x94: {  	[sflag:s10] =	ssyncadd.s32 $0xFFFFFC00  }
0x95: {  	v2 =	vld [tilespmem:$0x0]  }
0x96: {  	v3 =	vld [tilespmem:$0x10]  }
0x97: {  	v17 =	vld [tilespmem:$0x20]  }
0x98: {  	v18 =	vld [tilespmem:$0x30]  }
0x99: {  	v21 =	vld [tilespmem:$0x40]  }
0x9a: {  	v22 =	vld [tilespmem:$0x50]  }
0x9b: {  	v25 =	vld [tilespmem:$0x60]  }
0x9c: {  	v26 =	vld [tilespmem:$0x70];
	v19 =	vperm.xlane v2, v0;
	v20 =	vperm.xlane v3, v0  }
0x9d: {  	v27 =	vld [tilespmem:$0x200];
	v2 =	vperm.xlane v2, v1;
	v3 =	vperm.xlane v3, v1  }
0x9e: {  	v28 =	vld [tilespmem:$0x210];
	v23 =	vperm.xlane v17, v0;
	v24 =	vperm.xlane v18, v0  }
0x9f: {  	v35 =	vld [tilespmem:$0x220];
	v4 =	vperm.xlane v17, v1;
	v5 =	vperm.xlane v18, v1  }
0xa0: {  	v37 =	vld [tilespmem:$0x230];
	v29 =	vperm.xlane v21, v0;
	v30 =	vperm.xlane v22, v0  }
0xa1: {  	v40 =	vld [tilespmem:$0x230];
	v31 =	vperm.xlane v21, v1;
	v32 =	vperm.xlane v22, v1  }
0xa2: {  	v41 =	vld.msk [tilespmem:$0x240], $0xff;
	v33 =	vperm.xlane v25, v0;
	v34 =	vperm.xlane v26, v0  }
0xa3: {  	v42 =	vld [tilespmem:$0x80];
	v36 =	vperm.xlane v25, v1;
	v38 =	vperm.xlane v27, v0  }
0xa4: {  	v44 =	vld [tilespmem:$0x90];
	v39 =	vperm.xlane v28, v0;
	v10 =	vperm.xlane v27, v1  }
0xa5: {  	v50 =	vld [tilespmem:$0xA0];
	v45 =	vperm.xlane v35, v0;
	v46 =	vperm.xlane v37, v0  }
0xa6: {  	v53 =	vld [tilespmem:$0xB0];
	v47 =	vperm.xlane v35, v1;
	v11 =	vperm.xlane v37, v1  }
0xa7: {  	v56 =	vld [tilespmem:$0xC0];
	v48 =	vperm.xlane v40, v0;
	v49 =	vperm.xlane v41, v0  }
0xa8: {  	v57 =	vld [tilespmem:$0xD0];
	v51 =	vperm.xlane v40, v1;
	v52 =	vperm.xlane v41, v1  }
0xa9: {  	v58 =	vld [tilespmem:$0xE0];
	v54 =	vperm.xlane v42, v0;
	v55 =	vperm.xlane v44, v0  }
0xaa: {  	v14 =	vperm.xlane v42, v1;
	v61 =	vperm.xlane v50, v0  }
0xab: {  	v62 =	vperm.xlane v53, v0;
	v63 =	vperm.xlane v50, v1  }
0xac: {  	v21 =	vperm.xlane v53, v1;
	v22 =	vperm.xlane v56, v0  }
0xad: {  	v25 =	vperm.xlane v56, v1;
	v15 =	vperm.xlane v57, v1  }
0xae: {  	v27 =	vperm.xlane v58, v0;
	v17 =	vperm.xlane v58, v1  }
0xaf: {  	v6 =	vsel vm0, v19, v20;
	v2 =	vsel vm0, v2, v3;
	v7 =	vsel vm0, v23, v24  }
0xb0: {  	v60 =	vld [tilespmem:$0xF0];
	v4 =	vsel vm0, v4, v5;
	v5 =	vsel vm0, v29, v30;
	v9 =	vsel vm0, v33, v34  }
0xb1: {  	v41 =	vld [tilespmem:$0x110];
	v12 =	vsel vm0, v38, v39;
	v23 =	vperm.xlane v57, v0;
	v13 =	vsel vm0, v25, v15  }
0xb2: {  	v24 =	vld [tilespmem:$0x280];
	v3 =	vmul.u32 $0xA, v6;
	v6 =	vperm.xlane v26, v1;
	v5 =	vmul.u32 $0xA, v5  }
0xb3: {  	v29 =	vld [tilespmem:$0x2A0];
	v9 =	vmul.u32 $0xA, v9;
	v43 =	vmul.u32 $0xA, v12;
	v12 =	vsel vm0, v54, v55  }
0xb4: {  	v30 =	vld [tilespmem:$0x2B0];
	v59 =	vmul.u32 $0xA, v12;
	v12 =	vsel vm0, v61, v62;
	v2 =	vadd.s32 v3, v2  }
0xb5: {  	v39 =	vld [tilespmem:$0x100];
	v3 =	vmul.u32 $0xA, v7;
	v8 =	vsel vm0, v36, v6;
	v7 =	vperm.xlane v28, v1  }
0xb6: {  	v56 =	vld [tilespmem:$0x170];
	v28 =	vperm.xlane v60, v0;
	v12 =	vmul.u32 $0xA, v12;
	v50 =	vperm.xlane v41, v0  }
0xb7: {  	v3 =	vadd.s32 v3, v4;
	v4 =	vsel vm0, v31, v32;
	v34 =	vperm.xlane v24, v0  }
0xb8: {  	v7 =	vsel vm0, v10, v7;
	v36 =	vperm.xlane v24, v1;
	v37 =	vperm.xlane v29, v0  }
0xb9: {  	v26 =	vld [tilespmem:$0x290];
	v10 =	vsel vm1, v49, v48;
	v38 =	vperm.xlane v30, v0;
	v40 =	vperm.xlane v29, v1  }
0xba: {  	v33 =	vld.msk [tilespmem:$0x2C0], $0xff;
	v16 =	vsel vm0, v27, v28;
	v15 =	vperm.xlane v30, v1;
	v49 =	vperm.xlane v39, v0  }
0xbb: {  	v54 =	vld [tilespmem:$0x160];
	v24 =	vperm.xlane v56, v1;
	v6 =	vadd.s32 v5, v4;
	v4 =	vadd.s32 v9, v8  }
0xbc: {  	v5 =	vadd.s32 v43, v7;
	v9 =	vsel vm0, v45, v46;
	v7 =	vsel vm0, v47, v11  }
0xbd: {  	v10 =	vmul.u32 $0xA, v10;
	v11 =	vsel vm1, v52, v51;
	v8 =	vperm.xlane v44, v1  }
0xbe: {  	v32 =	vmul.u32 $0xA, v16;
	v35 =	vperm.xlane v26, v0;
	v18 =	vperm.xlane v26, v1  }
0xbf: {  	v31 =	vld [tilespmem:$0x2B0];
	v43 =	vperm.xlane v33, v0;
	v51 =	vperm.xlane v39, v1;
	v9 =	vmul.u32 $0xA, v9  }
0xc0: {  	v48 =	vld [tilespmem:$0x150];
	v30 =	vperm.xlane v54, v0;
	v15 =	vsel vm0, v40, v15;
	v8 =	vsel vm0, v14, v8  }
0xc1: {  	v44 =	vld [tilespmem:$0x120];
	v14 =	vsel vm0, v22, v23;
	v16 =	vsel vm0, v34, v35;
	v9 =	vadd.s32 v9, v7  }
0xc2: {  	v45 =	vld [tilespmem:$0x130];
	v7 =	vadd.s32 v10, v11;
	v8 =	vadd.s32 v59, v8;
	v10 =	vsel vm0, v63, v21  }
0xc3: {  	v46 =	vld [tilespmem:$0x140];
	v14 =	vmul.u32 $0xA, v14;
	v11 =	vperm.xlane v60, v1;
	v21 =	vperm.xlane v41, v1  }
0xc4: {  	v61 =	vld [tilespmem:$0x320];
	v16 =	vmul.u32 $0xA, v16;
	v42 =	vperm.xlane v31, v0;
	v20 =	vperm.xlane v31, v1  }
0xc5: {  	v29 =	vld [tilespmem:$0x380];
	v10 =	vadd.s32 v12, v10;
	v58 =	vperm.xlane v48, v0;
	v31 =	vperm.xlane v56, v0  }
0xc6: {  	v12 =	vadd.s32 v14, v13;
	v14 =	vperm.xlane v33, v1;
	v52 =	vperm.xlane v44, v0  }
0xc7: {  	v40 =	vld [tilespmem:$0x180];
	v11 =	vsel vm0, v17, v11;
	v53 =	vperm.xlane v45, v0;
	v55 =	vperm.xlane v44, v1  }
0xc8: {  	v13 =	vsel vm0, v36, v18;
	v18 =	vperm.xlane v45, v1;
	v57 =	vperm.xlane v46, v0  }
0xc9: {  	v17 =	vsel vm0, v37, v38;
	v23 =	vperm.xlane v46, v1;
	v38 =	vperm.xlane v61, v0  }
0xca: {  	v35 =	vld [tilespmem:$0x330];
	[tilespmem:$0x490] =	vst v10;
	v10 =	vperm.xlane v29, v1;
	v11 =	vadd.s32 v32, v11;
	v17 =	vmul.u32 $0xA, v17  }
0xcb: {  	v59 =	vld [tilespmem:$0x300];
	v19 =	vsel vm1, v43, v42;
	v13 =	vadd.s32 v16, v13;
	v32 =	vperm.xlane v54, v1  }
0xcc: {  	v60 =	vld [tilespmem:$0x310];
	v16 =	vsel vm0, v51, v21;
	v43 =	vperm.xlane v61, v1;
	v54 =	vperm.xlane v40, v0  }
0xcd: {  	v63 =	vld [tilespmem:$0x330];
	v47 =	vmul.u32 $0xA, v19;
	v14 =	vsel vm1, v14, v20;
	v19 =	vsel vm0, v49, v50  }
0xce: {  	v41 =	vld [tilespmem:$0x190];
	v20 =	vsel vm0, v52, v53;
	v18 =	vsel vm0, v55, v18;
	v22 =	vsel vm0, v57, v58  }
0xcf: {  	v50 =	vperm.xlane v35, v1;
	v57 =	vperm.xlane v40, v1;
	v15 =	vadd.s32 v17, v15  }
0xd0: {  	v56 =	vld [tilespmem:$0x1D0];
	v19 =	vmul.u32 $0xA, v19;
	v17 =	vperm.xlane v48, v1;
	v33 =	vperm.xlane v59, v0  }
0xd1: {  	v20 =	vmul.u32 $0xA, v20;
	v34 =	vperm.xlane v60, v0;
	v36 =	vperm.xlane v59, v1  }
0xd2: {  	v62 =	vmul.u32 $0xA, v22;
	v21 =	vperm.xlane v60, v1;
	v39 =	vperm.xlane v63, v0  }
0xd3: {  	v37 =	vld.msk [tilespmem:$0x340], $0xff;
	v22 =	vsel vm0, v30, v31;
	v48 =	vperm.xlane v35, v0;
	v55 =	vperm.xlane v41, v0  }
0xd4: {  	[tilespmem:$0x410] =	vst v3;
	v44 =	vld [tilespmem:$0x1A0];
	v58 =	vperm.xlane v41, v1;
	v14 =	vadd.s32 v47, v14;
	v3 =	vmul.u32 $0xA, v22  }
0xd5: {  	[tilespmem:$0x400] =	vst v2;
	v46 =	vld [tilespmem:$0x1B0];
	v40 =	vperm.xlane v56, v1;
	v16 =	vadd.s32 v19, v16;
	v18 =	vadd.s32 v20, v18  }
0xd6: {  	[tilespmem:$0x420] =	vst v6;
	v17 =	vsel vm0, v23, v17;
	v19 =	vsel vm0, v32, v24;
	v2 =	vsel vm0, v33, v34  }
0xd7: {  	[tilespmem:$0x430] =	vst v4;
	v21 =	vsel vm0, v36, v21;
	v42 =	vsel vm0, v38, v39;
	v20 =	vperm.xlane v63, v1  }
0xd8: {  	[tilespmem:$0x440] =	vst v5;
	v49 =	vperm.xlane v37, v0;
	v51 =	vperm.xlane v37, v1;
	v60 =	vsel vm0, v54, v55  }
0xd9: {  	[tilespmem:$0x480] =	vst v8;
	v52 =	vld [tilespmem:$0x1C0];
	v61 =	vperm.xlane v44, v0;
	v8 =	vsel vm0, v57, v58;
	v31 =	vperm.xlane v44, v1  }
0xda: {  	[tilespmem:$0x450] =	vst v9;
	v59 =	vld [tilespmem:$0x1E0];
	v6 =	vperm.xlane v46, v1;
	v37 =	vperm.xlane v56, v0;
	v17 =	vadd.s32 v62, v17  }
0xdb: {  	[tilespmem:$0x460] =	vst v7;
	v35 =	vld [tilespmem:$0x3A0];
	v2 =	vmul.u32 $0xA, v2;
	v3 =	vadd.s32 v3, v19;
	v45 =	vmul.u32 $0xA, v42  }
0xdc: {  	[tilespmem:$0x4A0] =	vst v12;
	v41 =	vld [tilespmem:$0x3B0];
	v62 =	vperm.xlane v46, v0;
	v28 =	vmul.u32 $0xA, v60;
	v47 =	vsel vm0, v43, v20  }
0xdd: {  	[tilespmem:$0x4B0] =	vst v11;
	v63 =	vld [tilespmem:$0x1F0];
	v53 =	vsel vm1, v49, v48;
	v5 =	vsel vm1, v51, v50;
	v6 =	vsel vm0, v31, v6  }
0xde: {  	[tilespmem:$0x4C0] =	vst v13;
	v32 =	vld [tilespmem:$0x390];
	v36 =	vperm.xlane v52, v0;
	v39 =	vperm.xlane v52, v1;
	v2 =	vadd.s32 v2, v21  }
0xdf: {  	[tilespmem:$0x4D0] =	vst v15;
	v38 =	vld [tilespmem:$0x3B0];
	v4 =	vadd.s32 v45, v47;
	v7 =	vmul.u32 $0xA, v53;
	v42 =	vperm.xlane v59, v0  }
0xe0: {  	[tilespmem:$0x4E0] =	vst v14;
	v44 =	vld.msk [tilespmem:$0x3C0], $0xff;
	v30 =	vsel vm0, v61, v62;
	v45 =	vperm.xlane v59, v1;
	v47 =	vperm.xlane v29, v0  }
0xe1: {  	[tilespmem:$0x500] =	vst v16;
	v33 =	vadd.s32 v28, v8;
	v52 =	vperm.xlane v41, v0;
	v58 =	vperm.xlane v35, v1  }
0xe2: {  	[tilespmem:$0x510] =	vst v18;
	v60 =	vperm.xlane v41, v1;
	v34 =	vmul.u32 $0xA, v30;
	v11 =	vsel vm0, v36, v37  }
0xe3: {  	[tilespmem:$0x520] =	vst v17;
	v8 =	vsel vm0, v39, v40;
	v43 =	vperm.xlane v63, v0;
	v46 =	vperm.xlane v63, v1  }
0xe4: {  	[tilespmem:$0x530] =	vst v3;
	v5 =	vadd.s32 v7, v5;
	v48 =	vperm.xlane v32, v0;
	v49 =	vperm.xlane v32, v1  }
0xe5: {  	[tilespmem:$0x540] =	vst v2;
	v11 =	vmul.u32 $0xA, v11;
	v50 =	vperm.xlane v38, v0;
	v53 =	vperm.xlane v44, v0  }
0xe6: {  	[tilespmem:$0x550] =	vst v4;
	v59 =	vperm.xlane v38, v1;
	v61 =	vperm.xlane v44, v1;
	v3 =	vsel vm0, v42, v43  }
0xe7: {  	[tilespmem:$0x580] =	vst v33;
	v6 =	vadd.s32 v34, v6;
	v2 =	vmul.u32 $0xA, v3;
	v3 =	vperm.xlane v35, v0  }
0xe8: {  	[tilespmem:$0x560] =	vst v5;
	v51 =	vsel vm0, v45, v46;
	v54 =	vadd.s32 v11, v8;
	v55 =	vsel vm0, v47, v48  }
0xe9: {  	v56 =	vsel vm0, v10, v49;
	[tilespmem:$0x590] =	vst v6;
	v4 =	vmul.u32 $0xA, v55;
	v3 =	vsel vm0, v3, v50  }
0xea: {  	v57 =	vsel vm1, v53, v52;
	[tilespmem:$0x5A0] =	vst v54;
	v2 =	vadd.s32 v2, v51;
	v3 =	vmul.u32 $0xA, v3  }
0xeb: {  	v62 =	vsel vm0, v58, v59;
	v63 =	vmul.u32 $0xA, v57;
	[tilespmem:$0x5B0] =	vst v2;
	v2 =	vadd.s32 v4, v56  }
0xec: {  	[tilespmem:$0x5C0] =	vst v2;
	v2 =	vadd.s32 v3, v62;
	v3 =	vsel vm1, v61, v60  }
0xed: {  	[tilespmem:$0x5D0] =	vst v2;
	v2 =	vadd.s32 v63, v3  }
0xee: {  	s30 =	simm.s32 @!p1 $0x3;
	[tilespmem:$0x5E0] =	vst v2  }
0xef: {  	_ =	swait.ge @!p1 [sflag:s30], $0xC800  }
0xf0: {  	[sflag:s30] =	ssyncset.done @!p1 $0x0  }
0xf1: {  	[sflag:s30] =	ssyncadd.s32 @!p1 $0xFFFF3800  }
0xf2: {  	[tilespmem:s20], [sflag:$0x1] =	stream.indirect.gather [spmem:s2], $0x80, s9, s11, $0xb8;
	[tilespmem:$0x19920] =	vst v63  }
0xf3: {  	_ = 	snop  }
0xf4: {  	[tilespmem:s21], [sflag:$0x1] =	stream.indirect.gather [spmem:s2], $0x80, s13, s11, $0xb8;
	[tilespmem:$0x19920] =	vst v63  }
0xf5: {  	_ = 	snop  }
0xf6: {  	[tilespmem:s22], [sflag:$0x1] =	stream.indirect.gather [spmem:s2], $0x80, s15, s11, $0xb8;
	[tilespmem:$0x19920] =	vst v63  }
0xf7: {  	_ = 	snop  }
0xf8: {  	[tilespmem:s23], [sflag:$0x1] =	stream.indirect.gather [spmem:s2], $0x80, s17, s11, $0xb8;
	[tilespmem:$0x19920] =	vst v63  }
0xf9: {  	_ =	swait.ge [sflag:s19], $0x3200  }
0xfa: {  	[sflag:s19] =	ssyncset.done $0x0  }
0xfb: {  	[sflag:s19] =	ssyncadd.s32 $0xFFFFCE00  }
0xfc: {  	_ =	swait.ge [sflag:s19], $0x3200  }
0xfd: {  	[sflag:s19] =	ssyncset.done $0x0  }
0xfe: {  	[sflag:s19] =	ssyncadd.s32 $0xFFFFCE00  }
0xff: {  	_ =	swait.ge [sflag:s19], $0x3200  }
0x100: {  	s29 =	sadd.s32 $0x100, s29;
	[sflag:s19] =	ssyncset.done $0x0  }
0x101: {  	p1 =	sne.s32 s29, $0x4000;
	[sflag:s19] =	ssyncadd.s32 $0xFFFFCE00  }
.Ltmp0:
0x102: {  	_ =	swait.ge [sflag:s19], $0x3200;
	(pc) =	sbr.rel @p1 .LBB2_2-.Ltmp0, $4  }
0x103: {  	[sflag:s19] =	ssyncset.done $0x0  }
0x104: {  	[sflag:s19] =	ssyncadd.s32 $0xFFFFCE00  }
0x105: {  	[hbm4b:s28+s3] =	stream.linear.scatter [tilespmem:s20], [sflag:$0x3], $0xC800, $0x38;
	[tilespmem:$0x19920] =	vst v63  }
0x106: {  	s28 =	sadd.s32 $0x3200, s28  }
0x107: {  	s26 =	sadd.s32 $0x1, s26  }
0x108: {  	_ =	swait.ge [sflag:s24], $0xC800;
	p1 =	sne.s32 s26, s4  }
.Ltmp1:
0x109: {  	[sflag:s24] =	ssyncset.done $0x0;
	(pc) =	sbr.rel @p1 .LBB2_1-.Ltmp1, $4  }
0x10a: {  	[sflag:s24] =	ssyncadd.s32 $0xFFFF3800  }
0x10b: {  	_ =	swait.ge [sflag:s25], $0xC800  }
0x10c: {  	[sflag:s25] =	ssyncset.done $0x0  }
0x10d: {  	[sflag:s25] =	ssyncadd.s32 $0xFFFF3800  }
0x10e: {  	_ =	sfence.sel $0x180000  }
0x10f: {  	[bflag:$0x0] =	sbarrier.arrive $0xFFFF  }
0x110: {  	_ =	strace $0x90000047  }
0x111: {  	s0 =	sadd.s32 @!p0 $0x100000, s0;
	[bflag:$0x2] =	sbarrier.arrive $0xFFFF  }
0x112: {  	[sflag:s0] =	ssyncadd.tile.s32 @!p0 $0x1;
	_ =	shalt  }
.Lfunc_end2:
_tile_overlayer_lowered:
.L_overlay_start_2:
0x113: {  	(tag) =	ssettag $0x2  }
0x114: {  	s0 =	rddreg [dreg:$0x0];
	s2 =	stileid.u32  }
0x115: {  	s1 =	rddreg [dreg:$0x1];
	p0 =	sne.s32 s2, $0x0  }
0x116: {  	s3 =	rddreg [dreg:$0x2];
	[bflag:$0x3] =	sbarrier.arrive $0xFFFF;
	s2 =	simm.s32 @!p0 $0x1C04  }
0x117: {  	[timem:s3], [sflag:s2] =	dma.local @!p0 [hbm:s0], s1  }
0x118: {  	s0 =	simm.s32 @!p0 $0x4  }
0x119: {  	_ =	swait.ge @!p0 [sflag:s0], s1  }
0x11a: {  	s1 =	ssub.s32 @!p0 $0x0, s1;
	[sflag:s0] =	ssyncset.done @!p0 $0x0  }
0x11b: {  	[sflag:s0] =	ssyncadd.s32 @!p0 s1  }
0x11c: {  	[bflag:$0x3] =	sbarrier.arrive $0xFFFF  }
0x11d: {  	_ =	shalt  }

</sc_bundles>
